<compile_context>
chip_gen: v7x
topology: tpu7x:2x2x1
jax: 0.10.2.dev20260603
libtpu: 0.0.44.dev20260713+nightly
codegen_flags: <defaults>
</compile_context>

<pallas_src>
import functools

import jax
import jax.numpy as jnp
from jax import lax
from jax.experimental import pallas as pl
from jax.experimental.pallas import tpu as pltpu
from jax.experimental.pallas import tpu_sc as plsc

N = 2048
D = 768
H = 2048
E = 8
EPS = 1e-06

B = 256
NB = N // B
NWORK = NB + E - 1

NC = 2
NS = 16
L = 16
NW = NC * NS
CHUNK = N // NW
NV = N // L
CV = CHUNK // L


def _sc_wid():
    return lax.axis_index("s") * NC + lax.axis_index("c")


def _routing_body(at_hbm, x_hbm,
                  pos_hbm, xs_hbm, ew_hbm, nb_hbm, val_hbm, st_hbm, en_hbm,
                  at_v, atc_v, xrows_v, pos_v, hist_pre, hist_tot,
                  base_v, off_v, lo_v, ws_v, ew_v, nb_v, out16_v, sem, sem2):
    wid = _sc_wid()
    base = wid * CHUNK
    cp_x = pltpu.async_copy(x_hbm.at[pl.ds(base, CHUNK)], xrows_v, sem2)
    pltpu.sync_copy(at_hbm, at_v)
    pltpu.sync_copy(at_hbm.at[pl.ds(base, CHUNK)], atc_v)
    zero = jnp.zeros((L,), jnp.int32)
    ones = jnp.full((L,), 1, jnp.int32)
    true_m = jnp.full((L,), True)
    hist_pre[...] = zero
    hist_tot[...] = zero
    myv0 = wid * CV
    for v in range(NV):
        a = at_v[pl.ds(v * L, L)]
        plsc.addupdate_scatter(hist_tot, [a], ones, mask=true_m)
        m = jnp.full((L,), v, jnp.int32) < myv0
        plsc.addupdate_scatter(hist_pre, [a], ones, mask=m)
    tot = hist_tot[...]
    excl = plsc.cumsum(tot) - tot
    base_v[...] = excl + hist_pre[...]
    for v in range(CV):
        a = atc_v[pl.ds(v * L, L)]
        bg = plsc.load_gather(base_v, [a])
        rank = jnp.zeros((L,), jnp.int32)
        for e in range(E):
            m = a == e
            c = plsc.cumsum(m.astype(jnp.int32)) - 1
            rank = jnp.where(m, c, rank)
        pos_v[pl.ds(v * L, L)] = bg + rank
        plsc.addupdate_scatter(base_v, [a], ones, mask=true_m)
    cp_pos = pltpu.async_copy(pos_v, pos_hbm.at[pl.ds(base, CHUNK)], sem)
    cp_x.wait()
    cp_xs = pltpu.async_copy(xrows_v, xs_hbm.at[pos_v], sem2)
    cp_pos.wait()
    cp_xs.wait()

    @pl.when(wid == 0)
    def _():
        lane = lax.iota(jnp.int32, L)
        off_v[...] = excl
        offp1 = plsc.load_gather(off_v, [jnp.minimum(lane + 1, L - 1)])
        lo = excl // B
        nonempty = (offp1 > excl) & (lane < E)
        hi = jnp.where(nonempty, (jnp.maximum(offp1, 1) - 1) // B, lo)
        nblk = jnp.where(nonempty, hi - lo + 1, 0)
        winc = plsc.cumsum(nblk)
        wstart = winc - nblk
        lo_v[...] = lo
        ws_v[...] = wstart
        cnt_v = out16_v
        cnt_v[...] = zero
        plsc.addupdate_scatter(cnt_v, [wstart], ones, mask=lane < E)
        acc = plsc.cumsum(cnt_v[...])
        ew_raw = acc - 1
        lo_g = plsc.load_gather(lo_v, [ew_raw])
        ws_g = plsc.load_gather(ws_v, [ew_raw])
        nb_raw = lo_g + lane - ws_g
        ew_v[...] = ew_raw
        nb_v[...] = nb_raw
        nwork = jnp.max(winc)
        valid = lane < nwork
        last_v = lane * 0 + jnp.maximum(nwork - 1, 0)
        ew_last = plsc.load_gather(ew_v, [last_v])
        nb_last = plsc.load_gather(nb_v, [last_v])
        ew = jnp.where(valid, ew_raw, ew_last)
        nb = jnp.where(valid, nb_raw, nb_last)
        st = plsc.load_gather(off_v, [ew])
        en = plsc.load_gather(off_v, [ew + 1])
        out16_v[...] = ew
        pltpu.sync_copy(out16_v, ew_hbm)
        out16_v[...] = nb
        pltpu.sync_copy(out16_v, nb_hbm)
        out16_v[...] = valid.astype(jnp.int32)
        pltpu.sync_copy(out16_v, val_hbm)
        out16_v[...] = st
        pltpu.sync_copy(out16_v, st_hbm)
        out16_v[...] = en
        pltpu.sync_copy(out16_v, en_hbm)


def _unsort_body(zs_hbm, pos_hbm, out_hbm, pos_v, rows_v,
                 sem_a, sem_b, sem_c, sem_d):
    wid = _sc_wid()
    base = wid * CHUNK
    hh = CHUNK // 2
    pltpu.sync_copy(pos_hbm.at[pl.ds(base, CHUNK)], pos_v)
    g0 = pltpu.async_copy(zs_hbm.at[pos_v.at[pl.ds(0, hh)]],
                          rows_v.at[pl.ds(0, hh)], sem_a)
    g1 = pltpu.async_copy(zs_hbm.at[pos_v.at[pl.ds(hh, hh)]],
                          rows_v.at[pl.ds(hh, hh)], sem_b)
    g0.wait()
    s0 = pltpu.async_copy(rows_v.at[pl.ds(0, hh)],
                          out_hbm.at[pl.ds(base, hh)], sem_c)
    g1.wait()
    s1 = pltpu.async_copy(rows_v.at[pl.ds(hh, hh)],
                          out_hbm.at[pl.ds(base + hh, hh)], sem_d)
    s0.wait()
    s1.wait()


def _sc_mesh():
    return plsc.VectorSubcoreMesh(core_axis_name="c", subcore_axis_name="s",
                                  num_cores=NC, num_subcores=NS)

_I16 = jax.ShapeDtypeStruct((L,), jnp.int32)


@jax.jit
def _routing_sc(at, x):
    return pl.kernel(
        _routing_body,
        out_type=(
            jax.ShapeDtypeStruct((N,), jnp.int32),
            jax.ShapeDtypeStruct((N, D), jnp.float32),
            _I16, _I16, _I16, _I16, _I16,
        ),
        mesh=_sc_mesh(),
        compiler_params=pltpu.CompilerParams(needs_layout_passes=False),
        scratch_types=[
            pltpu.VMEM((N,), jnp.int32),
            pltpu.VMEM((CHUNK,), jnp.int32),
            pltpu.VMEM((CHUNK, D), jnp.float32),
            pltpu.VMEM((CHUNK,), jnp.int32),
        ] + [pltpu.VMEM((L,), jnp.int32)] * 9 + [
            pltpu.SemaphoreType.DMA,
            pltpu.SemaphoreType.DMA,
        ],
    )(at, x)


@jax.jit
def _unsort_sc(zs, pos):
    return pl.kernel(
        _unsort_body,
        out_type=jax.ShapeDtypeStruct((N, D), jnp.float32),
        mesh=_sc_mesh(),
        compiler_params=pltpu.CompilerParams(needs_layout_passes=False),
        scratch_types=[
            pltpu.VMEM((CHUNK,), jnp.int32),
            pltpu.VMEM((CHUNK, D), jnp.float32),
            pltpu.SemaphoreType.DMA,
            pltpu.SemaphoreType.DMA,
            pltpu.SemaphoreType.DMA,
            pltpu.SemaphoreType.DMA,
        ],
    )(zs, pos)


def _mlp_body(ew_ref, nb_ref, val_ref, st_ref, en_ref,
              x_ref, W1_ref, b1_ref, W2_ref, b2_ref, g_ref, out_ref):
    w = pl.program_id(0)

    @pl.when(val_ref[w] == 1)
    def _():
        blk_lo = nb_ref[w] * B
        start = st_ref[w]
        end = en_ref[w]
        x = x_ref[...]
        p = jax.lax.dot_general(
            x, W1_ref[0], (((1,), (1,)), ((), ())),
            preferred_element_type=jnp.float32)
        p = p + b1_ref[0]
        proj = p[:, :H]
        gate = p[:, H:]
        h = proj * (gate * jax.lax.logistic(gate))
        y = jax.lax.dot_general(
            h, W2_ref[0], (((1,), (1,)), ((), ())),
            preferred_element_type=jnp.float32)
        y = y + b2_ref[0]
        z = x + y
        ms = jnp.mean(z * z, axis=-1, keepdims=True)
        z = z * jax.lax.rsqrt(ms + EPS) * g_ref[0]
        gid = blk_lo + jax.lax.broadcasted_iota(jnp.int32, (B, 1), 0)
        mask = (gid >= start) & (gid < end)
        out_ref[...] = jnp.where(mask, z, out_ref[...])


@functools.partial(jax.jit, static_argnames=("interpret",))
def _mlp_sorted(ew, nb, val, st, en, x_sorted, W1, b1, W2, b2, g,
                interpret=False):
    grid_spec = pltpu.PrefetchScalarGridSpec(
        num_scalar_prefetch=5,
        grid=(NWORK,),
        in_specs=[
            pl.BlockSpec((B, D), lambda w, ew, nb, val, st, en: (nb[w], 0)),
            pl.BlockSpec((1, 2 * H, D),
                         lambda w, ew, nb, val, st, en: (ew[w], 0, 0)),
            pl.BlockSpec((1, 1, 2 * H),
                         lambda w, ew, nb, val, st, en: (ew[w], 0, 0)),
            pl.BlockSpec((1, D, H),
                         lambda w, ew, nb, val, st, en: (ew[w], 0, 0)),
            pl.BlockSpec((1, 1, D),
                         lambda w, ew, nb, val, st, en: (ew[w], 0, 0)),
            pl.BlockSpec((1, D), lambda w, ew, nb, val, st, en: (0, 0)),
        ],
        out_specs=pl.BlockSpec((B, D), lambda w, ew, nb, val, st, en: (nb[w], 0)),
    )
    return pl.pallas_call(
        _mlp_body,
        grid_spec=grid_spec,
        out_shape=jax.ShapeDtypeStruct((N, D), jnp.float32),
        compiler_params=pltpu.CompilerParams(
            dimension_semantics=("arbitrary",)),
        interpret=interpret,
    )(ew, nb, val, st, en, x_sorted,
      W1, b1.reshape(E, 1, 2 * H), W2, b2.reshape(E, 1, D),
      g.reshape(1, D))


def kernel(x, action_type, W1, b1, W2, b2, g):
    at = action_type.astype(jnp.int32)
    pos, x_sorted, ew, nb, val, st, en = _routing_sc(at, x)
    z_sorted = _mlp_sorted(ew, nb, val, st, en, x_sorted, W1, b1, W2, b2, g)
    return _unsort_sc(z_sorted, pos)

# --- scband reference (transcript-rebuilt; emitter-appended) ---
"""Pipeline reference for scband-mixture-mlp-14139032338700 (READ-ONLY COPY).

The authoritative reference and input builder live on the scoring server;
editing this copy changes nothing except your own understanding.
"""

import jax, jax.numpy as jnp
import numpy as np

N = 2048
D = 768
H = 2048
E = 8
EPS = 1e-06


def setup_inputs(seed: int = 0) -> dict:
    key = jax.random.key(seed)
    ks = jax.random.split(key, 8)
    x = jax.random.normal(ks[0], (N, D), dtype=jnp.float32)
    action_type = jax.random.randint(ks[1], (N,), 0, E, dtype=jnp.int64 if jax.config.jax_enable_x64 else jnp.int32)
    # per-expert SwishGLU project weights: Linear(D, 2H)
    W1 = 0.02 * jax.random.normal(ks[2], (E, 2 * H, D), dtype=jnp.float32)
    b1 = jnp.zeros((E, 2 * H), dtype=jnp.float32)
    # per-expert output projection: Linear(H, D)
    W2 = 0.02 * jax.random.normal(ks[3], (E, D, H), dtype=jnp.float32)
    b2 = jnp.zeros((E, D), dtype=jnp.float32)
    # RmsNorm scale
    g = jnp.ones((D,), dtype=jnp.float32)
    return {"x": x, "action_type": action_type, "W1": W1, "b1": b1, "W2": W2, "b2": b2, "g": g}


def _expert_mlp(x, W1_a, b1_a, W2_a, b2_a):
    # SwishGLU: project to 2H, tensor_split -> (projected, gate)
    p = x @ W1_a.T + b1_a
    projected, gate = jnp.split(p, 2, axis=-1)
    h = projected * jax.nn.silu(gate)
    # (dropout p=0.0 is identity)
    return h @ W2_a.T + b2_a


def _rms_norm(y, g, eps):
    ms = jnp.mean(y * y, axis=-1, keepdims=True)
    return y * jax.lax.rsqrt(ms + eps) * g


def reference(x, action_type, W1, b1, W2, b2, g):
    num_experts = W1.shape[0]
    action_out = jnp.zeros_like(x)
    for a in range(num_experts):
        out_a = _expert_mlp(x, W1[a], b1[a], W2[a], b2[a])
        mask = (action_type == a)[:, None]
        action_out = jnp.where(mask, out_a, action_out)
    combined = action_out  # use_shared_encoder=False; dropout identity
    return _rms_norm(x + combined, g, EPS)

if __name__ == "__main__":
    import jax
    _d = setup_inputs()
    print(jax.jit(kernel)(*tuple(_d.values())))

</pallas_src>

<mosaic_0001>
#map = affine_map<(d0, d1) -> (0)>
#map1 = affine_map<(d0, d1) -> (0, 0)>
module attributes {stable_mosaic.version = 14 : i64} {
  func.func @_routing_body(%arg0: i32, %arg1: i32, %arg2: memref<2048xi32, #tpu.memory_space<hbm>>, %arg3: memref<2048x768xf32, #tpu.memory_space<hbm>>, %arg4: memref<2048xi32, #tpu.memory_space<hbm>>, %arg5: memref<2048x768xf32, #tpu.memory_space<hbm>>, %arg6: memref<16xi32, #tpu.memory_space<hbm>>, %arg7: memref<16xi32, #tpu.memory_space<hbm>>, %arg8: memref<16xi32, #tpu.memory_space<hbm>>, %arg9: memref<16xi32, #tpu.memory_space<hbm>>, %arg10: memref<16xi32, #tpu.memory_space<hbm>>, %arg11: memref<2048xi32, #tpu.memory_space<vmem>>, %arg12: memref<64xi32, #tpu.memory_space<vmem>>, %arg13: memref<64x768xf32, #tpu.memory_space<vmem>>, %arg14: memref<64xi32, #tpu.memory_space<vmem>>, %arg15: memref<16xi32, #tpu.memory_space<vmem>>, %arg16: memref<16xi32, #tpu.memory_space<vmem>>, %arg17: memref<16xi32, #tpu.memory_space<vmem>>, %arg18: memref<16xi32, #tpu.memory_space<vmem>>, %arg19: memref<16xi32, #tpu.memory_space<vmem>>, %arg20: memref<16xi32, #tpu.memory_space<vmem>>, %arg21: memref<16xi32, #tpu.memory_space<vmem>>, %arg22: memref<16xi32, #tpu.memory_space<vmem>>, %arg23: memref<16xi32, #tpu.memory_space<vmem>>, %arg24: memref<!tpu.dma_semaphore, #tpu.memory_space<semaphore_mem>>, %arg25: memref<!tpu.dma_semaphore, #tpu.memory_space<semaphore_mem>>) attributes {dimension_semantics = [#tpu.dimension_semantics<core_parallel>, #tpu.dimension_semantics<subcore_parallel>], iteration_bounds = array<i64: 2, 16>, scalar_prefetch = 0 : i64, scratch_operands = 15 : i64, tpu.core_type = #tpu.core_type<sc_vector_subcore>, window_params = [{transform_indices = #map}, {transform_indices = #map1}, {transform_indices = #map}, {transform_indices = #map1}, {transform_indices = #map}, {transform_indices = #map}, {transform_indices = #map}, {transform_indices = #map}, {transform_indices = #map}]} {
    %mul3A = arith.constant 2 : i32
    %mul3A_0 = arith.muli %arg1, %mul3A : i32
    %add3A = arith.addi %mul3A_0, %arg0 : i32
    %mul3A_1 = arith.constant 64 : i32
    %mul3A_2 = arith.muli %add3A, %mul3A_1 : i32
    %dma_start3A = arith.constant 0 : i32
    %dma_start3A_3 = tpu.memref_slice %arg3[%mul3A_2, %dma_start3A] : memref<2048x768xf32, #tpu.memory_space<hbm>> -> memref<64x768xf32, #tpu.memory_space<hbm>>
    %dma_start3A_4 = arith.constant 0 : i32
    %dma_start3A_5 = tpu.memref_slice %arg3[%mul3A_2, %dma_start3A_4] : memref<2048x768xf32, #tpu.memory_space<hbm>> -> memref<64x768xf32, #tpu.memory_space<hbm>>
    tpu.enqueue_dma source(%dma_start3A_5 : memref<64x768xf32, #tpu.memory_space<hbm>>) target(%arg13 : memref<64x768xf32, #tpu.memory_space<vmem>>) target_semaphore(%arg25 : memref<!tpu.dma_semaphore, #tpu.memory_space<semaphore_mem>>)
    "tpu.region"() ({
      %run_scoped3A = tpu.sem_alloc : memref<!tpu.dma_semaphore, #tpu.memory_space<semaphore_mem>>
      tpu.enqueue_dma source(%arg2 : memref<2048xi32, #tpu.memory_space<hbm>>) target(%arg11 : memref<2048xi32, #tpu.memory_space<vmem>>) target_semaphore(%run_scoped3A : memref<!tpu.dma_semaphore, #tpu.memory_space<semaphore_mem>>)
      tpu.wait_dma2 semaphore(%run_scoped3A : memref<!tpu.dma_semaphore, #tpu.memory_space<semaphore_mem>>) src(%arg2 : memref<2048xi32, #tpu.memory_space<hbm>>) dst(%arg11 : memref<2048xi32, #tpu.memory_space<vmem>>)
      tpu.yield
    }) : () -> ()
    "tpu.region"() ({
      %run_scoped3A = tpu.sem_alloc : memref<!tpu.dma_semaphore, #tpu.memory_space<semaphore_mem>>
      %dma_start3A_1188 = tpu.memref_slice %arg2[%mul3A_2] : memref<2048xi32, #tpu.memory_space<hbm>> -> memref<64xi32, #tpu.memory_space<hbm>>
      %dma_start3A_1189 = tpu.memref_slice %arg2[%mul3A_2] : memref<2048xi32, #tpu.memory_space<hbm>> -> memref<64xi32, #tpu.memory_space<hbm>>
      tpu.enqueue_dma source(%dma_start3A_1189 : memref<64xi32, #tpu.memory_space<hbm>>) target(%arg12 : memref<64xi32, #tpu.memory_space<vmem>>) target_semaphore(%run_scoped3A : memref<!tpu.dma_semaphore, #tpu.memory_space<semaphore_mem>>)
      %dma_wait3A_1190 = tpu.memref_slice %arg2[%mul3A_2] : memref<2048xi32, #tpu.memory_space<hbm>> -> memref<64xi32, #tpu.memory_space<hbm>>
      %dma_wait3A_1191 = tpu.memref_slice %arg2[%mul3A_2] : memref<2048xi32, #tpu.memory_space<hbm>> -> memref<64xi32, #tpu.memory_space<hbm>>
      tpu.wait_dma2 semaphore(%run_scoped3A : memref<!tpu.dma_semaphore, #tpu.memory_space<semaphore_mem>>) src(%dma_wait3A_1191 : memref<64xi32, #tpu.memory_space<hbm>>) dst(%arg12 : memref<64xi32, #tpu.memory_space<vmem>>)
      tpu.yield
    }) : () -> ()
    %broadcast_in_dim3A = arith.constant 0 : i32
    %broadcast_in_dim3A_6 = vector.broadcast %broadcast_in_dim3A : i32 to vector<16xi32>
    %broadcast_in_dim3A_7 = arith.constant 1 : i32
    %broadcast_in_dim3A_8 = vector.broadcast %broadcast_in_dim3A_7 : i32 to vector<16xi32>
    %broadcast_in_dim3A_9 = arith.constant true
    %broadcast_in_dim3A_10 = vector.broadcast %broadcast_in_dim3A_9 : i1 to vector<16xi1>
    %swap3A = arith.constant 0 : index
    %swap3A_11 = tpu.vector_load %arg15[%swap3A] {strides = array<i32>} : memref<16xi32, #tpu.memory_space<vmem>>, vector<16xi32>,
    tpu.vector_store %arg15[%swap3A], %broadcast_in_dim3A_6 {strides = array<i32>} : memref<16xi32, #tpu.memory_space<vmem>>, vector<16xi32>,
    %swap3A_12 = arith.constant 0 : index
    %swap3A_13 = tpu.vector_load %arg16[%swap3A_12] {strides = array<i32>} : memref<16xi32, #tpu.memory_space<vmem>>, vector<16xi32>,
    tpu.vector_store %arg16[%swap3A_12], %broadcast_in_dim3A_6 {strides = array<i32>} : memref<16xi32, #tpu.memory_space<vmem>>, vector<16xi32>,
    %mul3A_14 = arith.constant 4 : i32
    %mul3A_15 = arith.muli %add3A, %mul3A_14 : i32
    %get3A = arith.constant 0 : index
    %get3A_16 = tpu.vector_load %arg11[%get3A] {strides = array<i32>} : memref<2048xi32, #tpu.memory_space<vmem>>, vector<16xi32>,
    tpu.vector_store_idx %arg16[%get3A_16], %broadcast_in_dim3A_8 masked %broadcast_in_dim3A_10 {add = true} : memref<16xi32, #tpu.memory_space<vmem>>[vector<16xi32>], vector<16xi32>, vector<16xi1>
    %broadcast_in_dim3A_17 = arith.constant 0 : i32
    %broadcast_in_dim3A_18 = vector.broadcast %broadcast_in_dim3A_17 : i32 to vector<16xi32>
    %lt3A = vector.broadcast %mul3A_15 : i32 to vector<16xi32>
    %lt3A_19 = arith.cmpi slt, %broadcast_in_dim3A_18, %lt3A : vector<16xi32>
    tpu.vector_store_idx %arg15[%get3A_16], %broadcast_in_dim3A_8 masked %lt3A_19 {add = true} : memref<16xi32, #tpu.memory_space<vmem>>[vector<16xi32>], vector<16xi32>, vector<16xi1>
    %get3A_20 = arith.constant 16 : index
    %get3A_21 = tpu.vector_load %arg11[%get3A_20] {strides = array<i32>} : memref<2048xi32, #tpu.memory_space<vmem>>, vector<16xi32>,
    tpu.vector_store_idx %arg16[%get3A_21], %broadcast_in_dim3A_8 masked %broadcast_in_dim3A_10 {add = true} : memref<16xi32, #tpu.memory_space<vmem>>[vector<16xi32>], vector<16xi32>, vector<16xi1>
    %broadcast_in_dim3A_22 = arith.constant 1 : i32
    %broadcast_in_dim3A_23 = vector.broadcast %broadcast_in_dim3A_22 : i32 to vector<16xi32>
    %lt3A_24 = vector.broadcast %mul3A_15 : i32 to vector<16xi32>
    %lt3A_25 = arith.cmpi slt, %broadcast_in_dim3A_23, %lt3A_24 : vector<16xi32>
    tpu.vector_store_idx %arg15[%get3A_21], %broadcast_in_dim3A_8 masked %lt3A_25 {add = true} : memref<16xi32, #tpu.memory_space<vmem>>[vector<16xi32>], vector<16xi32>, vector<16xi1>
    %get3A_26 = arith.constant 32 : index
    %get3A_27 = tpu.vector_load %arg11[%get3A_26] {strides = array<i32>} : memref<2048xi32, #tpu.memory_space<vmem>>, vector<16xi32>,
    tpu.vector_store_idx %arg16[%get3A_27], %broadcast_in_dim3A_8 masked %broadcast_in_dim3A_10 {add = true} : memref<16xi32, #tpu.memory_space<vmem>>[vector<16xi32>], vector<16xi32>, vector<16xi1>
    %broadcast_in_dim3A_28 = arith.constant 2 : i32
    %broadcast_in_dim3A_29 = vector.broadcast %broadcast_in_dim3A_28 : i32 to vector<16xi32>
    %lt3A_30 = vector.broadcast %mul3A_15 : i32 to vector<16xi32>
    %lt3A_31 = arith.cmpi slt, %broadcast_in_dim3A_29, %lt3A_30 : vector<16xi32>
    tpu.vector_store_idx %arg15[%get3A_27], %broadcast_in_dim3A_8 masked %lt3A_31 {add = true} : memref<16xi32, #tpu.memory_space<vmem>>[vector<16xi32>], vector<16xi32>, vector<16xi1>
    %get3A_32 = arith.constant 48 : index
    %get3A_33 = tpu.vector_load %arg11[%get3A_32] {strides = array<i32>} : memref<2048xi32, #tpu.memory_space<vmem>>, vector<16xi32>,
    tpu.vector_store_idx %arg16[%get3A_33], %broadcast_in_dim3A_8 masked %broadcast_in_dim3A_10 {add = true} : memref<16xi32, #tpu.memory_space<vmem>>[vector<16xi32>], vector<16xi32>, vector<16xi1>
    %broadcast_in_dim3A_34 = arith.constant 3 : i32
    %broadcast_in_dim3A_35 = vector.broadcast %broadcast_in_dim3A_34 : i32 to vector<16xi32>
    %lt3A_36 = vector.broadcast %mul3A_15 : i32 to vector<16xi32>
    %lt3A_37 = arith.cmpi slt, %broadcast_in_dim3A_35, %lt3A_36 : vector<16xi32>
    tpu.vector_store_idx %arg15[%get3A_33], %broadcast_in_dim3A_8 masked %lt3A_37 {add = true} : memref<16xi32, #tpu.memory_space<vmem>>[vector<16xi32>], vector<16xi32>, vector<16xi1>
    %get3A_38 = arith.constant 64 : index
    %get3A_39 = tpu.vector_load %arg11[%get3A_38] {strides = array<i32>} : memref<2048xi32, #tpu.memory_space<vmem>>, vector<16xi32>,
    tpu.vector_store_idx %arg16[%get3A_39], %broadcast_in_dim3A_8 masked %broadcast_in_dim3A_10 {add = true} : memref<16xi32, #tpu.memory_space<vmem>>[vector<16xi32>], vector<16xi32>, vector<16xi1>
    %broadcast_in_dim3A_40 = arith.constant 4 : i32
    %broadcast_in_dim3A_41 = vector.broadcast %broadcast_in_dim3A_40 : i32 to vector<16xi32>
    %lt3A_42 = vector.broadcast %mul3A_15 : i32 to vector<16xi32>
    %lt3A_43 = arith.cmpi slt, %broadcast_in_dim3A_41, %lt3A_42 : vector<16xi32>
    tpu.vector_store_idx %arg15[%get3A_39], %broadcast_in_dim3A_8 masked %lt3A_43 {add = true} : memref<16xi32, #tpu.memory_space<vmem>>[vector<16xi32>], vector<16xi32>, vector<16xi1>
    %get3A_44 = arith.constant 80 : index
    %get3A_45 = tpu.vector_load %arg11[%get3A_44] {strides = array<i32>} : memref<2048xi32, #tpu.memory_space<vmem>>, vector<16xi32>,
    tpu.vector_store_idx %arg16[%get3A_45], %broadcast_in_dim3A_8 masked %broadcast_in_dim3A_10 {add = true} : memref<16xi32, #tpu.memory_space<vmem>>[vector<16xi32>], vector<16xi32>, vector<16xi1>
    %broadcast_in_dim3A_46 = arith.constant 5 : i32
    %broadcast_in_dim3A_47 = vector.broadcast %broadcast_in_dim3A_46 : i32 to vector<16xi32>
    %lt3A_48 = vector.broadcast %mul3A_15 : i32 to vector<16xi32>
    %lt3A_49 = arith.cmpi slt, %broadcast_in_dim3A_47, %lt3A_48 : vector<16xi32>
    tpu.vector_store_idx %arg15[%get3A_45], %broadcast_in_dim3A_8 masked %lt3A_49 {add = true} : memref<16xi32, #tpu.memory_space<vmem>>[vector<16xi32>], vector<16xi32>, vector<16xi1>
    %get3A_50 = arith.constant 96 : index
    %get3A_51 = tpu.vector_load %arg11[%get3A_50] {strides = array<i32>} : memref<2048xi32, #tpu.memory_space<vmem>>, vector<16xi32>,
    tpu.vector_store_idx %arg16[%get3A_51], %broadcast_in_dim3A_8 masked %broadcast_in_dim3A_10 {add = true} : memref<16xi32, #tpu.memory_space<vmem>>[vector<16xi32>], vector<16xi32>, vector<16xi1>
    %broadcast_in_dim3A_52 = arith.constant 6 : i32
    %broadcast_in_dim3A_53 = vector.broadcast %broadcast_in_dim3A_52 : i32 to vector<16xi32>
    %lt3A_54 = vector.broadcast %mul3A_15 : i32 to vector<16xi32>
    %lt3A_55 = arith.cmpi slt, %broadcast_in_dim3A_53, %lt3A_54 : vector<16xi32>
    tpu.vector_store_idx %arg15[%get3A_51], %broadcast_in_dim3A_8 masked %lt3A_55 {add = true} : memref<16xi32, #tpu.memory_space<vmem>>[vector<16xi32>], vector<16xi32>, vector<16xi1>
    %get3A_56 = arith.constant 112 : index
    %get3A_57 = tpu.vector_load %arg11[%get3A_56] {strides = array<i32>} : memref<2048xi32, #tpu.memory_space<vmem>>, vector<16xi32>,
    tpu.vector_store_idx %arg16[%get3A_57], %broadcast_in_dim3A_8 masked %broadcast_in_dim3A_10 {add = true} : memref<16xi32, #tpu.memory_space<vmem>>[vector<16xi32>], vector<16xi32>, vector<16xi1>
    %broadcast_in_dim3A_58 = arith.constant 7 : i32
    %broadcast_in_dim3A_59 = vector.broadcast %broadcast_in_dim3A_58 : i32 to vector<16xi32>
    %lt3A_60 = vector.broadcast %mul3A_15 : i32 to vector<16xi32>
    %lt3A_61 = arith.cmpi slt, %broadcast_in_dim3A_59, %lt3A_60 : vector<16xi32>
    tpu.vector_store_idx %arg15[%get3A_57], %broadcast_in_dim3A_8 masked %lt3A_61 {add = true} : memref<16xi32, #tpu.memory_space<vmem>>[vector<16xi32>], vector<16xi32>, vector<16xi1>
    %get3A_62 = arith.constant 128 : index
    %get3A_63 = tpu.vector_load %arg11[%get3A_62] {strides = array<i32>} : memref<2048xi32, #tpu.memory_space<vmem>>, vector<16xi32>,
    tpu.vector_store_idx %arg16[%get3A_63], %broadcast_in_dim3A_8 masked %broadcast_in_dim3A_10 {add = true} : memref<16xi32, #tpu.memory_space<vmem>>[vector<16xi32>], vector<16xi32>, vector<16xi1>
    %broadcast_in_dim3A_64 = arith.constant 8 : i32
    %broadcast_in_dim3A_65 = vector.broadcast %broadcast_in_dim3A_64 : i32 to vector<16xi32>
    %lt3A_66 = vector.broadcast %mul3A_15 : i32 to vector<16xi32>
    %lt3A_67 = arith.cmpi slt, %broadcast_in_dim3A_65, %lt3A_66 : vector<16xi32>
    tpu.vector_store_idx %arg15[%get3A_63], %broadcast_in_dim3A_8 masked %lt3A_67 {add = true} : memref<16xi32, #tpu.memory_space<vmem>>[vector<16xi32>], vector<16xi32>, vector<16xi1>
    %get3A_68 = arith.constant 144 : index
    %get3A_69 = tpu.vector_load %arg11[%get3A_68] {strides = array<i32>} : memref<2048xi32, #tpu.memory_space<vmem>>, vector<16xi32>,
    tpu.vector_store_idx %arg16[%get3A_69], %broadcast_in_dim3A_8 masked %broadcast_in_dim3A_10 {add = true} : memref<16xi32, #tpu.memory_space<vmem>>[vector<16xi32>], vector<16xi32>, vector<16xi1>
    %broadcast_in_dim3A_70 = arith.constant 9 : i32
    %broadcast_in_dim3A_71 = vector.broadcast %broadcast_in_dim3A_70 : i32 to vector<16xi32>
    %lt3A_72 = vector.broadcast %mul3A_15 : i32 to vector<16xi32>
    %lt3A_73 = arith.cmpi slt, %broadcast_in_dim3A_71, %lt3A_72 : vector<16xi32>
    tpu.vector_store_idx %arg15[%get3A_69], %broadcast_in_dim3A_8 masked %lt3A_73 {add = true} : memref<16xi32, #tpu.memory_space<vmem>>[vector<16xi32>], vector<16xi32>, vector<16xi1>
    %get3A_74 = arith.constant 160 : index
    %get3A_75 = tpu.vector_load %arg11[%get3A_74] {strides = array<i32>} : memref<2048xi32, #tpu.memory_space<vmem>>, vector<16xi32>,
    tpu.vector_store_idx %arg16[%get3A_75], %broadcast_in_dim3A_8 masked %broadcast_in_dim3A_10 {add = true} : memref<16xi32, #tpu.memory_space<vmem>>[vector<16xi32>], vector<16xi32>, vector<16xi1>
    %broadcast_in_dim3A_76 = arith.constant 10 : i32
    %broadcast_in_dim3A_77 = vector.broadcast %broadcast_in_dim3A_76 : i32 to vector<16xi32>
    %lt3A_78 = vector.broadcast %mul3A_15 : i32 to vector<16xi32>
    %lt3A_79 = arith.cmpi slt, %broadcast_in_dim3A_77, %lt3A_78 : vector<16xi32>
    tpu.vector_store_idx %arg15[%get3A_75], %broadcast_in_dim3A_8 masked %lt3A_79 {add = true} : memref<16xi32, #tpu.memory_space<vmem>>[vector<16xi32>], vector<16xi32>, vector<16xi1>
    %get3A_80 = arith.constant 176 : index
    %get3A_81 = tpu.vector_load %arg11[%get3A_80] {strides = array<i32>} : memref<2048xi32, #tpu.memory_space<vmem>>, vector<16xi32>,
    tpu.vector_store_idx %arg16[%get3A_81], %broadcast_in_dim3A_8 masked %broadcast_in_dim3A_10 {add = true} : memref<16xi32, #tpu.memory_space<vmem>>[vector<16xi32>], vector<16xi32>, vector<16xi1>
    %broadcast_in_dim3A_82 = arith.constant 11 : i32
    %broadcast_in_dim3A_83 = vector.broadcast %broadcast_in_dim3A_82 : i32 to vector<16xi32>
    %lt3A_84 = vector.broadcast %mul3A_15 : i32 to vector<16xi32>
    %lt3A_85 = arith.cmpi slt, %broadcast_in_dim3A_83, %lt3A_84 : vector<16xi32>
    tpu.vector_store_idx %arg15[%get3A_81], %broadcast_in_dim3A_8 masked %lt3A_85 {add = true} : memref<16xi32, #tpu.memory_space<vmem>>[vector<16xi32>], vector<16xi32>, vector<16xi1>
    %get3A_86 = arith.constant 192 : index
    %get3A_87 = tpu.vector_load %arg11[%get3A_86] {strides = array<i32>} : memref<2048xi32, #tpu.memory_space<vmem>>, vector<16xi32>,
    tpu.vector_store_idx %arg16[%get3A_87], %broadcast_in_dim3A_8 masked %broadcast_in_dim3A_10 {add = true} : memref<16xi32, #tpu.memory_space<vmem>>[vector<16xi32>], vector<16xi32>, vector<16xi1>
    %broadcast_in_dim3A_88 = arith.constant 12 : i32
    %broadcast_in_dim3A_89 = vector.broadcast %broadcast_in_dim3A_88 : i32 to vector<16xi32>
    %lt3A_90 = vector.broadcast %mul3A_15 : i32 to vector<16xi32>
    %lt3A_91 = arith.cmpi slt, %broadcast_in_dim3A_89, %lt3A_90 : vector<16xi32>
    tpu.vector_store_idx %arg15[%get3A_87], %broadcast_in_dim3A_8 masked %lt3A_91 {add = true} : memref<16xi32, #tpu.memory_space<vmem>>[vector<16xi32>], vector<16xi32>, vector<16xi1>
    %get3A_92 = arith.constant 208 : index
    %get3A_93 = tpu.vector_load %arg11[%get3A_92] {strides = array<i32>} : memref<2048xi32, #tpu.memory_space<vmem>>, vector<16xi32>,
    tpu.vector_store_idx %arg16[%get3A_93], %broadcast_in_dim3A_8 masked %broadcast_in_dim3A_10 {add = true} : memref<16xi32, #tpu.memory_space<vmem>>[vector<16xi32>], vector<16xi32>, vector<16xi1>
    %broadcast_in_dim3A_94 = arith.constant 13 : i32
    %broadcast_in_dim3A_95 = vector.broadcast %broadcast_in_dim3A_94 : i32 to vector<16xi32>
    %lt3A_96 = vector.broadcast %mul3A_15 : i32 to vector<16xi32>
    %lt3A_97 = arith.cmpi slt, %broadcast_in_dim3A_95, %lt3A_96 : vector<16xi32>
    tpu.vector_store_idx %arg15[%get3A_93], %broadcast_in_dim3A_8 masked %lt3A_97 {add = true} : memref<16xi32, #tpu.memory_space<vmem>>[vector<16xi32>], vector<16xi32>, vector<16xi1>
    %get3A_98 = arith.constant 224 : index
    %get3A_99 = tpu.vector_load %arg11[%get3A_98] {strides = array<i32>} : memref<2048xi32, #tpu.memory_space<vmem>>, vector<16xi32>,
    tpu.vector_store_idx %arg16[%get3A_99], %broadcast_in_dim3A_8 masked %broadcast_in_dim3A_10 {add = true} : memref<16xi32, #tpu.memory_space<vmem>>[vector<16xi32>], vector<16xi32>, vector<16xi1>
    %broadcast_in_dim3A_100 = arith.constant 14 : i32
    %broadcast_in_dim3A_101 = vector.broadcast %broadcast_in_dim3A_100 : i32 to vector<16xi32>
    %lt3A_102 = vector.broadcast %mul3A_15 : i32 to vector<16xi32>
    %lt3A_103 = arith.cmpi slt, %broadcast_in_dim3A_101, %lt3A_102 : vector<16xi32>
    tpu.vector_store_idx %arg15[%get3A_99], %broadcast_in_dim3A_8 masked %lt3A_103 {add = true} : memref<16xi32, #tpu.memory_space<vmem>>[vector<16xi32>], vector<16xi32>, vector<16xi1>
    %get3A_104 = arith.constant 240 : index
    %get3A_105 = tpu.vector_load %arg11[%get3A_104] {strides = array<i32>} : memref<2048xi32, #tpu.memory_space<vmem>>, vector<16xi32>,
    tpu.vector_store_idx %arg16[%get3A_105], %broadcast_in_dim3A_8 masked %broadcast_in_dim3A_10 {add = true} : memref<16xi32, #tpu.memory_space<vmem>>[vector<16xi32>], vector<16xi32>, vector<16xi1>
    %broadcast_in_dim3A_106 = arith.constant 15 : i32
    %broadcast_in_dim3A_107 = vector.broadcast %broadcast_in_dim3A_106 : i32 to vector<16xi32>
    %lt3A_108 = vector.broadcast %mul3A_15 : i32 to vector<16xi32>
    %lt3A_109 = arith.cmpi slt, %broadcast_in_dim3A_107, %lt3A_108 : vector<16xi32>
    tpu.vector_store_idx %arg15[%get3A_105], %broadcast_in_dim3A_8 masked %lt3A_109 {add = true} : memref<16xi32, #tpu.memory_space<vmem>>[vector<16xi32>], vector<16xi32>, vector<16xi1>
    %get3A_110 = arith.constant 256 : index
    %get3A_111 = tpu.vector_load %arg11[%get3A_110] {strides = array<i32>} : memref<2048xi32, #tpu.memory_space<vmem>>, vector<16xi32>,
    tpu.vector_store_idx %arg16[%get3A_111], %broadcast_in_dim3A_8 masked %broadcast_in_dim3A_10 {add = true} : memref<16xi32, #tpu.memory_space<vmem>>[vector<16xi32>], vector<16xi32>, vector<16xi1>
    %broadcast_in_dim3A_112 = arith.constant 16 : i32
    %broadcast_in_dim3A_113 = vector.broadcast %broadcast_in_dim3A_112 : i32 to vector<16xi32>
    %lt3A_114 = vector.broadcast %mul3A_15 : i32 to vector<16xi32>
    %lt3A_115 = arith.cmpi slt, %broadcast_in_dim3A_113, %lt3A_114 : vector<16xi32>
    tpu.vector_store_idx %arg15[%get3A_111], %broadcast_in_dim3A_8 masked %lt3A_115 {add = true} : memref<16xi32, #tpu.memory_space<vmem>>[vector<16xi32>], vector<16xi32>, vector<16xi1>
    %get3A_116 = arith.constant 272 : index
    %get3A_117 = tpu.vector_load %arg11[%get3A_116] {strides = array<i32>} : memref<2048xi32, #tpu.memory_space<vmem>>, vector<16xi32>,
    tpu.vector_store_idx %arg16[%get3A_117], %broadcast_in_dim3A_8 masked %broadcast_in_dim3A_10 {add = true} : memref<16xi32, #tpu.memory_space<vmem>>[vector<16xi32>], vector<16xi32>, vector<16xi1>
    %broadcast_in_dim3A_118 = arith.constant 17 : i32
    %broadcast_in_dim3A_119 = vector.broadcast %broadcast_in_dim3A_118 : i32 to vector<16xi32>
    %lt3A_120 = vector.broadcast %mul3A_15 : i32 to vector<16xi32>
    %lt3A_121 = arith.cmpi slt, %broadcast_in_dim3A_119, %lt3A_120 : vector<16xi32>
    tpu.vector_store_idx %arg15[%get3A_117], %broadcast_in_dim3A_8 masked %lt3A_121 {add = true} : memref<16xi32, #tpu.memory_space<vmem>>[vector<16xi32>], vector<16xi32>, vector<16xi1>
    %get3A_122 = arith.constant 288 : index
    %get3A_123 = tpu.vector_load %arg11[%get3A_122] {strides = array<i32>} : memref<2048xi32, #tpu.memory_space<vmem>>, vector<16xi32>,
    tpu.vector_store_idx %arg16[%get3A_123], %broadcast_in_dim3A_8 masked %broadcast_in_dim3A_10 {add = true} : memref<16xi32, #tpu.memory_space<vmem>>[vector<16xi32>], vector<16xi32>, vector<16xi1>
    %broadcast_in_dim3A_124 = arith.constant 18 : i32
    %broadcast_in_dim3A_125 = vector.broadcast %broadcast_in_dim3A_124 : i32 to vector<16xi32>
    %lt3A_126 = vector.broadcast %mul3A_15 : i32 to vector<16xi32>
    %lt3A_127 = arith.cmpi slt, %broadcast_in_dim3A_125, %lt3A_126 : vector<16xi32>
    tpu.vector_store_idx %arg15[%get3A_123], %broadcast_in_dim3A_8 masked %lt3A_127 {add = true} : memref<16xi32, #tpu.memory_space<vmem>>[vector<16xi32>], vector<16xi32>, vector<16xi1>
    %get3A_128 = arith.constant 304 : index
    %get3A_129 = tpu.vector_load %arg11[%get3A_128] {strides = array<i32>} : memref<2048xi32, #tpu.memory_space<vmem>>, vector<16xi32>,
    tpu.vector_store_idx %arg16[%get3A_129], %broadcast_in_dim3A_8 masked %broadcast_in_dim3A_10 {add = true} : memref<16xi32, #tpu.memory_space<vmem>>[vector<16xi32>], vector<16xi32>, vector<16xi1>
    %broadcast_in_dim3A_130 = arith.constant 19 : i32
    %broadcast_in_dim3A_131 = vector.broadcast %broadcast_in_dim3A_130 : i32 to vector<16xi32>
    %lt3A_132 = vector.broadcast %mul3A_15 : i32 to vector<16xi32>
    %lt3A_133 = arith.cmpi slt, %broadcast_in_dim3A_131, %lt3A_132 : vector<16xi32>
    tpu.vector_store_idx %arg15[%get3A_129], %broadcast_in_dim3A_8 masked %lt3A_133 {add = true} : memref<16xi32, #tpu.memory_space<vmem>>[vector<16xi32>], vector<16xi32>, vector<16xi1>
    %get3A_134 = arith.constant 320 : index
    %get3A_135 = tpu.vector_load %arg11[%get3A_134] {strides = array<i32>} : memref<2048xi32, #tpu.memory_space<vmem>>, vector<16xi32>,
    tpu.vector_store_idx %arg16[%get3A_135], %broadcast_in_dim3A_8 masked %broadcast_in_dim3A_10 {add = true} : memref<16xi32, #tpu.memory_space<vmem>>[vector<16xi32>], vector<16xi32>, vector<16xi1>
    %broadcast_in_dim3A_136 = arith.constant 20 : i32
    %broadcast_in_dim3A_137 = vector.broadcast %broadcast_in_dim3A_136 : i32 to vector<16xi32>
    %lt3A_138 = vector.broadcast %mul3A_15 : i32 to vector<16xi32>
    %lt3A_139 = arith.cmpi slt, %broadcast_in_dim3A_137, %lt3A_138 : vector<16xi32>
    tpu.vector_store_idx %arg15[%get3A_135], %broadcast_in_dim3A_8 masked %lt3A_139 {add = true} : memref<16xi32, #tpu.memory_space<vmem>>[vector<16xi32>], vector<16xi32>, vector<16xi1>
    %get3A_140 = arith.constant 336 : index
    %get3A_141 = tpu.vector_load %arg11[%get3A_140] {strides = array<i32>} : memref<2048xi32, #tpu.memory_space<vmem>>, vector<16xi32>,
    tpu.vector_store_idx %arg16[%get3A_141], %broadcast_in_dim3A_8 masked %broadcast_in_dim3A_10 {add = true} : memref<16xi32, #tpu.memory_space<vmem>>[vector<16xi32>], vector<16xi32>, vector<16xi1>
    %broadcast_in_dim3A_142 = arith.constant 21 : i32
    %broadcast_in_dim3A_143 = vector.broadcast %broadcast_in_dim3A_142 : i32 to vector<16xi32>
    %lt3A_144 = vector.broadcast %mul3A_15 : i32 to vector<16xi32>
    %lt3A_145 = arith.cmpi slt, %broadcast_in_dim3A_143, %lt3A_144 : vector<16xi32>
    tpu.vector_store_idx %arg15[%get3A_141], %broadcast_in_dim3A_8 masked %lt3A_145 {add = true} : memref<16xi32, #tpu.memory_space<vmem>>[vector<16xi32>], vector<16xi32>, vector<16xi1>
    %get3A_146 = arith.constant 352 : index
    %get3A_147 = tpu.vector_load %arg11[%get3A_146] {strides = array<i32>} : memref<2048xi32, #tpu.memory_space<vmem>>, vector<16xi32>,
    tpu.vector_store_idx %arg16[%get3A_147], %broadcast_in_dim3A_8 masked %broadcast_in_dim3A_10 {add = true} : memref<16xi32, #tpu.memory_space<vmem>>[vector<16xi32>], vector<16xi32>, vector<16xi1>
    %broadcast_in_dim3A_148 = arith.constant 22 : i32
    %broadcast_in_dim3A_149 = vector.broadcast %broadcast_in_dim3A_148 : i32 to vector<16xi32>
    %lt3A_150 = vector.broadcast %mul3A_15 : i32 to vector<16xi32>
    %lt3A_151 = arith.cmpi slt, %broadcast_in_dim3A_149, %lt3A_150 : vector<16xi32>
    tpu.vector_store_idx %arg15[%get3A_147], %broadcast_in_dim3A_8 masked %lt3A_151 {add = true} : memref<16xi32, #tpu.memory_space<vmem>>[vector<16xi32>], vector<16xi32>, vector<16xi1>
    %get3A_152 = arith.constant 368 : index
    %get3A_153 = tpu.vector_load %arg11[%get3A_152] {strides = array<i32>} : memref<2048xi32, #tpu.memory_space<vmem>>, vector<16xi32>,
    tpu.vector_store_idx %arg16[%get3A_153], %broadcast_in_dim3A_8 masked %broadcast_in_dim3A_10 {add = true} : memref<16xi32, #tpu.memory_space<vmem>>[vector<16xi32>], vector<16xi32>, vector<16xi1>
    %broadcast_in_dim3A_154 = arith.constant 23 : i32
    %broadcast_in_dim3A_155 = vector.broadcast %broadcast_in_dim3A_154 : i32 to vector<16xi32>
    %lt3A_156 = vector.broadcast %mul3A_15 : i32 to vector<16xi32>
    %lt3A_157 = arith.cmpi slt, %broadcast_in_dim3A_155, %lt3A_156 : vector<16xi32>
    tpu.vector_store_idx %arg15[%get3A_153], %broadcast_in_dim3A_8 masked %lt3A_157 {add = true} : memref<16xi32, #tpu.memory_space<vmem>>[vector<16xi32>], vector<16xi32>, vector<16xi1>
    %get3A_158 = arith.constant 384 : index
    %get3A_159 = tpu.vector_load %arg11[%get3A_158] {strides = array<i32>} : memref<2048xi32, #tpu.memory_space<vmem>>, vector<16xi32>,
    tpu.vector_store_idx %arg16[%get3A_159], %broadcast_in_dim3A_8 masked %broadcast_in_dim3A_10 {add = true} : memref<16xi32, #tpu.memory_space<vmem>>[vector<16xi32>], vector<16xi32>, vector<16xi1>
    %broadcast_in_dim3A_160 = arith.constant 24 : i32
    %broadcast_in_dim3A_161 = vector.broadcast %broadcast_in_dim3A_160 : i32 to vector<16xi32>
    %lt3A_162 = vector.broadcast %mul3A_15 : i32 to vector<16xi32>
    %lt3A_163 = arith.cmpi slt, %broadcast_in_dim3A_161, %lt3A_162 : vector<16xi32>
    tpu.vector_store_idx %arg15[%get3A_159], %broadcast_in_dim3A_8 masked %lt3A_163 {add = true} : memref<16xi32, #tpu.memory_space<vmem>>[vector<16xi32>], vector<16xi32>, vector<16xi1>
    %get3A_164 = arith.constant 400 : index
    %get3A_165 = tpu.vector_load %arg11[%get3A_164] {strides = array<i32>} : memref<2048xi32, #tpu.memory_space<vmem>>, vector<16xi32>,
    tpu.vector_store_idx %arg16[%get3A_165], %broadcast_in_dim3A_8 masked %broadcast_in_dim3A_10 {add = true} : memref<16xi32, #tpu.memory_space<vmem>>[vector<16xi32>], vector<16xi32>, vector<16xi1>
    %broadcast_in_dim3A_166 = arith.constant 25 : i32
    %broadcast_in_dim3A_167 = vector.broadcast %broadcast_in_dim3A_166 : i32 to vector<16xi32>
    %lt3A_168 = vector.broadcast %mul3A_15 : i32 to vector<16xi32>
    %lt3A_169 = arith.cmpi slt, %broadcast_in_dim3A_167, %lt3A_168 : vector<16xi32>
    tpu.vector_store_idx %arg15[%get3A_165], %broadcast_in_dim3A_8 masked %lt3A_169 {add = true} : memref<16xi32, #tpu.memory_space<vmem>>[vector<16xi32>], vector<16xi32>, vector<16xi1>
    %get3A_170 = arith.constant 416 : index
    %get3A_171 = tpu.vector_load %arg11[%get3A_170] {strides = array<i32>} : memref<2048xi32, #tpu.memory_space<vmem>>, vector<16xi32>,
    tpu.vector_store_idx %arg16[%get3A_171], %broadcast_in_dim3A_8 masked %broadcast_in_dim3A_10 {add = true} : memref<16xi32, #tpu.memory_space<vmem>>[vector<16xi32>], vector<16xi32>, vector<16xi1>
    %broadcast_in_dim3A_172 = arith.constant 26 : i32
    %broadcast_in_dim3A_173 = vector.broadcast %broadcast_in_dim3A_172 : i32 to vector<16xi32>
    %lt3A_174 = vector.broadcast %mul3A_15 : i32 to vector<16xi32>
    %lt3A_175 = arith.cmpi slt, %broadcast_in_dim3A_173, %lt3A_174 : vector<16xi32>
    tpu.vector_store_idx %arg15[%get3A_171], %broadcast_in_dim3A_8 masked %lt3A_175 {add = true} : memref<16xi32, #tpu.memory_space<vmem>>[vector<16xi32>], vector<16xi32>, vector<16xi1>
    %get3A_176 = arith.constant 432 : index
    %get3A_177 = tpu.vector_load %arg11[%get3A_176] {strides = array<i32>} : memref<2048xi32, #tpu.memory_space<vmem>>, vector<16xi32>,
    tpu.vector_store_idx %arg16[%get3A_177], %broadcast_in_dim3A_8 masked %broadcast_in_dim3A_10 {add = true} : memref<16xi32, #tpu.memory_space<vmem>>[vector<16xi32>], vector<16xi32>, vector<16xi1>
    %broadcast_in_dim3A_178 = arith.constant 27 : i32
    %broadcast_in_dim3A_179 = vector.broadcast %broadcast_in_dim3A_178 : i32 to vector<16xi32>
    %lt3A_180 = vector.broadcast %mul3A_15 : i32 to vector<16xi32>
    %lt3A_181 = arith.cmpi slt, %broadcast_in_dim3A_179, %lt3A_180 : vector<16xi32>
    tpu.vector_store_idx %arg15[%get3A_177], %broadcast_in_dim3A_8 masked %lt3A_181 {add = true} : memref<16xi32, #tpu.memory_space<vmem>>[vector<16xi32>], vector<16xi32>, vector<16xi1>
    %get3A_182 = arith.constant 448 : index
    %get3A_183 = tpu.vector_load %arg11[%get3A_182] {strides = array<i32>} : memref<2048xi32, #tpu.memory_space<vmem>>, vector<16xi32>,
    tpu.vector_store_idx %arg16[%get3A_183], %broadcast_in_dim3A_8 masked %broadcast_in_dim3A_10 {add = true} : memref<16xi32, #tpu.memory_space<vmem>>[vector<16xi32>], vector<16xi32>, vector<16xi1>
    %broadcast_in_dim3A_184 = arith.constant 28 : i32
    %broadcast_in_dim3A_185 = vector.broadcast %broadcast_in_dim3A_184 : i32 to vector<16xi32>
    %lt3A_186 = vector.broadcast %mul3A_15 : i32 to vector<16xi32>
    %lt3A_187 = arith.cmpi slt, %broadcast_in_dim3A_185, %lt3A_186 : vector<16xi32>
    tpu.vector_store_idx %arg15[%get3A_183], %broadcast_in_dim3A_8 masked %lt3A_187 {add = true} : memref<16xi32, #tpu.memory_space<vmem>>[vector<16xi32>], vector<16xi32>, vector<16xi1>
    %get3A_188 = arith.constant 464 : index
    %get3A_189 = tpu.vector_load %arg11[%get3A_188] {strides = array<i32>} : memref<2048xi32, #tpu.memory_space<vmem>>, vector<16xi32>,
    tpu.vector_store_idx %arg16[%get3A_189], %broadcast_in_dim3A_8 masked %broadcast_in_dim3A_10 {add = true} : memref<16xi32, #tpu.memory_space<vmem>>[vector<16xi32>], vector<16xi32>, vector<16xi1>
    %broadcast_in_dim3A_190 = arith.constant 29 : i32
    %broadcast_in_dim3A_191 = vector.broadcast %broadcast_in_dim3A_190 : i32 to vector<16xi32>
    %lt3A_192 = vector.broadcast %mul3A_15 : i32 to vector<16xi32>
    %lt3A_193 = arith.cmpi slt, %broadcast_in_dim3A_191, %lt3A_192 : vector<16xi32>
    tpu.vector_store_idx %arg15[%get3A_189], %broadcast_in_dim3A_8 masked %lt3A_193 {add = true} : memref<16xi32, #tpu.memory_space<vmem>>[vector<16xi32>], vector<16xi32>, vector<16xi1>
    %get3A_194 = arith.constant 480 : index
    %get3A_195 = tpu.vector_load %arg11[%get3A_194] {strides = array<i32>} : memref<2048xi32, #tpu.memory_space<vmem>>, vector<16xi32>,
    tpu.vector_store_idx %arg16[%get3A_195], %broadcast_in_dim3A_8 masked %broadcast_in_dim3A_10 {add = true} : memref<16xi32, #tpu.memory_space<vmem>>[vector<16xi32>], vector<16xi32>, vector<16xi1>
    %broadcast_in_dim3A_196 = arith.constant 30 : i32
    %broadcast_in_dim3A_197 = vector.broadcast %broadcast_in_dim3A_196 : i32 to vector<16xi32>
    %lt3A_198 = vector.broadcast %mul3A_15 : i32 to vector<16xi32>
    %lt3A_199 = arith.cmpi slt, %broadcast_in_dim3A_197, %lt3A_198 : vector<16xi32>
    tpu.vector_store_idx %arg15[%get3A_195], %broadcast_in_dim3A_8 masked %lt3A_199 {add = true} : memref<16xi32, #tpu.memory_space<vmem>>[vector<16xi32>], vector<16xi32>, vector<16xi1>
    %get3A_200 = arith.constant 496 : index
    %get3A_201 = tpu.vector_load %arg11[%get3A_200] {strides = array<i32>} : memref<2048xi32, #tpu.memory_space<vmem>>, vector<16xi32>,
    tpu.vector_store_idx %arg16[%get3A_201], %broadcast_in_dim3A_8 masked %broadcast_in_dim3A_10 {add = true} : memref<16xi32, #tpu.memory_space<vmem>>[vector<16xi32>], vector<16xi32>, vector<16xi1>
    %broadcast_in_dim3A_202 = arith.constant 31 : i32
    %broadcast_in_dim3A_203 = vector.broadcast %broadcast_in_dim3A_202 : i32 to vector<16xi32>
    %lt3A_204 = vector.broadcast %mul3A_15 : i32 to vector<16xi32>
    %lt3A_205 = arith.cmpi slt, %broadcast_in_dim3A_203, %lt3A_204 : vector<16xi32>
    tpu.vector_store_idx %arg15[%get3A_201], %broadcast_in_dim3A_8 masked %lt3A_205 {add = true} : memref<16xi32, #tpu.memory_space<vmem>>[vector<16xi32>], vector<16xi32>, vector<16xi1>
    %get3A_206 = arith.constant 512 : index
    %get3A_207 = tpu.vector_load %arg11[%get3A_206] {strides = array<i32>} : memref<2048xi32, #tpu.memory_space<vmem>>, vector<16xi32>,
    tpu.vector_store_idx %arg16[%get3A_207], %broadcast_in_dim3A_8 masked %broadcast_in_dim3A_10 {add = true} : memref<16xi32, #tpu.memory_space<vmem>>[vector<16xi32>], vector<16xi32>, vector<16xi1>
    %broadcast_in_dim3A_208 = arith.constant 32 : i32
    %broadcast_in_dim3A_209 = vector.broadcast %broadcast_in_dim3A_208 : i32 to vector<16xi32>
    %lt3A_210 = vector.broadcast %mul3A_15 : i32 to vector<16xi32>
    %lt3A_211 = arith.cmpi slt, %broadcast_in_dim3A_209, %lt3A_210 : vector<16xi32>
    tpu.vector_store_idx %arg15[%get3A_207], %broadcast_in_dim3A_8 masked %lt3A_211 {add = true} : memref<16xi32, #tpu.memory_space<vmem>>[vector<16xi32>], vector<16xi32>, vector<16xi1>
    %get3A_212 = arith.constant 528 : index
    %get3A_213 = tpu.vector_load %arg11[%get3A_212] {strides = array<i32>} : memref<2048xi32, #tpu.memory_space<vmem>>, vector<16xi32>,
    tpu.vector_store_idx %arg16[%get3A_213], %broadcast_in_dim3A_8 masked %broadcast_in_dim3A_10 {add = true} : memref<16xi32, #tpu.memory_space<vmem>>[vector<16xi32>], vector<16xi32>, vector<16xi1>
    %broadcast_in_dim3A_214 = arith.constant 33 : i32
    %broadcast_in_dim3A_215 = vector.broadcast %broadcast_in_dim3A_214 : i32 to vector<16xi32>
    %lt3A_216 = vector.broadcast %mul3A_15 : i32 to vector<16xi32>
    %lt3A_217 = arith.cmpi slt, %broadcast_in_dim3A_215, %lt3A_216 : vector<16xi32>
    tpu.vector_store_idx %arg15[%get3A_213], %broadcast_in_dim3A_8 masked %lt3A_217 {add = true} : memref<16xi32, #tpu.memory_space<vmem>>[vector<16xi32>], vector<16xi32>, vector<16xi1>
    %get3A_218 = arith.constant 544 : index
    %get3A_219 = tpu.vector_load %arg11[%get3A_218] {strides = array<i32>} : memref<2048xi32, #tpu.memory_space<vmem>>, vector<16xi32>,
    tpu.vector_store_idx %arg16[%get3A_219], %broadcast_in_dim3A_8 masked %broadcast_in_dim3A_10 {add = true} : memref<16xi32, #tpu.memory_space<vmem>>[vector<16xi32>], vector<16xi32>, vector<16xi1>
    %broadcast_in_dim3A_220 = arith.constant 34 : i32
    %broadcast_in_dim3A_221 = vector.broadcast %broadcast_in_dim3A_220 : i32 to vector<16xi32>
    %lt3A_222 = vector.broadcast %mul3A_15 : i32 to vector<16xi32>
    %lt3A_223 = arith.cmpi slt, %broadcast_in_dim3A_221, %lt3A_222 : vector<16xi32>
    tpu.vector_store_idx %arg15[%get3A_219], %broadcast_in_dim3A_8 masked %lt3A_223 {add = true} : memref<16xi32, #tpu.memory_space<vmem>>[vector<16xi32>], vector<16xi32>, vector<16xi1>
    %get3A_224 = arith.constant 560 : index
    %get3A_225 = tpu.vector_load %arg11[%get3A_224] {strides = array<i32>} : memref<2048xi32, #tpu.memory_space<vmem>>, vector<16xi32>,
    tpu.vector_store_idx %arg16[%get3A_225], %broadcast_in_dim3A_8 masked %broadcast_in_dim3A_10 {add = true} : memref<16xi32, #tpu.memory_space<vmem>>[vector<16xi32>], vector<16xi32>, vector<16xi1>
    %broadcast_in_dim3A_226 = arith.constant 35 : i32
    %broadcast_in_dim3A_227 = vector.broadcast %broadcast_in_dim3A_226 : i32 to vector<16xi32>
    %lt3A_228 = vector.broadcast %mul3A_15 : i32 to vector<16xi32>
    %lt3A_229 = arith.cmpi slt, %broadcast_in_dim3A_227, %lt3A_228 : vector<16xi32>
    tpu.vector_store_idx %arg15[%get3A_225], %broadcast_in_dim3A_8 masked %lt3A_229 {add = true} : memref<16xi32, #tpu.memory_space<vmem>>[vector<16xi32>], vector<16xi32>, vector<16xi1>
    %get3A_230 = arith.constant 576 : index
    %get3A_231 = tpu.vector_load %arg11[%get3A_230] {strides = array<i32>} : memref<2048xi32, #tpu.memory_space<vmem>>, vector<16xi32>,
    tpu.vector_store_idx %arg16[%get3A_231], %broadcast_in_dim3A_8 masked %broadcast_in_dim3A_10 {add = true} : memref<16xi32, #tpu.memory_space<vmem>>[vector<16xi32>], vector<16xi32>, vector<16xi1>
    %broadcast_in_dim3A_232 = arith.constant 36 : i32
    %broadcast_in_dim3A_233 = vector.broadcast %broadcast_in_dim3A_232 : i32 to vector<16xi32>
    %lt3A_234 = vector.broadcast %mul3A_15 : i32 to vector<16xi32>
    %lt3A_235 = arith.cmpi slt, %broadcast_in_dim3A_233, %lt3A_234 : vector<16xi32>
    tpu.vector_store_idx %arg15[%get3A_231], %broadcast_in_dim3A_8 masked %lt3A_235 {add = true} : memref<16xi32, #tpu.memory_space<vmem>>[vector<16xi32>], vector<16xi32>, vector<16xi1>
    %get3A_236 = arith.constant 592 : index
    %get3A_237 = tpu.vector_load %arg11[%get3A_236] {strides = array<i32>} : memref<2048xi32, #tpu.memory_space<vmem>>, vector<16xi32>,
    tpu.vector_store_idx %arg16[%get3A_237], %broadcast_in_dim3A_8 masked %broadcast_in_dim3A_10 {add = true} : memref<16xi32, #tpu.memory_space<vmem>>[vector<16xi32>], vector<16xi32>, vector<16xi1>
    %broadcast_in_dim3A_238 = arith.constant 37 : i32
    %broadcast_in_dim3A_239 = vector.broadcast %broadcast_in_dim3A_238 : i32 to vector<16xi32>
    %lt3A_240 = vector.broadcast %mul3A_15 : i32 to vector<16xi32>
    %lt3A_241 = arith.cmpi slt, %broadcast_in_dim3A_239, %lt3A_240 : vector<16xi32>
    tpu.vector_store_idx %arg15[%get3A_237], %broadcast_in_dim3A_8 masked %lt3A_241 {add = true} : memref<16xi32, #tpu.memory_space<vmem>>[vector<16xi32>], vector<16xi32>, vector<16xi1>
    %get3A_242 = arith.constant 608 : index
    %get3A_243 = tpu.vector_load %arg11[%get3A_242] {strides = array<i32>} : memref<2048xi32, #tpu.memory_space<vmem>>, vector<16xi32>,
    tpu.vector_store_idx %arg16[%get3A_243], %broadcast_in_dim3A_8 masked %broadcast_in_dim3A_10 {add = true} : memref<16xi32, #tpu.memory_space<vmem>>[vector<16xi32>], vector<16xi32>, vector<16xi1>
    %broadcast_in_dim3A_244 = arith.constant 38 : i32
    %broadcast_in_dim3A_245 = vector.broadcast %broadcast_in_dim3A_244 : i32 to vector<16xi32>
    %lt3A_246 = vector.broadcast %mul3A_15 : i32 to vector<16xi32>
    %lt3A_247 = arith.cmpi slt, %broadcast_in_dim3A_245, %lt3A_246 : vector<16xi32>
    tpu.vector_store_idx %arg15[%get3A_243], %broadcast_in_dim3A_8 masked %lt3A_247 {add = true} : memref<16xi32, #tpu.memory_space<vmem>>[vector<16xi32>], vector<16xi32>, vector<16xi1>
    %get3A_248 = arith.constant 624 : index
    %get3A_249 = tpu.vector_load %arg11[%get3A_248] {strides = array<i32>} : memref<2048xi32, #tpu.memory_space<vmem>>, vector<16xi32>,
    tpu.vector_store_idx %arg16[%get3A_249], %broadcast_in_dim3A_8 masked %broadcast_in_dim3A_10 {add = true} : memref<16xi32, #tpu.memory_space<vmem>>[vector<16xi32>], vector<16xi32>, vector<16xi1>
    %broadcast_in_dim3A_250 = arith.constant 39 : i32
    %broadcast_in_dim3A_251 = vector.broadcast %broadcast_in_dim3A_250 : i32 to vector<16xi32>
    %lt3A_252 = vector.broadcast %mul3A_15 : i32 to vector<16xi32>
    %lt3A_253 = arith.cmpi slt, %broadcast_in_dim3A_251, %lt3A_252 : vector<16xi32>
    tpu.vector_store_idx %arg15[%get3A_249], %broadcast_in_dim3A_8 masked %lt3A_253 {add = true} : memref<16xi32, #tpu.memory_space<vmem>>[vector<16xi32>], vector<16xi32>, vector<16xi1>
    %get3A_254 = arith.constant 640 : index
    %get3A_255 = tpu.vector_load %arg11[%get3A_254] {strides = array<i32>} : memref<2048xi32, #tpu.memory_space<vmem>>, vector<16xi32>,
    tpu.vector_store_idx %arg16[%get3A_255], %broadcast_in_dim3A_8 masked %broadcast_in_dim3A_10 {add = true} : memref<16xi32, #tpu.memory_space<vmem>>[vector<16xi32>], vector<16xi32>, vector<16xi1>
    %broadcast_in_dim3A_256 = arith.constant 40 : i32
    %broadcast_in_dim3A_257 = vector.broadcast %broadcast_in_dim3A_256 : i32 to vector<16xi32>
    %lt3A_258 = vector.broadcast %mul3A_15 : i32 to vector<16xi32>
    %lt3A_259 = arith.cmpi slt, %broadcast_in_dim3A_257, %lt3A_258 : vector<16xi32>
    tpu.vector_store_idx %arg15[%get3A_255], %broadcast_in_dim3A_8 masked %lt3A_259 {add = true} : memref<16xi32, #tpu.memory_space<vmem>>[vector<16xi32>], vector<16xi32>, vector<16xi1>
    %get3A_260 = arith.constant 656 : index
    %get3A_261 = tpu.vector_load %arg11[%get3A_260] {strides = array<i32>} : memref<2048xi32, #tpu.memory_space<vmem>>, vector<16xi32>,
    tpu.vector_store_idx %arg16[%get3A_261], %broadcast_in_dim3A_8 masked %broadcast_in_dim3A_10 {add = true} : memref<16xi32, #tpu.memory_space<vmem>>[vector<16xi32>], vector<16xi32>, vector<16xi1>
    %broadcast_in_dim3A_262 = arith.constant 41 : i32
    %broadcast_in_dim3A_263 = vector.broadcast %broadcast_in_dim3A_262 : i32 to vector<16xi32>
    %lt3A_264 = vector.broadcast %mul3A_15 : i32 to vector<16xi32>
    %lt3A_265 = arith.cmpi slt, %broadcast_in_dim3A_263, %lt3A_264 : vector<16xi32>
    tpu.vector_store_idx %arg15[%get3A_261], %broadcast_in_dim3A_8 masked %lt3A_265 {add = true} : memref<16xi32, #tpu.memory_space<vmem>>[vector<16xi32>], vector<16xi32>, vector<16xi1>
    %get3A_266 = arith.constant 672 : index
    %get3A_267 = tpu.vector_load %arg11[%get3A_266] {strides = array<i32>} : memref<2048xi32, #tpu.memory_space<vmem>>, vector<16xi32>,
    tpu.vector_store_idx %arg16[%get3A_267], %broadcast_in_dim3A_8 masked %broadcast_in_dim3A_10 {add = true} : memref<16xi32, #tpu.memory_space<vmem>>[vector<16xi32>], vector<16xi32>, vector<16xi1>
    %broadcast_in_dim3A_268 = arith.constant 42 : i32
    %broadcast_in_dim3A_269 = vector.broadcast %broadcast_in_dim3A_268 : i32 to vector<16xi32>
    %lt3A_270 = vector.broadcast %mul3A_15 : i32 to vector<16xi32>
    %lt3A_271 = arith.cmpi slt, %broadcast_in_dim3A_269, %lt3A_270 : vector<16xi32>
    tpu.vector_store_idx %arg15[%get3A_267], %broadcast_in_dim3A_8 masked %lt3A_271 {add = true} : memref<16xi32, #tpu.memory_space<vmem>>[vector<16xi32>], vector<16xi32>, vector<16xi1>
    %get3A_272 = arith.constant 688 : index
    %get3A_273 = tpu.vector_load %arg11[%get3A_272] {strides = array<i32>} : memref<2048xi32, #tpu.memory_space<vmem>>, vector<16xi32>,
    tpu.vector_store_idx %arg16[%get3A_273], %broadcast_in_dim3A_8 masked %broadcast_in_dim3A_10 {add = true} : memref<16xi32, #tpu.memory_space<vmem>>[vector<16xi32>], vector<16xi32>, vector<16xi1>
    %broadcast_in_dim3A_274 = arith.constant 43 : i32
    %broadcast_in_dim3A_275 = vector.broadcast %broadcast_in_dim3A_274 : i32 to vector<16xi32>
    %lt3A_276 = vector.broadcast %mul3A_15 : i32 to vector<16xi32>
    %lt3A_277 = arith.cmpi slt, %broadcast_in_dim3A_275, %lt3A_276 : vector<16xi32>
    tpu.vector_store_idx %arg15[%get3A_273], %broadcast_in_dim3A_8 masked %lt3A_277 {add = true} : memref<16xi32, #tpu.memory_space<vmem>>[vector<16xi32>], vector<16xi32>, vector<16xi1>
    %get3A_278 = arith.constant 704 : index
    %get3A_279 = tpu.vector_load %arg11[%get3A_278] {strides = array<i32>} : memref<2048xi32, #tpu.memory_space<vmem>>, vector<16xi32>,
    tpu.vector_store_idx %arg16[%get3A_279], %broadcast_in_dim3A_8 masked %broadcast_in_dim3A_10 {add = true} : memref<16xi32, #tpu.memory_space<vmem>>[vector<16xi32>], vector<16xi32>, vector<16xi1>
    %broadcast_in_dim3A_280 = arith.constant 44 : i32
    %broadcast_in_dim3A_281 = vector.broadcast %broadcast_in_dim3A_280 : i32 to vector<16xi32>
    %lt3A_282 = vector.broadcast %mul3A_15 : i32 to vector<16xi32>
    %lt3A_283 = arith.cmpi slt, %broadcast_in_dim3A_281, %lt3A_282 : vector<16xi32>
    tpu.vector_store_idx %arg15[%get3A_279], %broadcast_in_dim3A_8 masked %lt3A_283 {add = true} : memref<16xi32, #tpu.memory_space<vmem>>[vector<16xi32>], vector<16xi32>, vector<16xi1>
    %get3A_284 = arith.constant 720 : index
    %get3A_285 = tpu.vector_load %arg11[%get3A_284] {strides = array<i32>} : memref<2048xi32, #tpu.memory_space<vmem>>, vector<16xi32>,
    tpu.vector_store_idx %arg16[%get3A_285], %broadcast_in_dim3A_8 masked %broadcast_in_dim3A_10 {add = true} : memref<16xi32, #tpu.memory_space<vmem>>[vector<16xi32>], vector<16xi32>, vector<16xi1>
    %broadcast_in_dim3A_286 = arith.constant 45 : i32
    %broadcast_in_dim3A_287 = vector.broadcast %broadcast_in_dim3A_286 : i32 to vector<16xi32>
    %lt3A_288 = vector.broadcast %mul3A_15 : i32 to vector<16xi32>
    %lt3A_289 = arith.cmpi slt, %broadcast_in_dim3A_287, %lt3A_288 : vector<16xi32>
    tpu.vector_store_idx %arg15[%get3A_285], %broadcast_in_dim3A_8 masked %lt3A_289 {add = true} : memref<16xi32, #tpu.memory_space<vmem>>[vector<16xi32>], vector<16xi32>, vector<16xi1>
    %get3A_290 = arith.constant 736 : index
    %get3A_291 = tpu.vector_load %arg11[%get3A_290] {strides = array<i32>} : memref<2048xi32, #tpu.memory_space<vmem>>, vector<16xi32>,
    tpu.vector_store_idx %arg16[%get3A_291], %broadcast_in_dim3A_8 masked %broadcast_in_dim3A_10 {add = true} : memref<16xi32, #tpu.memory_space<vmem>>[vector<16xi32>], vector<16xi32>, vector<16xi1>
    %broadcast_in_dim3A_292 = arith.constant 46 : i32
    %broadcast_in_dim3A_293 = vector.broadcast %broadcast_in_dim3A_292 : i32 to vector<16xi32>
    %lt3A_294 = vector.broadcast %mul3A_15 : i32 to vector<16xi32>
    %lt3A_295 = arith.cmpi slt, %broadcast_in_dim3A_293, %lt3A_294 : vector<16xi32>
    tpu.vector_store_idx %arg15[%get3A_291], %broadcast_in_dim3A_8 masked %lt3A_295 {add = true} : memref<16xi32, #tpu.memory_space<vmem>>[vector<16xi32>], vector<16xi32>, vector<16xi1>
    %get3A_296 = arith.constant 752 : index
    %get3A_297 = tpu.vector_load %arg11[%get3A_296] {strides = array<i32>} : memref<2048xi32, #tpu.memory_space<vmem>>, vector<16xi32>,
    tpu.vector_store_idx %arg16[%get3A_297], %broadcast_in_dim3A_8 masked %broadcast_in_dim3A_10 {add = true} : memref<16xi32, #tpu.memory_space<vmem>>[vector<16xi32>], vector<16xi32>, vector<16xi1>
    %broadcast_in_dim3A_298 = arith.constant 47 : i32
    %broadcast_in_dim3A_299 = vector.broadcast %broadcast_in_dim3A_298 : i32 to vector<16xi32>
    %lt3A_300 = vector.broadcast %mul3A_15 : i32 to vector<16xi32>
    %lt3A_301 = arith.cmpi slt, %broadcast_in_dim3A_299, %lt3A_300 : vector<16xi32>
    tpu.vector_store_idx %arg15[%get3A_297], %broadcast_in_dim3A_8 masked %lt3A_301 {add = true} : memref<16xi32, #tpu.memory_space<vmem>>[vector<16xi32>], vector<16xi32>, vector<16xi1>
    %get3A_302 = arith.constant 768 : index
    %get3A_303 = tpu.vector_load %arg11[%get3A_302] {strides = array<i32>} : memref<2048xi32, #tpu.memory_space<vmem>>, vector<16xi32>,
    tpu.vector_store_idx %arg16[%get3A_303], %broadcast_in_dim3A_8 masked %broadcast_in_dim3A_10 {add = true} : memref<16xi32, #tpu.memory_space<vmem>>[vector<16xi32>], vector<16xi32>, vector<16xi1>
    %broadcast_in_dim3A_304 = arith.constant 48 : i32
    %broadcast_in_dim3A_305 = vector.broadcast %broadcast_in_dim3A_304 : i32 to vector<16xi32>
    %lt3A_306 = vector.broadcast %mul3A_15 : i32 to vector<16xi32>
    %lt3A_307 = arith.cmpi slt, %broadcast_in_dim3A_305, %lt3A_306 : vector<16xi32>
    tpu.vector_store_idx %arg15[%get3A_303], %broadcast_in_dim3A_8 masked %lt3A_307 {add = true} : memref<16xi32, #tpu.memory_space<vmem>>[vector<16xi32>], vector<16xi32>, vector<16xi1>
    %get3A_308 = arith.constant 784 : index
    %get3A_309 = tpu.vector_load %arg11[%get3A_308] {strides = array<i32>} : memref<2048xi32, #tpu.memory_space<vmem>>, vector<16xi32>,
    tpu.vector_store_idx %arg16[%get3A_309], %broadcast_in_dim3A_8 masked %broadcast_in_dim3A_10 {add = true} : memref<16xi32, #tpu.memory_space<vmem>>[vector<16xi32>], vector<16xi32>, vector<16xi1>
    %broadcast_in_dim3A_310 = arith.constant 49 : i32
    %broadcast_in_dim3A_311 = vector.broadcast %broadcast_in_dim3A_310 : i32 to vector<16xi32>
    %lt3A_312 = vector.broadcast %mul3A_15 : i32 to vector<16xi32>
    %lt3A_313 = arith.cmpi slt, %broadcast_in_dim3A_311, %lt3A_312 : vector<16xi32>
    tpu.vector_store_idx %arg15[%get3A_309], %broadcast_in_dim3A_8 masked %lt3A_313 {add = true} : memref<16xi32, #tpu.memory_space<vmem>>[vector<16xi32>], vector<16xi32>, vector<16xi1>
    %get3A_314 = arith.constant 800 : index
    %get3A_315 = tpu.vector_load %arg11[%get3A_314] {strides = array<i32>} : memref<2048xi32, #tpu.memory_space<vmem>>, vector<16xi32>,
    tpu.vector_store_idx %arg16[%get3A_315], %broadcast_in_dim3A_8 masked %broadcast_in_dim3A_10 {add = true} : memref<16xi32, #tpu.memory_space<vmem>>[vector<16xi32>], vector<16xi32>, vector<16xi1>
    %broadcast_in_dim3A_316 = arith.constant 50 : i32
    %broadcast_in_dim3A_317 = vector.broadcast %broadcast_in_dim3A_316 : i32 to vector<16xi32>
    %lt3A_318 = vector.broadcast %mul3A_15 : i32 to vector<16xi32>
    %lt3A_319 = arith.cmpi slt, %broadcast_in_dim3A_317, %lt3A_318 : vector<16xi32>
    tpu.vector_store_idx %arg15[%get3A_315], %broadcast_in_dim3A_8 masked %lt3A_319 {add = true} : memref<16xi32, #tpu.memory_space<vmem>>[vector<16xi32>], vector<16xi32>, vector<16xi1>
    %get3A_320 = arith.constant 816 : index
    %get3A_321 = tpu.vector_load %arg11[%get3A_320] {strides = array<i32>} : memref<2048xi32, #tpu.memory_space<vmem>>, vector<16xi32>,
    tpu.vector_store_idx %arg16[%get3A_321], %broadcast_in_dim3A_8 masked %broadcast_in_dim3A_10 {add = true} : memref<16xi32, #tpu.memory_space<vmem>>[vector<16xi32>], vector<16xi32>, vector<16xi1>
    %broadcast_in_dim3A_322 = arith.constant 51 : i32
    %broadcast_in_dim3A_323 = vector.broadcast %broadcast_in_dim3A_322 : i32 to vector<16xi32>
    %lt3A_324 = vector.broadcast %mul3A_15 : i32 to vector<16xi32>
    %lt3A_325 = arith.cmpi slt, %broadcast_in_dim3A_323, %lt3A_324 : vector<16xi32>
    tpu.vector_store_idx %arg15[%get3A_321], %broadcast_in_dim3A_8 masked %lt3A_325 {add = true} : memref<16xi32, #tpu.memory_space<vmem>>[vector<16xi32>], vector<16xi32>, vector<16xi1>
    %get3A_326 = arith.constant 832 : index
    %get3A_327 = tpu.vector_load %arg11[%get3A_326] {strides = array<i32>} : memref<2048xi32, #tpu.memory_space<vmem>>, vector<16xi32>,
    tpu.vector_store_idx %arg16[%get3A_327], %broadcast_in_dim3A_8 masked %broadcast_in_dim3A_10 {add = true} : memref<16xi32, #tpu.memory_space<vmem>>[vector<16xi32>], vector<16xi32>, vector<16xi1>
    %broadcast_in_dim3A_328 = arith.constant 52 : i32
    %broadcast_in_dim3A_329 = vector.broadcast %broadcast_in_dim3A_328 : i32 to vector<16xi32>
    %lt3A_330 = vector.broadcast %mul3A_15 : i32 to vector<16xi32>
    %lt3A_331 = arith.cmpi slt, %broadcast_in_dim3A_329, %lt3A_330 : vector<16xi32>
    tpu.vector_store_idx %arg15[%get3A_327], %broadcast_in_dim3A_8 masked %lt3A_331 {add = true} : memref<16xi32, #tpu.memory_space<vmem>>[vector<16xi32>], vector<16xi32>, vector<16xi1>
    %get3A_332 = arith.constant 848 : index
    %get3A_333 = tpu.vector_load %arg11[%get3A_332] {strides = array<i32>} : memref<2048xi32, #tpu.memory_space<vmem>>, vector<16xi32>,
    tpu.vector_store_idx %arg16[%get3A_333], %broadcast_in_dim3A_8 masked %broadcast_in_dim3A_10 {add = true} : memref<16xi32, #tpu.memory_space<vmem>>[vector<16xi32>], vector<16xi32>, vector<16xi1>
    %broadcast_in_dim3A_334 = arith.constant 53 : i32
    %broadcast_in_dim3A_335 = vector.broadcast %broadcast_in_dim3A_334 : i32 to vector<16xi32>
    %lt3A_336 = vector.broadcast %mul3A_15 : i32 to vector<16xi32>
    %lt3A_337 = arith.cmpi slt, %broadcast_in_dim3A_335, %lt3A_336 : vector<16xi32>
    tpu.vector_store_idx %arg15[%get3A_333], %broadcast_in_dim3A_8 masked %lt3A_337 {add = true} : memref<16xi32, #tpu.memory_space<vmem>>[vector<16xi32>], vector<16xi32>, vector<16xi1>
    %get3A_338 = arith.constant 864 : index
    %get3A_339 = tpu.vector_load %arg11[%get3A_338] {strides = array<i32>} : memref<2048xi32, #tpu.memory_space<vmem>>, vector<16xi32>,
    tpu.vector_store_idx %arg16[%get3A_339], %broadcast_in_dim3A_8 masked %broadcast_in_dim3A_10 {add = true} : memref<16xi32, #tpu.memory_space<vmem>>[vector<16xi32>], vector<16xi32>, vector<16xi1>
    %broadcast_in_dim3A_340 = arith.constant 54 : i32
    %broadcast_in_dim3A_341 = vector.broadcast %broadcast_in_dim3A_340 : i32 to vector<16xi32>
    %lt3A_342 = vector.broadcast %mul3A_15 : i32 to vector<16xi32>
    %lt3A_343 = arith.cmpi slt, %broadcast_in_dim3A_341, %lt3A_342 : vector<16xi32>
    tpu.vector_store_idx %arg15[%get3A_339], %broadcast_in_dim3A_8 masked %lt3A_343 {add = true} : memref<16xi32, #tpu.memory_space<vmem>>[vector<16xi32>], vector<16xi32>, vector<16xi1>
    %get3A_344 = arith.constant 880 : index
    %get3A_345 = tpu.vector_load %arg11[%get3A_344] {strides = array<i32>} : memref<2048xi32, #tpu.memory_space<vmem>>, vector<16xi32>,
    tpu.vector_store_idx %arg16[%get3A_345], %broadcast_in_dim3A_8 masked %broadcast_in_dim3A_10 {add = true} : memref<16xi32, #tpu.memory_space<vmem>>[vector<16xi32>], vector<16xi32>, vector<16xi1>
    %broadcast_in_dim3A_346 = arith.constant 55 : i32
    %broadcast_in_dim3A_347 = vector.broadcast %broadcast_in_dim3A_346 : i32 to vector<16xi32>
    %lt3A_348 = vector.broadcast %mul3A_15 : i32 to vector<16xi32>
    %lt3A_349 = arith.cmpi slt, %broadcast_in_dim3A_347, %lt3A_348 : vector<16xi32>
    tpu.vector_store_idx %arg15[%get3A_345], %broadcast_in_dim3A_8 masked %lt3A_349 {add = true} : memref<16xi32, #tpu.memory_space<vmem>>[vector<16xi32>], vector<16xi32>, vector<16xi1>
    %get3A_350 = arith.constant 896 : index
    %get3A_351 = tpu.vector_load %arg11[%get3A_350] {strides = array<i32>} : memref<2048xi32, #tpu.memory_space<vmem>>, vector<16xi32>,
    tpu.vector_store_idx %arg16[%get3A_351], %broadcast_in_dim3A_8 masked %broadcast_in_dim3A_10 {add = true} : memref<16xi32, #tpu.memory_space<vmem>>[vector<16xi32>], vector<16xi32>, vector<16xi1>
    %broadcast_in_dim3A_352 = arith.constant 56 : i32
    %broadcast_in_dim3A_353 = vector.broadcast %broadcast_in_dim3A_352 : i32 to vector<16xi32>
    %lt3A_354 = vector.broadcast %mul3A_15 : i32 to vector<16xi32>
    %lt3A_355 = arith.cmpi slt, %broadcast_in_dim3A_353, %lt3A_354 : vector<16xi32>
    tpu.vector_store_idx %arg15[%get3A_351], %broadcast_in_dim3A_8 masked %lt3A_355 {add = true} : memref<16xi32, #tpu.memory_space<vmem>>[vector<16xi32>], vector<16xi32>, vector<16xi1>
    %get3A_356 = arith.constant 912 : index
    %get3A_357 = tpu.vector_load %arg11[%get3A_356] {strides = array<i32>} : memref<2048xi32, #tpu.memory_space<vmem>>, vector<16xi32>,
    tpu.vector_store_idx %arg16[%get3A_357], %broadcast_in_dim3A_8 masked %broadcast_in_dim3A_10 {add = true} : memref<16xi32, #tpu.memory_space<vmem>>[vector<16xi32>], vector<16xi32>, vector<16xi1>
    %broadcast_in_dim3A_358 = arith.constant 57 : i32
    %broadcast_in_dim3A_359 = vector.broadcast %broadcast_in_dim3A_358 : i32 to vector<16xi32>
    %lt3A_360 = vector.broadcast %mul3A_15 : i32 to vector<16xi32>
    %lt3A_361 = arith.cmpi slt, %broadcast_in_dim3A_359, %lt3A_360 : vector<16xi32>
    tpu.vector_store_idx %arg15[%get3A_357], %broadcast_in_dim3A_8 masked %lt3A_361 {add = true} : memref<16xi32, #tpu.memory_space<vmem>>[vector<16xi32>], vector<16xi32>, vector<16xi1>
    %get3A_362 = arith.constant 928 : index
    %get3A_363 = tpu.vector_load %arg11[%get3A_362] {strides = array<i32>} : memref<2048xi32, #tpu.memory_space<vmem>>, vector<16xi32>,
    tpu.vector_store_idx %arg16[%get3A_363], %broadcast_in_dim3A_8 masked %broadcast_in_dim3A_10 {add = true} : memref<16xi32, #tpu.memory_space<vmem>>[vector<16xi32>], vector<16xi32>, vector<16xi1>
    %broadcast_in_dim3A_364 = arith.constant 58 : i32
    %broadcast_in_dim3A_365 = vector.broadcast %broadcast_in_dim3A_364 : i32 to vector<16xi32>
    %lt3A_366 = vector.broadcast %mul3A_15 : i32 to vector<16xi32>
    %lt3A_367 = arith.cmpi slt, %broadcast_in_dim3A_365, %lt3A_366 : vector<16xi32>
    tpu.vector_store_idx %arg15[%get3A_363], %broadcast_in_dim3A_8 masked %lt3A_367 {add = true} : memref<16xi32, #tpu.memory_space<vmem>>[vector<16xi32>], vector<16xi32>, vector<16xi1>
    %get3A_368 = arith.constant 944 : index
    %get3A_369 = tpu.vector_load %arg11[%get3A_368] {strides = array<i32>} : memref<2048xi32, #tpu.memory_space<vmem>>, vector<16xi32>,
    tpu.vector_store_idx %arg16[%get3A_369], %broadcast_in_dim3A_8 masked %broadcast_in_dim3A_10 {add = true} : memref<16xi32, #tpu.memory_space<vmem>>[vector<16xi32>], vector<16xi32>, vector<16xi1>
    %broadcast_in_dim3A_370 = arith.constant 59 : i32
    %broadcast_in_dim3A_371 = vector.broadcast %broadcast_in_dim3A_370 : i32 to vector<16xi32>
    %lt3A_372 = vector.broadcast %mul3A_15 : i32 to vector<16xi32>
    %lt3A_373 = arith.cmpi slt, %broadcast_in_dim3A_371, %lt3A_372 : vector<16xi32>
    tpu.vector_store_idx %arg15[%get3A_369], %broadcast_in_dim3A_8 masked %lt3A_373 {add = true} : memref<16xi32, #tpu.memory_space<vmem>>[vector<16xi32>], vector<16xi32>, vector<16xi1>
    %get3A_374 = arith.constant 960 : index
    %get3A_375 = tpu.vector_load %arg11[%get3A_374] {strides = array<i32>} : memref<2048xi32, #tpu.memory_space<vmem>>, vector<16xi32>,
    tpu.vector_store_idx %arg16[%get3A_375], %broadcast_in_dim3A_8 masked %broadcast_in_dim3A_10 {add = true} : memref<16xi32, #tpu.memory_space<vmem>>[vector<16xi32>], vector<16xi32>, vector<16xi1>
    %broadcast_in_dim3A_376 = arith.constant 60 : i32
    %broadcast_in_dim3A_377 = vector.broadcast %broadcast_in_dim3A_376 : i32 to vector<16xi32>
    %lt3A_378 = vector.broadcast %mul3A_15 : i32 to vector<16xi32>
    %lt3A_379 = arith.cmpi slt, %broadcast_in_dim3A_377, %lt3A_378 : vector<16xi32>
    tpu.vector_store_idx %arg15[%get3A_375], %broadcast_in_dim3A_8 masked %lt3A_379 {add = true} : memref<16xi32, #tpu.memory_space<vmem>>[vector<16xi32>], vector<16xi32>, vector<16xi1>
    %get3A_380 = arith.constant 976 : index
    %get3A_381 = tpu.vector_load %arg11[%get3A_380] {strides = array<i32>} : memref<2048xi32, #tpu.memory_space<vmem>>, vector<16xi32>,
    tpu.vector_store_idx %arg16[%get3A_381], %broadcast_in_dim3A_8 masked %broadcast_in_dim3A_10 {add = true} : memref<16xi32, #tpu.memory_space<vmem>>[vector<16xi32>], vector<16xi32>, vector<16xi1>
    %broadcast_in_dim3A_382 = arith.constant 61 : i32
    %broadcast_in_dim3A_383 = vector.broadcast %broadcast_in_dim3A_382 : i32 to vector<16xi32>
    %lt3A_384 = vector.broadcast %mul3A_15 : i32 to vector<16xi32>
    %lt3A_385 = arith.cmpi slt, %broadcast_in_dim3A_383, %lt3A_384 : vector<16xi32>
    tpu.vector_store_idx %arg15[%get3A_381], %broadcast_in_dim3A_8 masked %lt3A_385 {add = true} : memref<16xi32, #tpu.memory_space<vmem>>[vector<16xi32>], vector<16xi32>, vector<16xi1>
    %get3A_386 = arith.constant 992 : index
    %get3A_387 = tpu.vector_load %arg11[%get3A_386] {strides = array<i32>} : memref<2048xi32, #tpu.memory_space<vmem>>, vector<16xi32>,
    tpu.vector_store_idx %arg16[%get3A_387], %broadcast_in_dim3A_8 masked %broadcast_in_dim3A_10 {add = true} : memref<16xi32, #tpu.memory_space<vmem>>[vector<16xi32>], vector<16xi32>, vector<16xi1>
    %broadcast_in_dim3A_388 = arith.constant 62 : i32
    %broadcast_in_dim3A_389 = vector.broadcast %broadcast_in_dim3A_388 : i32 to vector<16xi32>
    %lt3A_390 = vector.broadcast %mul3A_15 : i32 to vector<16xi32>
    %lt3A_391 = arith.cmpi slt, %broadcast_in_dim3A_389, %lt3A_390 : vector<16xi32>
    tpu.vector_store_idx %arg15[%get3A_387], %broadcast_in_dim3A_8 masked %lt3A_391 {add = true} : memref<16xi32, #tpu.memory_space<vmem>>[vector<16xi32>], vector<16xi32>, vector<16xi1>
    %get3A_392 = arith.constant 1008 : index
    %get3A_393 = tpu.vector_load %arg11[%get3A_392] {strides = array<i32>} : memref<2048xi32, #tpu.memory_space<vmem>>, vector<16xi32>,
    tpu.vector_store_idx %arg16[%get3A_393], %broadcast_in_dim3A_8 masked %broadcast_in_dim3A_10 {add = true} : memref<16xi32, #tpu.memory_space<vmem>>[vector<16xi32>], vector<16xi32>, vector<16xi1>
    %broadcast_in_dim3A_394 = arith.constant 63 : i32
    %broadcast_in_dim3A_395 = vector.broadcast %broadcast_in_dim3A_394 : i32 to vector<16xi32>
    %lt3A_396 = vector.broadcast %mul3A_15 : i32 to vector<16xi32>
    %lt3A_397 = arith.cmpi slt, %broadcast_in_dim3A_395, %lt3A_396 : vector<16xi32>
    tpu.vector_store_idx %arg15[%get3A_393], %broadcast_in_dim3A_8 masked %lt3A_397 {add = true} : memref<16xi32, #tpu.memory_space<vmem>>[vector<16xi32>], vector<16xi32>, vector<16xi1>
    %get3A_398 = arith.constant 1024 : index
    %get3A_399 = tpu.vector_load %arg11[%get3A_398] {strides = array<i32>} : memref<2048xi32, #tpu.memory_space<vmem>>, vector<16xi32>,
    tpu.vector_store_idx %arg16[%get3A_399], %broadcast_in_dim3A_8 masked %broadcast_in_dim3A_10 {add = true} : memref<16xi32, #tpu.memory_space<vmem>>[vector<16xi32>], vector<16xi32>, vector<16xi1>
    %broadcast_in_dim3A_400 = arith.constant 64 : i32
    %broadcast_in_dim3A_401 = vector.broadcast %broadcast_in_dim3A_400 : i32 to vector<16xi32>
    %lt3A_402 = vector.broadcast %mul3A_15 : i32 to vector<16xi32>
    %lt3A_403 = arith.cmpi slt, %broadcast_in_dim3A_401, %lt3A_402 : vector<16xi32>
    tpu.vector_store_idx %arg15[%get3A_399], %broadcast_in_dim3A_8 masked %lt3A_403 {add = true} : memref<16xi32, #tpu.memory_space<vmem>>[vector<16xi32>], vector<16xi32>, vector<16xi1>
    %get3A_404 = arith.constant 1040 : index
    %get3A_405 = tpu.vector_load %arg11[%get3A_404] {strides = array<i32>} : memref<2048xi32, #tpu.memory_space<vmem>>, vector<16xi32>,
    tpu.vector_store_idx %arg16[%get3A_405], %broadcast_in_dim3A_8 masked %broadcast_in_dim3A_10 {add = true} : memref<16xi32, #tpu.memory_space<vmem>>[vector<16xi32>], vector<16xi32>, vector<16xi1>
    %broadcast_in_dim3A_406 = arith.constant 65 : i32
    %broadcast_in_dim3A_407 = vector.broadcast %broadcast_in_dim3A_406 : i32 to vector<16xi32>
    %lt3A_408 = vector.broadcast %mul3A_15 : i32 to vector<16xi32>
    %lt3A_409 = arith.cmpi slt, %broadcast_in_dim3A_407, %lt3A_408 : vector<16xi32>
    tpu.vector_store_idx %arg15[%get3A_405], %broadcast_in_dim3A_8 masked %lt3A_409 {add = true} : memref<16xi32, #tpu.memory_space<vmem>>[vector<16xi32>], vector<16xi32>, vector<16xi1>
    %get3A_410 = arith.constant 1056 : index
    %get3A_411 = tpu.vector_load %arg11[%get3A_410] {strides = array<i32>} : memref<2048xi32, #tpu.memory_space<vmem>>, vector<16xi32>,
    tpu.vector_store_idx %arg16[%get3A_411], %broadcast_in_dim3A_8 masked %broadcast_in_dim3A_10 {add = true} : memref<16xi32, #tpu.memory_space<vmem>>[vector<16xi32>], vector<16xi32>, vector<16xi1>
    %broadcast_in_dim3A_412 = arith.constant 66 : i32
    %broadcast_in_dim3A_413 = vector.broadcast %broadcast_in_dim3A_412 : i32 to vector<16xi32>
    %lt3A_414 = vector.broadcast %mul3A_15 : i32 to vector<16xi32>
    %lt3A_415 = arith.cmpi slt, %broadcast_in_dim3A_413, %lt3A_414 : vector<16xi32>
    tpu.vector_store_idx %arg15[%get3A_411], %broadcast_in_dim3A_8 masked %lt3A_415 {add = true} : memref<16xi32, #tpu.memory_space<vmem>>[vector<16xi32>], vector<16xi32>, vector<16xi1>
    %get3A_416 = arith.constant 1072 : index
    %get3A_417 = tpu.vector_load %arg11[%get3A_416] {strides = array<i32>} : memref<2048xi32, #tpu.memory_space<vmem>>, vector<16xi32>,
    tpu.vector_store_idx %arg16[%get3A_417], %broadcast_in_dim3A_8 masked %broadcast_in_dim3A_10 {add = true} : memref<16xi32, #tpu.memory_space<vmem>>[vector<16xi32>], vector<16xi32>, vector<16xi1>
    %broadcast_in_dim3A_418 = arith.constant 67 : i32
    %broadcast_in_dim3A_419 = vector.broadcast %broadcast_in_dim3A_418 : i32 to vector<16xi32>
    %lt3A_420 = vector.broadcast %mul3A_15 : i32 to vector<16xi32>
    %lt3A_421 = arith.cmpi slt, %broadcast_in_dim3A_419, %lt3A_420 : vector<16xi32>
    tpu.vector_store_idx %arg15[%get3A_417], %broadcast_in_dim3A_8 masked %lt3A_421 {add = true} : memref<16xi32, #tpu.memory_space<vmem>>[vector<16xi32>], vector<16xi32>, vector<16xi1>
    %get3A_422 = arith.constant 1088 : index
    %get3A_423 = tpu.vector_load %arg11[%get3A_422] {strides = array<i32>} : memref<2048xi32, #tpu.memory_space<vmem>>, vector<16xi32>,
    tpu.vector_store_idx %arg16[%get3A_423], %broadcast_in_dim3A_8 masked %broadcast_in_dim3A_10 {add = true} : memref<16xi32, #tpu.memory_space<vmem>>[vector<16xi32>], vector<16xi32>, vector<16xi1>
    %broadcast_in_dim3A_424 = arith.constant 68 : i32
    %broadcast_in_dim3A_425 = vector.broadcast %broadcast_in_dim3A_424 : i32 to vector<16xi32>
    %lt3A_426 = vector.broadcast %mul3A_15 : i32 to vector<16xi32>
    %lt3A_427 = arith.cmpi slt, %broadcast_in_dim3A_425, %lt3A_426 : vector<16xi32>
    tpu.vector_store_idx %arg15[%get3A_423], %broadcast_in_dim3A_8 masked %lt3A_427 {add = true} : memref<16xi32, #tpu.memory_space<vmem>>[vector<16xi32>], vector<16xi32>, vector<16xi1>
    %get3A_428 = arith.constant 1104 : index
    %get3A_429 = tpu.vector_load %arg11[%get3A_428] {strides = array<i32>} : memref<2048xi32, #tpu.memory_space<vmem>>, vector<16xi32>,
    tpu.vector_store_idx %arg16[%get3A_429], %broadcast_in_dim3A_8 masked %broadcast_in_dim3A_10 {add = true} : memref<16xi32, #tpu.memory_space<vmem>>[vector<16xi32>], vector<16xi32>, vector<16xi1>
    %broadcast_in_dim3A_430 = arith.constant 69 : i32
    %broadcast_in_dim3A_431 = vector.broadcast %broadcast_in_dim3A_430 : i32 to vector<16xi32>
    %lt3A_432 = vector.broadcast %mul3A_15 : i32 to vector<16xi32>
    %lt3A_433 = arith.cmpi slt, %broadcast_in_dim3A_431, %lt3A_432 : vector<16xi32>
    tpu.vector_store_idx %arg15[%get3A_429], %broadcast_in_dim3A_8 masked %lt3A_433 {add = true} : memref<16xi32, #tpu.memory_space<vmem>>[vector<16xi32>], vector<16xi32>, vector<16xi1>
    %get3A_434 = arith.constant 1120 : index
    %get3A_435 = tpu.vector_load %arg11[%get3A_434] {strides = array<i32>} : memref<2048xi32, #tpu.memory_space<vmem>>, vector<16xi32>,
    tpu.vector_store_idx %arg16[%get3A_435], %broadcast_in_dim3A_8 masked %broadcast_in_dim3A_10 {add = true} : memref<16xi32, #tpu.memory_space<vmem>>[vector<16xi32>], vector<16xi32>, vector<16xi1>
    %broadcast_in_dim3A_436 = arith.constant 70 : i32
    %broadcast_in_dim3A_437 = vector.broadcast %broadcast_in_dim3A_436 : i32 to vector<16xi32>
    %lt3A_438 = vector.broadcast %mul3A_15 : i32 to vector<16xi32>
    %lt3A_439 = arith.cmpi slt, %broadcast_in_dim3A_437, %lt3A_438 : vector<16xi32>
    tpu.vector_store_idx %arg15[%get3A_435], %broadcast_in_dim3A_8 masked %lt3A_439 {add = true} : memref<16xi32, #tpu.memory_space<vmem>>[vector<16xi32>], vector<16xi32>, vector<16xi1>
    %get3A_440 = arith.constant 1136 : index
    %get3A_441 = tpu.vector_load %arg11[%get3A_440] {strides = array<i32>} : memref<2048xi32, #tpu.memory_space<vmem>>, vector<16xi32>,
    tpu.vector_store_idx %arg16[%get3A_441], %broadcast_in_dim3A_8 masked %broadcast_in_dim3A_10 {add = true} : memref<16xi32, #tpu.memory_space<vmem>>[vector<16xi32>], vector<16xi32>, vector<16xi1>
    %broadcast_in_dim3A_442 = arith.constant 71 : i32
    %broadcast_in_dim3A_443 = vector.broadcast %broadcast_in_dim3A_442 : i32 to vector<16xi32>
    %lt3A_444 = vector.broadcast %mul3A_15 : i32 to vector<16xi32>
    %lt3A_445 = arith.cmpi slt, %broadcast_in_dim3A_443, %lt3A_444 : vector<16xi32>
    tpu.vector_store_idx %arg15[%get3A_441], %broadcast_in_dim3A_8 masked %lt3A_445 {add = true} : memref<16xi32, #tpu.memory_space<vmem>>[vector<16xi32>], vector<16xi32>, vector<16xi1>
    %get3A_446 = arith.constant 1152 : index
    %get3A_447 = tpu.vector_load %arg11[%get3A_446] {strides = array<i32>} : memref<2048xi32, #tpu.memory_space<vmem>>, vector<16xi32>,
    tpu.vector_store_idx %arg16[%get3A_447], %broadcast_in_dim3A_8 masked %broadcast_in_dim3A_10 {add = true} : memref<16xi32, #tpu.memory_space<vmem>>[vector<16xi32>], vector<16xi32>, vector<16xi1>
    %broadcast_in_dim3A_448 = arith.constant 72 : i32
    %broadcast_in_dim3A_449 = vector.broadcast %broadcast_in_dim3A_448 : i32 to vector<16xi32>
    %lt3A_450 = vector.broadcast %mul3A_15 : i32 to vector<16xi32>
    %lt3A_451 = arith.cmpi slt, %broadcast_in_dim3A_449, %lt3A_450 : vector<16xi32>
    tpu.vector_store_idx %arg15[%get3A_447], %broadcast_in_dim3A_8 masked %lt3A_451 {add = true} : memref<16xi32, #tpu.memory_space<vmem>>[vector<16xi32>], vector<16xi32>, vector<16xi1>
    %get3A_452 = arith.constant 1168 : index
    %get3A_453 = tpu.vector_load %arg11[%get3A_452] {strides = array<i32>} : memref<2048xi32, #tpu.memory_space<vmem>>, vector<16xi32>,
    tpu.vector_store_idx %arg16[%get3A_453], %broadcast_in_dim3A_8 masked %broadcast_in_dim3A_10 {add = true} : memref<16xi32, #tpu.memory_space<vmem>>[vector<16xi32>], vector<16xi32>, vector<16xi1>
    %broadcast_in_dim3A_454 = arith.constant 73 : i32
    %broadcast_in_dim3A_455 = vector.broadcast %broadcast_in_dim3A_454 : i32 to vector<16xi32>
    %lt3A_456 = vector.broadcast %mul3A_15 : i32 to vector<16xi32>
    %lt3A_457 = arith.cmpi slt, %broadcast_in_dim3A_455, %lt3A_456 : vector<16xi32>
    tpu.vector_store_idx %arg15[%get3A_453], %broadcast_in_dim3A_8 masked %lt3A_457 {add = true} : memref<16xi32, #tpu.memory_space<vmem>>[vector<16xi32>], vector<16xi32>, vector<16xi1>
    %get3A_458 = arith.constant 1184 : index
    %get3A_459 = tpu.vector_load %arg11[%get3A_458] {strides = array<i32>} : memref<2048xi32, #tpu.memory_space<vmem>>, vector<16xi32>,
    tpu.vector_store_idx %arg16[%get3A_459], %broadcast_in_dim3A_8 masked %broadcast_in_dim3A_10 {add = true} : memref<16xi32, #tpu.memory_space<vmem>>[vector<16xi32>], vector<16xi32>, vector<16xi1>
    %broadcast_in_dim3A_460 = arith.constant 74 : i32
    %broadcast_in_dim3A_461 = vector.broadcast %broadcast_in_dim3A_460 : i32 to vector<16xi32>
    %lt3A_462 = vector.broadcast %mul3A_15 : i32 to vector<16xi32>
    %lt3A_463 = arith.cmpi slt, %broadcast_in_dim3A_461, %lt3A_462 : vector<16xi32>
    tpu.vector_store_idx %arg15[%get3A_459], %broadcast_in_dim3A_8 masked %lt3A_463 {add = true} : memref<16xi32, #tpu.memory_space<vmem>>[vector<16xi32>], vector<16xi32>, vector<16xi1>
    %get3A_464 = arith.constant 1200 : index
    %get3A_465 = tpu.vector_load %arg11[%get3A_464] {strides = array<i32>} : memref<2048xi32, #tpu.memory_space<vmem>>, vector<16xi32>,
    tpu.vector_store_idx %arg16[%get3A_465], %broadcast_in_dim3A_8 masked %broadcast_in_dim3A_10 {add = true} : memref<16xi32, #tpu.memory_space<vmem>>[vector<16xi32>], vector<16xi32>, vector<16xi1>
    %broadcast_in_dim3A_466 = arith.constant 75 : i32
    %broadcast_in_dim3A_467 = vector.broadcast %broadcast_in_dim3A_466 : i32 to vector<16xi32>
    %lt3A_468 = vector.broadcast %mul3A_15 : i32 to vector<16xi32>
    %lt3A_469 = arith.cmpi slt, %broadcast_in_dim3A_467, %lt3A_468 : vector<16xi32>
    tpu.vector_store_idx %arg15[%get3A_465], %broadcast_in_dim3A_8 masked %lt3A_469 {add = true} : memref<16xi32, #tpu.memory_space<vmem>>[vector<16xi32>], vector<16xi32>, vector<16xi1>
    %get3A_470 = arith.constant 1216 : index
    %get3A_471 = tpu.vector_load %arg11[%get3A_470] {strides = array<i32>} : memref<2048xi32, #tpu.memory_space<vmem>>, vector<16xi32>,
    tpu.vector_store_idx %arg16[%get3A_471], %broadcast_in_dim3A_8 masked %broadcast_in_dim3A_10 {add = true} : memref<16xi32, #tpu.memory_space<vmem>>[vector<16xi32>], vector<16xi32>, vector<16xi1>
    %broadcast_in_dim3A_472 = arith.constant 76 : i32
    %broadcast_in_dim3A_473 = vector.broadcast %broadcast_in_dim3A_472 : i32 to vector<16xi32>
    %lt3A_474 = vector.broadcast %mul3A_15 : i32 to vector<16xi32>
    %lt3A_475 = arith.cmpi slt, %broadcast_in_dim3A_473, %lt3A_474 : vector<16xi32>
    tpu.vector_store_idx %arg15[%get3A_471], %broadcast_in_dim3A_8 masked %lt3A_475 {add = true} : memref<16xi32, #tpu.memory_space<vmem>>[vector<16xi32>], vector<16xi32>, vector<16xi1>
    %get3A_476 = arith.constant 1232 : index
    %get3A_477 = tpu.vector_load %arg11[%get3A_476] {strides = array<i32>} : memref<2048xi32, #tpu.memory_space<vmem>>, vector<16xi32>,
    tpu.vector_store_idx %arg16[%get3A_477], %broadcast_in_dim3A_8 masked %broadcast_in_dim3A_10 {add = true} : memref<16xi32, #tpu.memory_space<vmem>>[vector<16xi32>], vector<16xi32>, vector<16xi1>
    %broadcast_in_dim3A_478 = arith.constant 77 : i32
    %broadcast_in_dim3A_479 = vector.broadcast %broadcast_in_dim3A_478 : i32 to vector<16xi32>
    %lt3A_480 = vector.broadcast %mul3A_15 : i32 to vector<16xi32>
    %lt3A_481 = arith.cmpi slt, %broadcast_in_dim3A_479, %lt3A_480 : vector<16xi32>
    tpu.vector_store_idx %arg15[%get3A_477], %broadcast_in_dim3A_8 masked %lt3A_481 {add = true} : memref<16xi32, #tpu.memory_space<vmem>>[vector<16xi32>], vector<16xi32>, vector<16xi1>
    %get3A_482 = arith.constant 1248 : index
    %get3A_483 = tpu.vector_load %arg11[%get3A_482] {strides = array<i32>} : memref<2048xi32, #tpu.memory_space<vmem>>, vector<16xi32>,
    tpu.vector_store_idx %arg16[%get3A_483], %broadcast_in_dim3A_8 masked %broadcast_in_dim3A_10 {add = true} : memref<16xi32, #tpu.memory_space<vmem>>[vector<16xi32>], vector<16xi32>, vector<16xi1>
    %broadcast_in_dim3A_484 = arith.constant 78 : i32
    %broadcast_in_dim3A_485 = vector.broadcast %broadcast_in_dim3A_484 : i32 to vector<16xi32>
    %lt3A_486 = vector.broadcast %mul3A_15 : i32 to vector<16xi32>
    %lt3A_487 = arith.cmpi slt, %broadcast_in_dim3A_485, %lt3A_486 : vector<16xi32>
    tpu.vector_store_idx %arg15[%get3A_483], %broadcast_in_dim3A_8 masked %lt3A_487 {add = true} : memref<16xi32, #tpu.memory_space<vmem>>[vector<16xi32>], vector<16xi32>, vector<16xi1>
    %get3A_488 = arith.constant 1264 : index
    %get3A_489 = tpu.vector_load %arg11[%get3A_488] {strides = array<i32>} : memref<2048xi32, #tpu.memory_space<vmem>>, vector<16xi32>,
    tpu.vector_store_idx %arg16[%get3A_489], %broadcast_in_dim3A_8 masked %broadcast_in_dim3A_10 {add = true} : memref<16xi32, #tpu.memory_space<vmem>>[vector<16xi32>], vector<16xi32>, vector<16xi1>
    %broadcast_in_dim3A_490 = arith.constant 79 : i32
    %broadcast_in_dim3A_491 = vector.broadcast %broadcast_in_dim3A_490 : i32 to vector<16xi32>
    %lt3A_492 = vector.broadcast %mul3A_15 : i32 to vector<16xi32>
    %lt3A_493 = arith.cmpi slt, %broadcast_in_dim3A_491, %lt3A_492 : vector<16xi32>
    tpu.vector_store_idx %arg15[%get3A_489], %broadcast_in_dim3A_8 masked %lt3A_493 {add = true} : memref<16xi32, #tpu.memory_space<vmem>>[vector<16xi32>], vector<16xi32>, vector<16xi1>
    %get3A_494 = arith.constant 1280 : index
    %get3A_495 = tpu.vector_load %arg11[%get3A_494] {strides = array<i32>} : memref<2048xi32, #tpu.memory_space<vmem>>, vector<16xi32>,
    tpu.vector_store_idx %arg16[%get3A_495], %broadcast_in_dim3A_8 masked %broadcast_in_dim3A_10 {add = true} : memref<16xi32, #tpu.memory_space<vmem>>[vector<16xi32>], vector<16xi32>, vector<16xi1>
    %broadcast_in_dim3A_496 = arith.constant 80 : i32
    %broadcast_in_dim3A_497 = vector.broadcast %broadcast_in_dim3A_496 : i32 to vector<16xi32>
    %lt3A_498 = vector.broadcast %mul3A_15 : i32 to vector<16xi32>
    %lt3A_499 = arith.cmpi slt, %broadcast_in_dim3A_497, %lt3A_498 : vector<16xi32>
    tpu.vector_store_idx %arg15[%get3A_495], %broadcast_in_dim3A_8 masked %lt3A_499 {add = true} : memref<16xi32, #tpu.memory_space<vmem>>[vector<16xi32>], vector<16xi32>, vector<16xi1>
    %get3A_500 = arith.constant 1296 : index
    %get3A_501 = tpu.vector_load %arg11[%get3A_500] {strides = array<i32>} : memref<2048xi32, #tpu.memory_space<vmem>>, vector<16xi32>,
    tpu.vector_store_idx %arg16[%get3A_501], %broadcast_in_dim3A_8 masked %broadcast_in_dim3A_10 {add = true} : memref<16xi32, #tpu.memory_space<vmem>>[vector<16xi32>], vector<16xi32>, vector<16xi1>
    %broadcast_in_dim3A_502 = arith.constant 81 : i32
    %broadcast_in_dim3A_503 = vector.broadcast %broadcast_in_dim3A_502 : i32 to vector<16xi32>
    %lt3A_504 = vector.broadcast %mul3A_15 : i32 to vector<16xi32>
    %lt3A_505 = arith.cmpi slt, %broadcast_in_dim3A_503, %lt3A_504 : vector<16xi32>
    tpu.vector_store_idx %arg15[%get3A_501], %broadcast_in_dim3A_8 masked %lt3A_505 {add = true} : memref<16xi32, #tpu.memory_space<vmem>>[vector<16xi32>], vector<16xi32>, vector<16xi1>
    %get3A_506 = arith.constant 1312 : index
    %get3A_507 = tpu.vector_load %arg11[%get3A_506] {strides = array<i32>} : memref<2048xi32, #tpu.memory_space<vmem>>, vector<16xi32>,
    tpu.vector_store_idx %arg16[%get3A_507], %broadcast_in_dim3A_8 masked %broadcast_in_dim3A_10 {add = true} : memref<16xi32, #tpu.memory_space<vmem>>[vector<16xi32>], vector<16xi32>, vector<16xi1>
    %broadcast_in_dim3A_508 = arith.constant 82 : i32
    %broadcast_in_dim3A_509 = vector.broadcast %broadcast_in_dim3A_508 : i32 to vector<16xi32>
    %lt3A_510 = vector.broadcast %mul3A_15 : i32 to vector<16xi32>
    %lt3A_511 = arith.cmpi slt, %broadcast_in_dim3A_509, %lt3A_510 : vector<16xi32>
    tpu.vector_store_idx %arg15[%get3A_507], %broadcast_in_dim3A_8 masked %lt3A_511 {add = true} : memref<16xi32, #tpu.memory_space<vmem>>[vector<16xi32>], vector<16xi32>, vector<16xi1>
    %get3A_512 = arith.constant 1328 : index
    %get3A_513 = tpu.vector_load %arg11[%get3A_512] {strides = array<i32>} : memref<2048xi32, #tpu.memory_space<vmem>>, vector<16xi32>,
    tpu.vector_store_idx %arg16[%get3A_513], %broadcast_in_dim3A_8 masked %broadcast_in_dim3A_10 {add = true} : memref<16xi32, #tpu.memory_space<vmem>>[vector<16xi32>], vector<16xi32>, vector<16xi1>
    %broadcast_in_dim3A_514 = arith.constant 83 : i32
    %broadcast_in_dim3A_515 = vector.broadcast %broadcast_in_dim3A_514 : i32 to vector<16xi32>
    %lt3A_516 = vector.broadcast %mul3A_15 : i32 to vector<16xi32>
    %lt3A_517 = arith.cmpi slt, %broadcast_in_dim3A_515, %lt3A_516 : vector<16xi32>
    tpu.vector_store_idx %arg15[%get3A_513], %broadcast_in_dim3A_8 masked %lt3A_517 {add = true} : memref<16xi32, #tpu.memory_space<vmem>>[vector<16xi32>], vector<16xi32>, vector<16xi1>
    %get3A_518 = arith.constant 1344 : index
    %get3A_519 = tpu.vector_load %arg11[%get3A_518] {strides = array<i32>} : memref<2048xi32, #tpu.memory_space<vmem>>, vector<16xi32>,
    tpu.vector_store_idx %arg16[%get3A_519], %broadcast_in_dim3A_8 masked %broadcast_in_dim3A_10 {add = true} : memref<16xi32, #tpu.memory_space<vmem>>[vector<16xi32>], vector<16xi32>, vector<16xi1>
    %broadcast_in_dim3A_520 = arith.constant 84 : i32
    %broadcast_in_dim3A_521 = vector.broadcast %broadcast_in_dim3A_520 : i32 to vector<16xi32>
    %lt3A_522 = vector.broadcast %mul3A_15 : i32 to vector<16xi32>
    %lt3A_523 = arith.cmpi slt, %broadcast_in_dim3A_521, %lt3A_522 : vector<16xi32>
    tpu.vector_store_idx %arg15[%get3A_519], %broadcast_in_dim3A_8 masked %lt3A_523 {add = true} : memref<16xi32, #tpu.memory_space<vmem>>[vector<16xi32>], vector<16xi32>, vector<16xi1>
    %get3A_524 = arith.constant 1360 : index
    %get3A_525 = tpu.vector_load %arg11[%get3A_524] {strides = array<i32>} : memref<2048xi32, #tpu.memory_space<vmem>>, vector<16xi32>,
    tpu.vector_store_idx %arg16[%get3A_525], %broadcast_in_dim3A_8 masked %broadcast_in_dim3A_10 {add = true} : memref<16xi32, #tpu.memory_space<vmem>>[vector<16xi32>], vector<16xi32>, vector<16xi1>
    %broadcast_in_dim3A_526 = arith.constant 85 : i32
    %broadcast_in_dim3A_527 = vector.broadcast %broadcast_in_dim3A_526 : i32 to vector<16xi32>
    %lt3A_528 = vector.broadcast %mul3A_15 : i32 to vector<16xi32>
    %lt3A_529 = arith.cmpi slt, %broadcast_in_dim3A_527, %lt3A_528 : vector<16xi32>
    tpu.vector_store_idx %arg15[%get3A_525], %broadcast_in_dim3A_8 masked %lt3A_529 {add = true} : memref<16xi32, #tpu.memory_space<vmem>>[vector<16xi32>], vector<16xi32>, vector<16xi1>
    %get3A_530 = arith.constant 1376 : index
    %get3A_531 = tpu.vector_load %arg11[%get3A_530] {strides = array<i32>} : memref<2048xi32, #tpu.memory_space<vmem>>, vector<16xi32>,
    tpu.vector_store_idx %arg16[%get3A_531], %broadcast_in_dim3A_8 masked %broadcast_in_dim3A_10 {add = true} : memref<16xi32, #tpu.memory_space<vmem>>[vector<16xi32>], vector<16xi32>, vector<16xi1>
    %broadcast_in_dim3A_532 = arith.constant 86 : i32
    %broadcast_in_dim3A_533 = vector.broadcast %broadcast_in_dim3A_532 : i32 to vector<16xi32>
    %lt3A_534 = vector.broadcast %mul3A_15 : i32 to vector<16xi32>
    %lt3A_535 = arith.cmpi slt, %broadcast_in_dim3A_533, %lt3A_534 : vector<16xi32>
    tpu.vector_store_idx %arg15[%get3A_531], %broadcast_in_dim3A_8 masked %lt3A_535 {add = true} : memref<16xi32, #tpu.memory_space<vmem>>[vector<16xi32>], vector<16xi32>, vector<16xi1>
    %get3A_536 = arith.constant 1392 : index
    %get3A_537 = tpu.vector_load %arg11[%get3A_536] {strides = array<i32>} : memref<2048xi32, #tpu.memory_space<vmem>>, vector<16xi32>,
    tpu.vector_store_idx %arg16[%get3A_537], %broadcast_in_dim3A_8 masked %broadcast_in_dim3A_10 {add = true} : memref<16xi32, #tpu.memory_space<vmem>>[vector<16xi32>], vector<16xi32>, vector<16xi1>
    %broadcast_in_dim3A_538 = arith.constant 87 : i32
    %broadcast_in_dim3A_539 = vector.broadcast %broadcast_in_dim3A_538 : i32 to vector<16xi32>
    %lt3A_540 = vector.broadcast %mul3A_15 : i32 to vector<16xi32>
    %lt3A_541 = arith.cmpi slt, %broadcast_in_dim3A_539, %lt3A_540 : vector<16xi32>
    tpu.vector_store_idx %arg15[%get3A_537], %broadcast_in_dim3A_8 masked %lt3A_541 {add = true} : memref<16xi32, #tpu.memory_space<vmem>>[vector<16xi32>], vector<16xi32>, vector<16xi1>
    %get3A_542 = arith.constant 1408 : index
    %get3A_543 = tpu.vector_load %arg11[%get3A_542] {strides = array<i32>} : memref<2048xi32, #tpu.memory_space<vmem>>, vector<16xi32>,
    tpu.vector_store_idx %arg16[%get3A_543], %broadcast_in_dim3A_8 masked %broadcast_in_dim3A_10 {add = true} : memref<16xi32, #tpu.memory_space<vmem>>[vector<16xi32>], vector<16xi32>, vector<16xi1>
    %broadcast_in_dim3A_544 = arith.constant 88 : i32
    %broadcast_in_dim3A_545 = vector.broadcast %broadcast_in_dim3A_544 : i32 to vector<16xi32>
    %lt3A_546 = vector.broadcast %mul3A_15 : i32 to vector<16xi32>
    %lt3A_547 = arith.cmpi slt, %broadcast_in_dim3A_545, %lt3A_546 : vector<16xi32>
    tpu.vector_store_idx %arg15[%get3A_543], %broadcast_in_dim3A_8 masked %lt3A_547 {add = true} : memref<16xi32, #tpu.memory_space<vmem>>[vector<16xi32>], vector<16xi32>, vector<16xi1>
    %get3A_548 = arith.constant 1424 : index
    %get3A_549 = tpu.vector_load %arg11[%get3A_548] {strides = array<i32>} : memref<2048xi32, #tpu.memory_space<vmem>>, vector<16xi32>,
    tpu.vector_store_idx %arg16[%get3A_549], %broadcast_in_dim3A_8 masked %broadcast_in_dim3A_10 {add = true} : memref<16xi32, #tpu.memory_space<vmem>>[vector<16xi32>], vector<16xi32>, vector<16xi1>
    %broadcast_in_dim3A_550 = arith.constant 89 : i32
    %broadcast_in_dim3A_551 = vector.broadcast %broadcast_in_dim3A_550 : i32 to vector<16xi32>
    %lt3A_552 = vector.broadcast %mul3A_15 : i32 to vector<16xi32>
    %lt3A_553 = arith.cmpi slt, %broadcast_in_dim3A_551, %lt3A_552 : vector<16xi32>
    tpu.vector_store_idx %arg15[%get3A_549], %broadcast_in_dim3A_8 masked %lt3A_553 {add = true} : memref<16xi32, #tpu.memory_space<vmem>>[vector<16xi32>], vector<16xi32>, vector<16xi1>
    %get3A_554 = arith.constant 1440 : index
    %get3A_555 = tpu.vector_load %arg11[%get3A_554] {strides = array<i32>} : memref<2048xi32, #tpu.memory_space<vmem>>, vector<16xi32>,
    tpu.vector_store_idx %arg16[%get3A_555], %broadcast_in_dim3A_8 masked %broadcast_in_dim3A_10 {add = true} : memref<16xi32, #tpu.memory_space<vmem>>[vector<16xi32>], vector<16xi32>, vector<16xi1>
    %broadcast_in_dim3A_556 = arith.constant 90 : i32
    %broadcast_in_dim3A_557 = vector.broadcast %broadcast_in_dim3A_556 : i32 to vector<16xi32>
    %lt3A_558 = vector.broadcast %mul3A_15 : i32 to vector<16xi32>
    %lt3A_559 = arith.cmpi slt, %broadcast_in_dim3A_557, %lt3A_558 : vector<16xi32>
    tpu.vector_store_idx %arg15[%get3A_555], %broadcast_in_dim3A_8 masked %lt3A_559 {add = true} : memref<16xi32, #tpu.memory_space<vmem>>[vector<16xi32>], vector<16xi32>, vector<16xi1>
    %get3A_560 = arith.constant 1456 : index
    %get3A_561 = tpu.vector_load %arg11[%get3A_560] {strides = array<i32>} : memref<2048xi32, #tpu.memory_space<vmem>>, vector<16xi32>,
    tpu.vector_store_idx %arg16[%get3A_561], %broadcast_in_dim3A_8 masked %broadcast_in_dim3A_10 {add = true} : memref<16xi32, #tpu.memory_space<vmem>>[vector<16xi32>], vector<16xi32>, vector<16xi1>
    %broadcast_in_dim3A_562 = arith.constant 91 : i32
    %broadcast_in_dim3A_563 = vector.broadcast %broadcast_in_dim3A_562 : i32 to vector<16xi32>
    %lt3A_564 = vector.broadcast %mul3A_15 : i32 to vector<16xi32>
    %lt3A_565 = arith.cmpi slt, %broadcast_in_dim3A_563, %lt3A_564 : vector<16xi32>
    tpu.vector_store_idx %arg15[%get3A_561], %broadcast_in_dim3A_8 masked %lt3A_565 {add = true} : memref<16xi32, #tpu.memory_space<vmem>>[vector<16xi32>], vector<16xi32>, vector<16xi1>
    %get3A_566 = arith.constant 1472 : index
    %get3A_567 = tpu.vector_load %arg11[%get3A_566] {strides = array<i32>} : memref<2048xi32, #tpu.memory_space<vmem>>, vector<16xi32>,
    tpu.vector_store_idx %arg16[%get3A_567], %broadcast_in_dim3A_8 masked %broadcast_in_dim3A_10 {add = true} : memref<16xi32, #tpu.memory_space<vmem>>[vector<16xi32>], vector<16xi32>, vector<16xi1>
    %broadcast_in_dim3A_568 = arith.constant 92 : i32
    %broadcast_in_dim3A_569 = vector.broadcast %broadcast_in_dim3A_568 : i32 to vector<16xi32>
    %lt3A_570 = vector.broadcast %mul3A_15 : i32 to vector<16xi32>
    %lt3A_571 = arith.cmpi slt, %broadcast_in_dim3A_569, %lt3A_570 : vector<16xi32>
    tpu.vector_store_idx %arg15[%get3A_567], %broadcast_in_dim3A_8 masked %lt3A_571 {add = true} : memref<16xi32, #tpu.memory_space<vmem>>[vector<16xi32>], vector<16xi32>, vector<16xi1>
    %get3A_572 = arith.constant 1488 : index
    %get3A_573 = tpu.vector_load %arg11[%get3A_572] {strides = array<i32>} : memref<2048xi32, #tpu.memory_space<vmem>>, vector<16xi32>,
    tpu.vector_store_idx %arg16[%get3A_573], %broadcast_in_dim3A_8 masked %broadcast_in_dim3A_10 {add = true} : memref<16xi32, #tpu.memory_space<vmem>>[vector<16xi32>], vector<16xi32>, vector<16xi1>
    %broadcast_in_dim3A_574 = arith.constant 93 : i32
    %broadcast_in_dim3A_575 = vector.broadcast %broadcast_in_dim3A_574 : i32 to vector<16xi32>
    %lt3A_576 = vector.broadcast %mul3A_15 : i32 to vector<16xi32>
    %lt3A_577 = arith.cmpi slt, %broadcast_in_dim3A_575, %lt3A_576 : vector<16xi32>
    tpu.vector_store_idx %arg15[%get3A_573], %broadcast_in_dim3A_8 masked %lt3A_577 {add = true} : memref<16xi32, #tpu.memory_space<vmem>>[vector<16xi32>], vector<16xi32>, vector<16xi1>
    %get3A_578 = arith.constant 1504 : index
    %get3A_579 = tpu.vector_load %arg11[%get3A_578] {strides = array<i32>} : memref<2048xi32, #tpu.memory_space<vmem>>, vector<16xi32>,
    tpu.vector_store_idx %arg16[%get3A_579], %broadcast_in_dim3A_8 masked %broadcast_in_dim3A_10 {add = true} : memref<16xi32, #tpu.memory_space<vmem>>[vector<16xi32>], vector<16xi32>, vector<16xi1>
    %broadcast_in_dim3A_580 = arith.constant 94 : i32
    %broadcast_in_dim3A_581 = vector.broadcast %broadcast_in_dim3A_580 : i32 to vector<16xi32>
    %lt3A_582 = vector.broadcast %mul3A_15 : i32 to vector<16xi32>
    %lt3A_583 = arith.cmpi slt, %broadcast_in_dim3A_581, %lt3A_582 : vector<16xi32>
    tpu.vector_store_idx %arg15[%get3A_579], %broadcast_in_dim3A_8 masked %lt3A_583 {add = true} : memref<16xi32, #tpu.memory_space<vmem>>[vector<16xi32>], vector<16xi32>, vector<16xi1>
    %get3A_584 = arith.constant 1520 : index
    %get3A_585 = tpu.vector_load %arg11[%get3A_584] {strides = array<i32>} : memref<2048xi32, #tpu.memory_space<vmem>>, vector<16xi32>,
    tpu.vector_store_idx %arg16[%get3A_585], %broadcast_in_dim3A_8 masked %broadcast_in_dim3A_10 {add = true} : memref<16xi32, #tpu.memory_space<vmem>>[vector<16xi32>], vector<16xi32>, vector<16xi1>
    %broadcast_in_dim3A_586 = arith.constant 95 : i32
    %broadcast_in_dim3A_587 = vector.broadcast %broadcast_in_dim3A_586 : i32 to vector<16xi32>
    %lt3A_588 = vector.broadcast %mul3A_15 : i32 to vector<16xi32>
    %lt3A_589 = arith.cmpi slt, %broadcast_in_dim3A_587, %lt3A_588 : vector<16xi32>
    tpu.vector_store_idx %arg15[%get3A_585], %broadcast_in_dim3A_8 masked %lt3A_589 {add = true} : memref<16xi32, #tpu.memory_space<vmem>>[vector<16xi32>], vector<16xi32>, vector<16xi1>
    %get3A_590 = arith.constant 1536 : index
    %get3A_591 = tpu.vector_load %arg11[%get3A_590] {strides = array<i32>} : memref<2048xi32, #tpu.memory_space<vmem>>, vector<16xi32>,
    tpu.vector_store_idx %arg16[%get3A_591], %broadcast_in_dim3A_8 masked %broadcast_in_dim3A_10 {add = true} : memref<16xi32, #tpu.memory_space<vmem>>[vector<16xi32>], vector<16xi32>, vector<16xi1>
    %broadcast_in_dim3A_592 = arith.constant 96 : i32
    %broadcast_in_dim3A_593 = vector.broadcast %broadcast_in_dim3A_592 : i32 to vector<16xi32>
    %lt3A_594 = vector.broadcast %mul3A_15 : i32 to vector<16xi32>
    %lt3A_595 = arith.cmpi slt, %broadcast_in_dim3A_593, %lt3A_594 : vector<16xi32>
    tpu.vector_store_idx %arg15[%get3A_591], %broadcast_in_dim3A_8 masked %lt3A_595 {add = true} : memref<16xi32, #tpu.memory_space<vmem>>[vector<16xi32>], vector<16xi32>, vector<16xi1>
    %get3A_596 = arith.constant 1552 : index
    %get3A_597 = tpu.vector_load %arg11[%get3A_596] {strides = array<i32>} : memref<2048xi32, #tpu.memory_space<vmem>>, vector<16xi32>,
    tpu.vector_store_idx %arg16[%get3A_597], %broadcast_in_dim3A_8 masked %broadcast_in_dim3A_10 {add = true} : memref<16xi32, #tpu.memory_space<vmem>>[vector<16xi32>], vector<16xi32>, vector<16xi1>
    %broadcast_in_dim3A_598 = arith.constant 97 : i32
    %broadcast_in_dim3A_599 = vector.broadcast %broadcast_in_dim3A_598 : i32 to vector<16xi32>
    %lt3A_600 = vector.broadcast %mul3A_15 : i32 to vector<16xi32>
    %lt3A_601 = arith.cmpi slt, %broadcast_in_dim3A_599, %lt3A_600 : vector<16xi32>
    tpu.vector_store_idx %arg15[%get3A_597], %broadcast_in_dim3A_8 masked %lt3A_601 {add = true} : memref<16xi32, #tpu.memory_space<vmem>>[vector<16xi32>], vector<16xi32>, vector<16xi1>
    %get3A_602 = arith.constant 1568 : index
    %get3A_603 = tpu.vector_load %arg11[%get3A_602] {strides = array<i32>} : memref<2048xi32, #tpu.memory_space<vmem>>, vector<16xi32>,
    tpu.vector_store_idx %arg16[%get3A_603], %broadcast_in_dim3A_8 masked %broadcast_in_dim3A_10 {add = true} : memref<16xi32, #tpu.memory_space<vmem>>[vector<16xi32>], vector<16xi32>, vector<16xi1>
    %broadcast_in_dim3A_604 = arith.constant 98 : i32
    %broadcast_in_dim3A_605 = vector.broadcast %broadcast_in_dim3A_604 : i32 to vector<16xi32>
    %lt3A_606 = vector.broadcast %mul3A_15 : i32 to vector<16xi32>
    %lt3A_607 = arith.cmpi slt, %broadcast_in_dim3A_605, %lt3A_606 : vector<16xi32>
    tpu.vector_store_idx %arg15[%get3A_603], %broadcast_in_dim3A_8 masked %lt3A_607 {add = true} : memref<16xi32, #tpu.memory_space<vmem>>[vector<16xi32>], vector<16xi32>, vector<16xi1>
    %get3A_608 = arith.constant 1584 : index
    %get3A_609 = tpu.vector_load %arg11[%get3A_608] {strides = array<i32>} : memref<2048xi32, #tpu.memory_space<vmem>>, vector<16xi32>,
    tpu.vector_store_idx %arg16[%get3A_609], %broadcast_in_dim3A_8 masked %broadcast_in_dim3A_10 {add = true} : memref<16xi32, #tpu.memory_space<vmem>>[vector<16xi32>], vector<16xi32>, vector<16xi1>
    %broadcast_in_dim3A_610 = arith.constant 99 : i32
    %broadcast_in_dim3A_611 = vector.broadcast %broadcast_in_dim3A_610 : i32 to vector<16xi32>
    %lt3A_612 = vector.broadcast %mul3A_15 : i32 to vector<16xi32>
    %lt3A_613 = arith.cmpi slt, %broadcast_in_dim3A_611, %lt3A_612 : vector<16xi32>
    tpu.vector_store_idx %arg15[%get3A_609], %broadcast_in_dim3A_8 masked %lt3A_613 {add = true} : memref<16xi32, #tpu.memory_space<vmem>>[vector<16xi32>], vector<16xi32>, vector<16xi1>
    %get3A_614 = arith.constant 1600 : index
    %get3A_615 = tpu.vector_load %arg11[%get3A_614] {strides = array<i32>} : memref<2048xi32, #tpu.memory_space<vmem>>, vector<16xi32>,
    tpu.vector_store_idx %arg16[%get3A_615], %broadcast_in_dim3A_8 masked %broadcast_in_dim3A_10 {add = true} : memref<16xi32, #tpu.memory_space<vmem>>[vector<16xi32>], vector<16xi32>, vector<16xi1>
    %broadcast_in_dim3A_616 = arith.constant 100 : i32
    %broadcast_in_dim3A_617 = vector.broadcast %broadcast_in_dim3A_616 : i32 to vector<16xi32>
    %lt3A_618 = vector.broadcast %mul3A_15 : i32 to vector<16xi32>
    %lt3A_619 = arith.cmpi slt, %broadcast_in_dim3A_617, %lt3A_618 : vector<16xi32>
    tpu.vector_store_idx %arg15[%get3A_615], %broadcast_in_dim3A_8 masked %lt3A_619 {add = true} : memref<16xi32, #tpu.memory_space<vmem>>[vector<16xi32>], vector<16xi32>, vector<16xi1>
    %get3A_620 = arith.constant 1616 : index
    %get3A_621 = tpu.vector_load %arg11[%get3A_620] {strides = array<i32>} : memref<2048xi32, #tpu.memory_space<vmem>>, vector<16xi32>,
    tpu.vector_store_idx %arg16[%get3A_621], %broadcast_in_dim3A_8 masked %broadcast_in_dim3A_10 {add = true} : memref<16xi32, #tpu.memory_space<vmem>>[vector<16xi32>], vector<16xi32>, vector<16xi1>
    %broadcast_in_dim3A_622 = arith.constant 101 : i32
    %broadcast_in_dim3A_623 = vector.broadcast %broadcast_in_dim3A_622 : i32 to vector<16xi32>
    %lt3A_624 = vector.broadcast %mul3A_15 : i32 to vector<16xi32>
    %lt3A_625 = arith.cmpi slt, %broadcast_in_dim3A_623, %lt3A_624 : vector<16xi32>
    tpu.vector_store_idx %arg15[%get3A_621], %broadcast_in_dim3A_8 masked %lt3A_625 {add = true} : memref<16xi32, #tpu.memory_space<vmem>>[vector<16xi32>], vector<16xi32>, vector<16xi1>
    %get3A_626 = arith.constant 1632 : index
    %get3A_627 = tpu.vector_load %arg11[%get3A_626] {strides = array<i32>} : memref<2048xi32, #tpu.memory_space<vmem>>, vector<16xi32>,
    tpu.vector_store_idx %arg16[%get3A_627], %broadcast_in_dim3A_8 masked %broadcast_in_dim3A_10 {add = true} : memref<16xi32, #tpu.memory_space<vmem>>[vector<16xi32>], vector<16xi32>, vector<16xi1>
    %broadcast_in_dim3A_628 = arith.constant 102 : i32
    %broadcast_in_dim3A_629 = vector.broadcast %broadcast_in_dim3A_628 : i32 to vector<16xi32>
    %lt3A_630 = vector.broadcast %mul3A_15 : i32 to vector<16xi32>
    %lt3A_631 = arith.cmpi slt, %broadcast_in_dim3A_629, %lt3A_630 : vector<16xi32>
    tpu.vector_store_idx %arg15[%get3A_627], %broadcast_in_dim3A_8 masked %lt3A_631 {add = true} : memref<16xi32, #tpu.memory_space<vmem>>[vector<16xi32>], vector<16xi32>, vector<16xi1>
    %get3A_632 = arith.constant 1648 : index
    %get3A_633 = tpu.vector_load %arg11[%get3A_632] {strides = array<i32>} : memref<2048xi32, #tpu.memory_space<vmem>>, vector<16xi32>,
    tpu.vector_store_idx %arg16[%get3A_633], %broadcast_in_dim3A_8 masked %broadcast_in_dim3A_10 {add = true} : memref<16xi32, #tpu.memory_space<vmem>>[vector<16xi32>], vector<16xi32>, vector<16xi1>
    %broadcast_in_dim3A_634 = arith.constant 103 : i32
    %broadcast_in_dim3A_635 = vector.broadcast %broadcast_in_dim3A_634 : i32 to vector<16xi32>
    %lt3A_636 = vector.broadcast %mul3A_15 : i32 to vector<16xi32>
    %lt3A_637 = arith.cmpi slt, %broadcast_in_dim3A_635, %lt3A_636 : vector<16xi32>
    tpu.vector_store_idx %arg15[%get3A_633], %broadcast_in_dim3A_8 masked %lt3A_637 {add = true} : memref<16xi32, #tpu.memory_space<vmem>>[vector<16xi32>], vector<16xi32>, vector<16xi1>
    %get3A_638 = arith.constant 1664 : index
    %get3A_639 = tpu.vector_load %arg11[%get3A_638] {strides = array<i32>} : memref<2048xi32, #tpu.memory_space<vmem>>, vector<16xi32>,
    tpu.vector_store_idx %arg16[%get3A_639], %broadcast_in_dim3A_8 masked %broadcast_in_dim3A_10 {add = true} : memref<16xi32, #tpu.memory_space<vmem>>[vector<16xi32>], vector<16xi32>, vector<16xi1>
    %broadcast_in_dim3A_640 = arith.constant 104 : i32
    %broadcast_in_dim3A_641 = vector.broadcast %broadcast_in_dim3A_640 : i32 to vector<16xi32>
    %lt3A_642 = vector.broadcast %mul3A_15 : i32 to vector<16xi32>
    %lt3A_643 = arith.cmpi slt, %broadcast_in_dim3A_641, %lt3A_642 : vector<16xi32>
    tpu.vector_store_idx %arg15[%get3A_639], %broadcast_in_dim3A_8 masked %lt3A_643 {add = true} : memref<16xi32, #tpu.memory_space<vmem>>[vector<16xi32>], vector<16xi32>, vector<16xi1>
    %get3A_644 = arith.constant 1680 : index
    %get3A_645 = tpu.vector_load %arg11[%get3A_644] {strides = array<i32>} : memref<2048xi32, #tpu.memory_space<vmem>>, vector<16xi32>,
    tpu.vector_store_idx %arg16[%get3A_645], %broadcast_in_dim3A_8 masked %broadcast_in_dim3A_10 {add = true} : memref<16xi32, #tpu.memory_space<vmem>>[vector<16xi32>], vector<16xi32>, vector<16xi1>
    %broadcast_in_dim3A_646 = arith.constant 105 : i32
    %broadcast_in_dim3A_647 = vector.broadcast %broadcast_in_dim3A_646 : i32 to vector<16xi32>
    %lt3A_648 = vector.broadcast %mul3A_15 : i32 to vector<16xi32>
    %lt3A_649 = arith.cmpi slt, %broadcast_in_dim3A_647, %lt3A_648 : vector<16xi32>
    tpu.vector_store_idx %arg15[%get3A_645], %broadcast_in_dim3A_8 masked %lt3A_649 {add = true} : memref<16xi32, #tpu.memory_space<vmem>>[vector<16xi32>], vector<16xi32>, vector<16xi1>
    %get3A_650 = arith.constant 1696 : index
    %get3A_651 = tpu.vector_load %arg11[%get3A_650] {strides = array<i32>} : memref<2048xi32, #tpu.memory_space<vmem>>, vector<16xi32>,
    tpu.vector_store_idx %arg16[%get3A_651], %broadcast_in_dim3A_8 masked %broadcast_in_dim3A_10 {add = true} : memref<16xi32, #tpu.memory_space<vmem>>[vector<16xi32>], vector<16xi32>, vector<16xi1>
    %broadcast_in_dim3A_652 = arith.constant 106 : i32
    %broadcast_in_dim3A_653 = vector.broadcast %broadcast_in_dim3A_652 : i32 to vector<16xi32>
    %lt3A_654 = vector.broadcast %mul3A_15 : i32 to vector<16xi32>
    %lt3A_655 = arith.cmpi slt, %broadcast_in_dim3A_653, %lt3A_654 : vector<16xi32>
    tpu.vector_store_idx %arg15[%get3A_651], %broadcast_in_dim3A_8 masked %lt3A_655 {add = true} : memref<16xi32, #tpu.memory_space<vmem>>[vector<16xi32>], vector<16xi32>, vector<16xi1>
    %get3A_656 = arith.constant 1712 : index
    %get3A_657 = tpu.vector_load %arg11[%get3A_656] {strides = array<i32>} : memref<2048xi32, #tpu.memory_space<vmem>>, vector<16xi32>,
    tpu.vector_store_idx %arg16[%get3A_657], %broadcast_in_dim3A_8 masked %broadcast_in_dim3A_10 {add = true} : memref<16xi32, #tpu.memory_space<vmem>>[vector<16xi32>], vector<16xi32>, vector<16xi1>
    %broadcast_in_dim3A_658 = arith.constant 107 : i32
    %broadcast_in_dim3A_659 = vector.broadcast %broadcast_in_dim3A_658 : i32 to vector<16xi32>
    %lt3A_660 = vector.broadcast %mul3A_15 : i32 to vector<16xi32>
    %lt3A_661 = arith.cmpi slt, %broadcast_in_dim3A_659, %lt3A_660 : vector<16xi32>
    tpu.vector_store_idx %arg15[%get3A_657], %broadcast_in_dim3A_8 masked %lt3A_661 {add = true} : memref<16xi32, #tpu.memory_space<vmem>>[vector<16xi32>], vector<16xi32>, vector<16xi1>
    %get3A_662 = arith.constant 1728 : index
    %get3A_663 = tpu.vector_load %arg11[%get3A_662] {strides = array<i32>} : memref<2048xi32, #tpu.memory_space<vmem>>, vector<16xi32>,
    tpu.vector_store_idx %arg16[%get3A_663], %broadcast_in_dim3A_8 masked %broadcast_in_dim3A_10 {add = true} : memref<16xi32, #tpu.memory_space<vmem>>[vector<16xi32>], vector<16xi32>, vector<16xi1>
    %broadcast_in_dim3A_664 = arith.constant 108 : i32
    %broadcast_in_dim3A_665 = vector.broadcast %broadcast_in_dim3A_664 : i32 to vector<16xi32>
    %lt3A_666 = vector.broadcast %mul3A_15 : i32 to vector<16xi32>
    %lt3A_667 = arith.cmpi slt, %broadcast_in_dim3A_665, %lt3A_666 : vector<16xi32>
    tpu.vector_store_idx %arg15[%get3A_663], %broadcast_in_dim3A_8 masked %lt3A_667 {add = true} : memref<16xi32, #tpu.memory_space<vmem>>[vector<16xi32>], vector<16xi32>, vector<16xi1>
    %get3A_668 = arith.constant 1744 : index
    %get3A_669 = tpu.vector_load %arg11[%get3A_668] {strides = array<i32>} : memref<2048xi32, #tpu.memory_space<vmem>>, vector<16xi32>,
    tpu.vector_store_idx %arg16[%get3A_669], %broadcast_in_dim3A_8 masked %broadcast_in_dim3A_10 {add = true} : memref<16xi32, #tpu.memory_space<vmem>>[vector<16xi32>], vector<16xi32>, vector<16xi1>
    %broadcast_in_dim3A_670 = arith.constant 109 : i32
    %broadcast_in_dim3A_671 = vector.broadcast %broadcast_in_dim3A_670 : i32 to vector<16xi32>
    %lt3A_672 = vector.broadcast %mul3A_15 : i32 to vector<16xi32>
    %lt3A_673 = arith.cmpi slt, %broadcast_in_dim3A_671, %lt3A_672 : vector<16xi32>
    tpu.vector_store_idx %arg15[%get3A_669], %broadcast_in_dim3A_8 masked %lt3A_673 {add = true} : memref<16xi32, #tpu.memory_space<vmem>>[vector<16xi32>], vector<16xi32>, vector<16xi1>
    %get3A_674 = arith.constant 1760 : index
    %get3A_675 = tpu.vector_load %arg11[%get3A_674] {strides = array<i32>} : memref<2048xi32, #tpu.memory_space<vmem>>, vector<16xi32>,
    tpu.vector_store_idx %arg16[%get3A_675], %broadcast_in_dim3A_8 masked %broadcast_in_dim3A_10 {add = true} : memref<16xi32, #tpu.memory_space<vmem>>[vector<16xi32>], vector<16xi32>, vector<16xi1>
    %broadcast_in_dim3A_676 = arith.constant 110 : i32
    %broadcast_in_dim3A_677 = vector.broadcast %broadcast_in_dim3A_676 : i32 to vector<16xi32>
    %lt3A_678 = vector.broadcast %mul3A_15 : i32 to vector<16xi32>
    %lt3A_679 = arith.cmpi slt, %broadcast_in_dim3A_677, %lt3A_678 : vector<16xi32>
    tpu.vector_store_idx %arg15[%get3A_675], %broadcast_in_dim3A_8 masked %lt3A_679 {add = true} : memref<16xi32, #tpu.memory_space<vmem>>[vector<16xi32>], vector<16xi32>, vector<16xi1>
    %get3A_680 = arith.constant 1776 : index
    %get3A_681 = tpu.vector_load %arg11[%get3A_680] {strides = array<i32>} : memref<2048xi32, #tpu.memory_space<vmem>>, vector<16xi32>,
    tpu.vector_store_idx %arg16[%get3A_681], %broadcast_in_dim3A_8 masked %broadcast_in_dim3A_10 {add = true} : memref<16xi32, #tpu.memory_space<vmem>>[vector<16xi32>], vector<16xi32>, vector<16xi1>
    %broadcast_in_dim3A_682 = arith.constant 111 : i32
    %broadcast_in_dim3A_683 = vector.broadcast %broadcast_in_dim3A_682 : i32 to vector<16xi32>
    %lt3A_684 = vector.broadcast %mul3A_15 : i32 to vector<16xi32>
    %lt3A_685 = arith.cmpi slt, %broadcast_in_dim3A_683, %lt3A_684 : vector<16xi32>
    tpu.vector_store_idx %arg15[%get3A_681], %broadcast_in_dim3A_8 masked %lt3A_685 {add = true} : memref<16xi32, #tpu.memory_space<vmem>>[vector<16xi32>], vector<16xi32>, vector<16xi1>
    %get3A_686 = arith.constant 1792 : index
    %get3A_687 = tpu.vector_load %arg11[%get3A_686] {strides = array<i32>} : memref<2048xi32, #tpu.memory_space<vmem>>, vector<16xi32>,
    tpu.vector_store_idx %arg16[%get3A_687], %broadcast_in_dim3A_8 masked %broadcast_in_dim3A_10 {add = true} : memref<16xi32, #tpu.memory_space<vmem>>[vector<16xi32>], vector<16xi32>, vector<16xi1>
    %broadcast_in_dim3A_688 = arith.constant 112 : i32
    %broadcast_in_dim3A_689 = vector.broadcast %broadcast_in_dim3A_688 : i32 to vector<16xi32>
    %lt3A_690 = vector.broadcast %mul3A_15 : i32 to vector<16xi32>
    %lt3A_691 = arith.cmpi slt, %broadcast_in_dim3A_689, %lt3A_690 : vector<16xi32>
    tpu.vector_store_idx %arg15[%get3A_687], %broadcast_in_dim3A_8 masked %lt3A_691 {add = true} : memref<16xi32, #tpu.memory_space<vmem>>[vector<16xi32>], vector<16xi32>, vector<16xi1>
    %get3A_692 = arith.constant 1808 : index
    %get3A_693 = tpu.vector_load %arg11[%get3A_692] {strides = array<i32>} : memref<2048xi32, #tpu.memory_space<vmem>>, vector<16xi32>,
    tpu.vector_store_idx %arg16[%get3A_693], %broadcast_in_dim3A_8 masked %broadcast_in_dim3A_10 {add = true} : memref<16xi32, #tpu.memory_space<vmem>>[vector<16xi32>], vector<16xi32>, vector<16xi1>
    %broadcast_in_dim3A_694 = arith.constant 113 : i32
    %broadcast_in_dim3A_695 = vector.broadcast %broadcast_in_dim3A_694 : i32 to vector<16xi32>
    %lt3A_696 = vector.broadcast %mul3A_15 : i32 to vector<16xi32>
    %lt3A_697 = arith.cmpi slt, %broadcast_in_dim3A_695, %lt3A_696 : vector<16xi32>
    tpu.vector_store_idx %arg15[%get3A_693], %broadcast_in_dim3A_8 masked %lt3A_697 {add = true} : memref<16xi32, #tpu.memory_space<vmem>>[vector<16xi32>], vector<16xi32>, vector<16xi1>
    %get3A_698 = arith.constant 1824 : index
    %get3A_699 = tpu.vector_load %arg11[%get3A_698] {strides = array<i32>} : memref<2048xi32, #tpu.memory_space<vmem>>, vector<16xi32>,
    tpu.vector_store_idx %arg16[%get3A_699], %broadcast_in_dim3A_8 masked %broadcast_in_dim3A_10 {add = true} : memref<16xi32, #tpu.memory_space<vmem>>[vector<16xi32>], vector<16xi32>, vector<16xi1>
    %broadcast_in_dim3A_700 = arith.constant 114 : i32
    %broadcast_in_dim3A_701 = vector.broadcast %broadcast_in_dim3A_700 : i32 to vector<16xi32>
    %lt3A_702 = vector.broadcast %mul3A_15 : i32 to vector<16xi32>
    %lt3A_703 = arith.cmpi slt, %broadcast_in_dim3A_701, %lt3A_702 : vector<16xi32>
    tpu.vector_store_idx %arg15[%get3A_699], %broadcast_in_dim3A_8 masked %lt3A_703 {add = true} : memref<16xi32, #tpu.memory_space<vmem>>[vector<16xi32>], vector<16xi32>, vector<16xi1>
    %get3A_704 = arith.constant 1840 : index
    %get3A_705 = tpu.vector_load %arg11[%get3A_704] {strides = array<i32>} : memref<2048xi32, #tpu.memory_space<vmem>>, vector<16xi32>,
    tpu.vector_store_idx %arg16[%get3A_705], %broadcast_in_dim3A_8 masked %broadcast_in_dim3A_10 {add = true} : memref<16xi32, #tpu.memory_space<vmem>>[vector<16xi32>], vector<16xi32>, vector<16xi1>
    %broadcast_in_dim3A_706 = arith.constant 115 : i32
    %broadcast_in_dim3A_707 = vector.broadcast %broadcast_in_dim3A_706 : i32 to vector<16xi32>
    %lt3A_708 = vector.broadcast %mul3A_15 : i32 to vector<16xi32>
    %lt3A_709 = arith.cmpi slt, %broadcast_in_dim3A_707, %lt3A_708 : vector<16xi32>
    tpu.vector_store_idx %arg15[%get3A_705], %broadcast_in_dim3A_8 masked %lt3A_709 {add = true} : memref<16xi32, #tpu.memory_space<vmem>>[vector<16xi32>], vector<16xi32>, vector<16xi1>
    %get3A_710 = arith.constant 1856 : index
    %get3A_711 = tpu.vector_load %arg11[%get3A_710] {strides = array<i32>} : memref<2048xi32, #tpu.memory_space<vmem>>, vector<16xi32>,
    tpu.vector_store_idx %arg16[%get3A_711], %broadcast_in_dim3A_8 masked %broadcast_in_dim3A_10 {add = true} : memref<16xi32, #tpu.memory_space<vmem>>[vector<16xi32>], vector<16xi32>, vector<16xi1>
    %broadcast_in_dim3A_712 = arith.constant 116 : i32
    %broadcast_in_dim3A_713 = vector.broadcast %broadcast_in_dim3A_712 : i32 to vector<16xi32>
    %lt3A_714 = vector.broadcast %mul3A_15 : i32 to vector<16xi32>
    %lt3A_715 = arith.cmpi slt, %broadcast_in_dim3A_713, %lt3A_714 : vector<16xi32>
    tpu.vector_store_idx %arg15[%get3A_711], %broadcast_in_dim3A_8 masked %lt3A_715 {add = true} : memref<16xi32, #tpu.memory_space<vmem>>[vector<16xi32>], vector<16xi32>, vector<16xi1>
    %get3A_716 = arith.constant 1872 : index
    %get3A_717 = tpu.vector_load %arg11[%get3A_716] {strides = array<i32>} : memref<2048xi32, #tpu.memory_space<vmem>>, vector<16xi32>,
    tpu.vector_store_idx %arg16[%get3A_717], %broadcast_in_dim3A_8 masked %broadcast_in_dim3A_10 {add = true} : memref<16xi32, #tpu.memory_space<vmem>>[vector<16xi32>], vector<16xi32>, vector<16xi1>
    %broadcast_in_dim3A_718 = arith.constant 117 : i32
    %broadcast_in_dim3A_719 = vector.broadcast %broadcast_in_dim3A_718 : i32 to vector<16xi32>
    %lt3A_720 = vector.broadcast %mul3A_15 : i32 to vector<16xi32>
    %lt3A_721 = arith.cmpi slt, %broadcast_in_dim3A_719, %lt3A_720 : vector<16xi32>
    tpu.vector_store_idx %arg15[%get3A_717], %broadcast_in_dim3A_8 masked %lt3A_721 {add = true} : memref<16xi32, #tpu.memory_space<vmem>>[vector<16xi32>], vector<16xi32>, vector<16xi1>
    %get3A_722 = arith.constant 1888 : index
    %get3A_723 = tpu.vector_load %arg11[%get3A_722] {strides = array<i32>} : memref<2048xi32, #tpu.memory_space<vmem>>, vector<16xi32>,
    tpu.vector_store_idx %arg16[%get3A_723], %broadcast_in_dim3A_8 masked %broadcast_in_dim3A_10 {add = true} : memref<16xi32, #tpu.memory_space<vmem>>[vector<16xi32>], vector<16xi32>, vector<16xi1>
    %broadcast_in_dim3A_724 = arith.constant 118 : i32
    %broadcast_in_dim3A_725 = vector.broadcast %broadcast_in_dim3A_724 : i32 to vector<16xi32>
    %lt3A_726 = vector.broadcast %mul3A_15 : i32 to vector<16xi32>
    %lt3A_727 = arith.cmpi slt, %broadcast_in_dim3A_725, %lt3A_726 : vector<16xi32>
    tpu.vector_store_idx %arg15[%get3A_723], %broadcast_in_dim3A_8 masked %lt3A_727 {add = true} : memref<16xi32, #tpu.memory_space<vmem>>[vector<16xi32>], vector<16xi32>, vector<16xi1>
    %get3A_728 = arith.constant 1904 : index
    %get3A_729 = tpu.vector_load %arg11[%get3A_728] {strides = array<i32>} : memref<2048xi32, #tpu.memory_space<vmem>>, vector<16xi32>,
    tpu.vector_store_idx %arg16[%get3A_729], %broadcast_in_dim3A_8 masked %broadcast_in_dim3A_10 {add = true} : memref<16xi32, #tpu.memory_space<vmem>>[vector<16xi32>], vector<16xi32>, vector<16xi1>
    %broadcast_in_dim3A_730 = arith.constant 119 : i32
    %broadcast_in_dim3A_731 = vector.broadcast %broadcast_in_dim3A_730 : i32 to vector<16xi32>
    %lt3A_732 = vector.broadcast %mul3A_15 : i32 to vector<16xi32>
    %lt3A_733 = arith.cmpi slt, %broadcast_in_dim3A_731, %lt3A_732 : vector<16xi32>
    tpu.vector_store_idx %arg15[%get3A_729], %broadcast_in_dim3A_8 masked %lt3A_733 {add = true} : memref<16xi32, #tpu.memory_space<vmem>>[vector<16xi32>], vector<16xi32>, vector<16xi1>
    %get3A_734 = arith.constant 1920 : index
    %get3A_735 = tpu.vector_load %arg11[%get3A_734] {strides = array<i32>} : memref<2048xi32, #tpu.memory_space<vmem>>, vector<16xi32>,
    tpu.vector_store_idx %arg16[%get3A_735], %broadcast_in_dim3A_8 masked %broadcast_in_dim3A_10 {add = true} : memref<16xi32, #tpu.memory_space<vmem>>[vector<16xi32>], vector<16xi32>, vector<16xi1>
    %broadcast_in_dim3A_736 = arith.constant 120 : i32
    %broadcast_in_dim3A_737 = vector.broadcast %broadcast_in_dim3A_736 : i32 to vector<16xi32>
    %lt3A_738 = vector.broadcast %mul3A_15 : i32 to vector<16xi32>
    %lt3A_739 = arith.cmpi slt, %broadcast_in_dim3A_737, %lt3A_738 : vector<16xi32>
    tpu.vector_store_idx %arg15[%get3A_735], %broadcast_in_dim3A_8 masked %lt3A_739 {add = true} : memref<16xi32, #tpu.memory_space<vmem>>[vector<16xi32>], vector<16xi32>, vector<16xi1>
    %get3A_740 = arith.constant 1936 : index
    %get3A_741 = tpu.vector_load %arg11[%get3A_740] {strides = array<i32>} : memref<2048xi32, #tpu.memory_space<vmem>>, vector<16xi32>,
    tpu.vector_store_idx %arg16[%get3A_741], %broadcast_in_dim3A_8 masked %broadcast_in_dim3A_10 {add = true} : memref<16xi32, #tpu.memory_space<vmem>>[vector<16xi32>], vector<16xi32>, vector<16xi1>
    %broadcast_in_dim3A_742 = arith.constant 121 : i32
    %broadcast_in_dim3A_743 = vector.broadcast %broadcast_in_dim3A_742 : i32 to vector<16xi32>
    %lt3A_744 = vector.broadcast %mul3A_15 : i32 to vector<16xi32>
    %lt3A_745 = arith.cmpi slt, %broadcast_in_dim3A_743, %lt3A_744 : vector<16xi32>
    tpu.vector_store_idx %arg15[%get3A_741], %broadcast_in_dim3A_8 masked %lt3A_745 {add = true} : memref<16xi32, #tpu.memory_space<vmem>>[vector<16xi32>], vector<16xi32>, vector<16xi1>
    %get3A_746 = arith.constant 1952 : index
    %get3A_747 = tpu.vector_load %arg11[%get3A_746] {strides = array<i32>} : memref<2048xi32, #tpu.memory_space<vmem>>, vector<16xi32>,
    tpu.vector_store_idx %arg16[%get3A_747], %broadcast_in_dim3A_8 masked %broadcast_in_dim3A_10 {add = true} : memref<16xi32, #tpu.memory_space<vmem>>[vector<16xi32>], vector<16xi32>, vector<16xi1>
    %broadcast_in_dim3A_748 = arith.constant 122 : i32
    %broadcast_in_dim3A_749 = vector.broadcast %broadcast_in_dim3A_748 : i32 to vector<16xi32>
    %lt3A_750 = vector.broadcast %mul3A_15 : i32 to vector<16xi32>
    %lt3A_751 = arith.cmpi slt, %broadcast_in_dim3A_749, %lt3A_750 : vector<16xi32>
    tpu.vector_store_idx %arg15[%get3A_747], %broadcast_in_dim3A_8 masked %lt3A_751 {add = true} : memref<16xi32, #tpu.memory_space<vmem>>[vector<16xi32>], vector<16xi32>, vector<16xi1>
    %get3A_752 = arith.constant 1968 : index
    %get3A_753 = tpu.vector_load %arg11[%get3A_752] {strides = array<i32>} : memref<2048xi32, #tpu.memory_space<vmem>>, vector<16xi32>,
    tpu.vector_store_idx %arg16[%get3A_753], %broadcast_in_dim3A_8 masked %broadcast_in_dim3A_10 {add = true} : memref<16xi32, #tpu.memory_space<vmem>>[vector<16xi32>], vector<16xi32>, vector<16xi1>
    %broadcast_in_dim3A_754 = arith.constant 123 : i32
    %broadcast_in_dim3A_755 = vector.broadcast %broadcast_in_dim3A_754 : i32 to vector<16xi32>
    %lt3A_756 = vector.broadcast %mul3A_15 : i32 to vector<16xi32>
    %lt3A_757 = arith.cmpi slt, %broadcast_in_dim3A_755, %lt3A_756 : vector<16xi32>
    tpu.vector_store_idx %arg15[%get3A_753], %broadcast_in_dim3A_8 masked %lt3A_757 {add = true} : memref<16xi32, #tpu.memory_space<vmem>>[vector<16xi32>], vector<16xi32>, vector<16xi1>
    %get3A_758 = arith.constant 1984 : index
    %get3A_759 = tpu.vector_load %arg11[%get3A_758] {strides = array<i32>} : memref<2048xi32, #tpu.memory_space<vmem>>, vector<16xi32>,
    tpu.vector_store_idx %arg16[%get3A_759], %broadcast_in_dim3A_8 masked %broadcast_in_dim3A_10 {add = true} : memref<16xi32, #tpu.memory_space<vmem>>[vector<16xi32>], vector<16xi32>, vector<16xi1>
    %broadcast_in_dim3A_760 = arith.constant 124 : i32
    %broadcast_in_dim3A_761 = vector.broadcast %broadcast_in_dim3A_760 : i32 to vector<16xi32>
    %lt3A_762 = vector.broadcast %mul3A_15 : i32 to vector<16xi32>
    %lt3A_763 = arith.cmpi slt, %broadcast_in_dim3A_761, %lt3A_762 : vector<16xi32>
    tpu.vector_store_idx %arg15[%get3A_759], %broadcast_in_dim3A_8 masked %lt3A_763 {add = true} : memref<16xi32, #tpu.memory_space<vmem>>[vector<16xi32>], vector<16xi32>, vector<16xi1>
    %get3A_764 = arith.constant 2000 : index
    %get3A_765 = tpu.vector_load %arg11[%get3A_764] {strides = array<i32>} : memref<2048xi32, #tpu.memory_space<vmem>>, vector<16xi32>,
    tpu.vector_store_idx %arg16[%get3A_765], %broadcast_in_dim3A_8 masked %broadcast_in_dim3A_10 {add = true} : memref<16xi32, #tpu.memory_space<vmem>>[vector<16xi32>], vector<16xi32>, vector<16xi1>
    %broadcast_in_dim3A_766 = arith.constant 125 : i32
    %broadcast_in_dim3A_767 = vector.broadcast %broadcast_in_dim3A_766 : i32 to vector<16xi32>
    %lt3A_768 = vector.broadcast %mul3A_15 : i32 to vector<16xi32>
    %lt3A_769 = arith.cmpi slt, %broadcast_in_dim3A_767, %lt3A_768 : vector<16xi32>
    tpu.vector_store_idx %arg15[%get3A_765], %broadcast_in_dim3A_8 masked %lt3A_769 {add = true} : memref<16xi32, #tpu.memory_space<vmem>>[vector<16xi32>], vector<16xi32>, vector<16xi1>
    %get3A_770 = arith.constant 2016 : index
    %get3A_771 = tpu.vector_load %arg11[%get3A_770] {strides = array<i32>} : memref<2048xi32, #tpu.memory_space<vmem>>, vector<16xi32>,
    tpu.vector_store_idx %arg16[%get3A_771], %broadcast_in_dim3A_8 masked %broadcast_in_dim3A_10 {add = true} : memref<16xi32, #tpu.memory_space<vmem>>[vector<16xi32>], vector<16xi32>, vector<16xi1>
    %broadcast_in_dim3A_772 = arith.constant 126 : i32
    %broadcast_in_dim3A_773 = vector.broadcast %broadcast_in_dim3A_772 : i32 to vector<16xi32>
    %lt3A_774 = vector.broadcast %mul3A_15 : i32 to vector<16xi32>
    %lt3A_775 = arith.cmpi slt, %broadcast_in_dim3A_773, %lt3A_774 : vector<16xi32>
    tpu.vector_store_idx %arg15[%get3A_771], %broadcast_in_dim3A_8 masked %lt3A_775 {add = true} : memref<16xi32, #tpu.memory_space<vmem>>[vector<16xi32>], vector<16xi32>, vector<16xi1>
    %get3A_776 = arith.constant 2032 : index
    %get3A_777 = tpu.vector_load %arg11[%get3A_776] {strides = array<i32>} : memref<2048xi32, #tpu.memory_space<vmem>>, vector<16xi32>,
    tpu.vector_store_idx %arg16[%get3A_777], %broadcast_in_dim3A_8 masked %broadcast_in_dim3A_10 {add = true} : memref<16xi32, #tpu.memory_space<vmem>>[vector<16xi32>], vector<16xi32>, vector<16xi1>
    %broadcast_in_dim3A_778 = arith.constant 127 : i32
    %broadcast_in_dim3A_779 = vector.broadcast %broadcast_in_dim3A_778 : i32 to vector<16xi32>
    %lt3A_780 = vector.broadcast %mul3A_15 : i32 to vector<16xi32>
    %lt3A_781 = arith.cmpi slt, %broadcast_in_dim3A_779, %lt3A_780 : vector<16xi32>
    tpu.vector_store_idx %arg15[%get3A_777], %broadcast_in_dim3A_8 masked %lt3A_781 {add = true} : memref<16xi32, #tpu.memory_space<vmem>>[vector<16xi32>], vector<16xi32>, vector<16xi1>
    %get3A_782 = arith.constant 0 : index
    %get3A_783 = tpu.vector_load %arg16[%get3A_782] {strides = array<i32>} : memref<16xi32, #tpu.memory_space<vmem>>, vector<16xi32>,
    %broadcast_in_dim3A_784 = arith.constant true
    %broadcast_in_dim3A_785 = vector.broadcast %broadcast_in_dim3A_784 : i1 to vector<16xi1>
    %masked_cumsum3A = tpu.scan <sum>, %get3A_783 masked %broadcast_in_dim3A_785 : vector<16xi32>, vector<16xi1> -> vector<16xi32>
    %sub3A = arith.subi %masked_cumsum3A, %get3A_783 : vector<16xi32>
    %get3A_786 = arith.constant 0 : index
    %get3A_787 = tpu.vector_load %arg15[%get3A_786] {strides = array<i32>} : memref<16xi32, #tpu.memory_space<vmem>>, vector<16xi32>,
    %add3A_788 = arith.addi %sub3A, %get3A_787 : vector<16xi32>
    %swap3A_789 = arith.constant 0 : index
    %swap3A_790 = tpu.vector_load %arg17[%swap3A_789] {strides = array<i32>} : memref<16xi32, #tpu.memory_space<vmem>>, vector<16xi32>,
    tpu.vector_store %arg17[%swap3A_789], %add3A_788 {strides = array<i32>} : memref<16xi32, #tpu.memory_space<vmem>>, vector<16xi32>,
    %get3A_791 = arith.constant 0 : index
    %get3A_792 = tpu.vector_load %arg12[%get3A_791] {strides = array<i32>} : memref<64xi32, #tpu.memory_space<vmem>>, vector<16xi32>,
    %gather3A = tpu.vector_load_idx %arg17[%get3A_792] : memref<16xi32, #tpu.memory_space<vmem>>[vector<16xi32>], vector<16xi32>,
    %broadcast_in_dim3A_793 = arith.constant 0 : i32
    %broadcast_in_dim3A_794 = vector.broadcast %broadcast_in_dim3A_793 : i32 to vector<16xi32>
    %eq3A = arith.constant 0 : i32
    %eq3A_795 = vector.broadcast %eq3A : i32 to vector<16xi32>
    %eq3A_796 = arith.cmpi eq, %get3A_792, %eq3A_795 : vector<16xi32>
    %convert_element_type3A = arith.extui %eq3A_796 : vector<16xi1> to vector<16xi32>
    %broadcast_in_dim3A_797 = arith.constant true
    %broadcast_in_dim3A_798 = vector.broadcast %broadcast_in_dim3A_797 : i1 to vector<16xi1>
    %masked_cumsum3A_799 = tpu.scan <sum>, %convert_element_type3A masked %broadcast_in_dim3A_798 : vector<16xi32>, vector<16xi1> -> vector<16xi32>
    %sub3A_800 = arith.constant 1 : i32
    %sub3A_801 = vector.broadcast %sub3A_800 : i32 to vector<16xi32>
    %sub3A_802 = arith.subi %masked_cumsum3A_799, %sub3A_801 : vector<16xi32>
    %select_n3A = arith.select %eq3A_796, %sub3A_802, %broadcast_in_dim3A_794 : vector<16xi1>, vector<16xi32>
    %eq3A_803 = arith.constant 1 : i32
    %eq3A_804 = vector.broadcast %eq3A_803 : i32 to vector<16xi32>
    %eq3A_805 = arith.cmpi eq, %get3A_792, %eq3A_804 : vector<16xi32>
    %convert_element_type3A_806 = arith.extui %eq3A_805 : vector<16xi1> to vector<16xi32>
    %broadcast_in_dim3A_807 = arith.constant true
    %broadcast_in_dim3A_808 = vector.broadcast %broadcast_in_dim3A_807 : i1 to vector<16xi1>
    %masked_cumsum3A_809 = tpu.scan <sum>, %convert_element_type3A_806 masked %broadcast_in_dim3A_808 : vector<16xi32>, vector<16xi1> -> vector<16xi32>
    %sub3A_810 = arith.constant 1 : i32
    %sub3A_811 = vector.broadcast %sub3A_810 : i32 to vector<16xi32>
    %sub3A_812 = arith.subi %masked_cumsum3A_809, %sub3A_811 : vector<16xi32>
    %select_n3A_813 = arith.select %eq3A_805, %sub3A_812, %select_n3A : vector<16xi1>, vector<16xi32>
    %eq3A_814 = arith.constant 2 : i32
    %eq3A_815 = vector.broadcast %eq3A_814 : i32 to vector<16xi32>
    %eq3A_816 = arith.cmpi eq, %get3A_792, %eq3A_815 : vector<16xi32>
    %convert_element_type3A_817 = arith.extui %eq3A_816 : vector<16xi1> to vector<16xi32>
    %broadcast_in_dim3A_818 = arith.constant true
    %broadcast_in_dim3A_819 = vector.broadcast %broadcast_in_dim3A_818 : i1 to vector<16xi1>
    %masked_cumsum3A_820 = tpu.scan <sum>, %convert_element_type3A_817 masked %broadcast_in_dim3A_819 : vector<16xi32>, vector<16xi1> -> vector<16xi32>
    %sub3A_821 = arith.constant 1 : i32
    %sub3A_822 = vector.broadcast %sub3A_821 : i32 to vector<16xi32>
    %sub3A_823 = arith.subi %masked_cumsum3A_820, %sub3A_822 : vector<16xi32>
    %select_n3A_824 = arith.select %eq3A_816, %sub3A_823, %select_n3A_813 : vector<16xi1>, vector<16xi32>
    %eq3A_825 = arith.constant 3 : i32
    %eq3A_826 = vector.broadcast %eq3A_825 : i32 to vector<16xi32>
    %eq3A_827 = arith.cmpi eq, %get3A_792, %eq3A_826 : vector<16xi32>
    %convert_element_type3A_828 = arith.extui %eq3A_827 : vector<16xi1> to vector<16xi32>
    %broadcast_in_dim3A_829 = arith.constant true
    %broadcast_in_dim3A_830 = vector.broadcast %broadcast_in_dim3A_829 : i1 to vector<16xi1>
    %masked_cumsum3A_831 = tpu.scan <sum>, %convert_element_type3A_828 masked %broadcast_in_dim3A_830 : vector<16xi32>, vector<16xi1> -> vector<16xi32>
    %sub3A_832 = arith.constant 1 : i32
    %sub3A_833 = vector.broadcast %sub3A_832 : i32 to vector<16xi32>
    %sub3A_834 = arith.subi %masked_cumsum3A_831, %sub3A_833 : vector<16xi32>
    %select_n3A_835 = arith.select %eq3A_827, %sub3A_834, %select_n3A_824 : vector<16xi1>, vector<16xi32>
    %eq3A_836 = arith.constant 4 : i32
    %eq3A_837 = vector.broadcast %eq3A_836 : i32 to vector<16xi32>
    %eq3A_838 = arith.cmpi eq, %get3A_792, %eq3A_837 : vector<16xi32>
    %convert_element_type3A_839 = arith.extui %eq3A_838 : vector<16xi1> to vector<16xi32>
    %broadcast_in_dim3A_840 = arith.constant true
    %broadcast_in_dim3A_841 = vector.broadcast %broadcast_in_dim3A_840 : i1 to vector<16xi1>
    %masked_cumsum3A_842 = tpu.scan <sum>, %convert_element_type3A_839 masked %broadcast_in_dim3A_841 : vector<16xi32>, vector<16xi1> -> vector<16xi32>
    %sub3A_843 = arith.constant 1 : i32
    %sub3A_844 = vector.broadcast %sub3A_843 : i32 to vector<16xi32>
    %sub3A_845 = arith.subi %masked_cumsum3A_842, %sub3A_844 : vector<16xi32>
    %select_n3A_846 = arith.select %eq3A_838, %sub3A_845, %select_n3A_835 : vector<16xi1>, vector<16xi32>
    %eq3A_847 = arith.constant 5 : i32
    %eq3A_848 = vector.broadcast %eq3A_847 : i32 to vector<16xi32>
    %eq3A_849 = arith.cmpi eq, %get3A_792, %eq3A_848 : vector<16xi32>
    %convert_element_type3A_850 = arith.extui %eq3A_849 : vector<16xi1> to vector<16xi32>
    %broadcast_in_dim3A_851 = arith.constant true
    %broadcast_in_dim3A_852 = vector.broadcast %broadcast_in_dim3A_851 : i1 to vector<16xi1>
    %masked_cumsum3A_853 = tpu.scan <sum>, %convert_element_type3A_850 masked %broadcast_in_dim3A_852 : vector<16xi32>, vector<16xi1> -> vector<16xi32>
    %sub3A_854 = arith.constant 1 : i32
    %sub3A_855 = vector.broadcast %sub3A_854 : i32 to vector<16xi32>
    %sub3A_856 = arith.subi %masked_cumsum3A_853, %sub3A_855 : vector<16xi32>
    %select_n3A_857 = arith.select %eq3A_849, %sub3A_856, %select_n3A_846 : vector<16xi1>, vector<16xi32>
    %eq3A_858 = arith.constant 6 : i32
    %eq3A_859 = vector.broadcast %eq3A_858 : i32 to vector<16xi32>
    %eq3A_860 = arith.cmpi eq, %get3A_792, %eq3A_859 : vector<16xi32>
    %convert_element_type3A_861 = arith.extui %eq3A_860 : vector<16xi1> to vector<16xi32>
    %broadcast_in_dim3A_862 = arith.constant true
    %broadcast_in_dim3A_863 = vector.broadcast %broadcast_in_dim3A_862 : i1 to vector<16xi1>
    %masked_cumsum3A_864 = tpu.scan <sum>, %convert_element_type3A_861 masked %broadcast_in_dim3A_863 : vector<16xi32>, vector<16xi1> -> vector<16xi32>
    %sub3A_865 = arith.constant 1 : i32
    %sub3A_866 = vector.broadcast %sub3A_865 : i32 to vector<16xi32>
    %sub3A_867 = arith.subi %masked_cumsum3A_864, %sub3A_866 : vector<16xi32>
    %select_n3A_868 = arith.select %eq3A_860, %sub3A_867, %select_n3A_857 : vector<16xi1>, vector<16xi32>
    %eq3A_869 = arith.constant 7 : i32
    %eq3A_870 = vector.broadcast %eq3A_869 : i32 to vector<16xi32>
    %eq3A_871 = arith.cmpi eq, %get3A_792, %eq3A_870 : vector<16xi32>
    %convert_element_type3A_872 = arith.extui %eq3A_871 : vector<16xi1> to vector<16xi32>
    %broadcast_in_dim3A_873 = arith.constant true
    %broadcast_in_dim3A_874 = vector.broadcast %broadcast_in_dim3A_873 : i1 to vector<16xi1>
    %masked_cumsum3A_875 = tpu.scan <sum>, %convert_element_type3A_872 masked %broadcast_in_dim3A_874 : vector<16xi32>, vector<16xi1> -> vector<16xi32>
    %sub3A_876 = arith.constant 1 : i32
    %sub3A_877 = vector.broadcast %sub3A_876 : i32 to vector<16xi32>
    %sub3A_878 = arith.subi %masked_cumsum3A_875, %sub3A_877 : vector<16xi32>
    %select_n3A_879 = arith.select %eq3A_871, %sub3A_878, %select_n3A_868 : vector<16xi1>, vector<16xi32>
    %add3A_880 = arith.addi %gather3A, %select_n3A_879 : vector<16xi32>
    %swap3A_881 = arith.constant 0 : index
    %swap3A_882 = tpu.vector_load %arg14[%swap3A_881] {strides = array<i32>} : memref<64xi32, #tpu.memory_space<vmem>>, vector<16xi32>,
    tpu.vector_store %arg14[%swap3A_881], %add3A_880 {strides = array<i32>} : memref<64xi32, #tpu.memory_space<vmem>>, vector<16xi32>,
    tpu.vector_store_idx %arg17[%get3A_792], %broadcast_in_dim3A_8 masked %broadcast_in_dim3A_10 {add = true} : memref<16xi32, #tpu.memory_space<vmem>>[vector<16xi32>], vector<16xi32>, vector<16xi1>
    %get3A_883 = arith.constant 16 : index
    %get3A_884 = tpu.vector_load %arg12[%get3A_883] {strides = array<i32>} : memref<64xi32, #tpu.memory_space<vmem>>, vector<16xi32>,
    %gather3A_885 = tpu.vector_load_idx %arg17[%get3A_884] : memref<16xi32, #tpu.memory_space<vmem>>[vector<16xi32>], vector<16xi32>,
    %broadcast_in_dim3A_886 = arith.constant 0 : i32
    %broadcast_in_dim3A_887 = vector.broadcast %broadcast_in_dim3A_886 : i32 to vector<16xi32>
    %eq3A_888 = arith.constant 0 : i32
    %eq3A_889 = vector.broadcast %eq3A_888 : i32 to vector<16xi32>
    %eq3A_890 = arith.cmpi eq, %get3A_884, %eq3A_889 : vector<16xi32>
    %convert_element_type3A_891 = arith.extui %eq3A_890 : vector<16xi1> to vector<16xi32>
    %broadcast_in_dim3A_892 = arith.constant true
    %broadcast_in_dim3A_893 = vector.broadcast %broadcast_in_dim3A_892 : i1 to vector<16xi1>
    %masked_cumsum3A_894 = tpu.scan <sum>, %convert_element_type3A_891 masked %broadcast_in_dim3A_893 : vector<16xi32>, vector<16xi1> -> vector<16xi32>
    %sub3A_895 = arith.constant 1 : i32
    %sub3A_896 = vector.broadcast %sub3A_895 : i32 to vector<16xi32>
    %sub3A_897 = arith.subi %masked_cumsum3A_894, %sub3A_896 : vector<16xi32>
    %select_n3A_898 = arith.select %eq3A_890, %sub3A_897, %broadcast_in_dim3A_887 : vector<16xi1>, vector<16xi32>
    %eq3A_899 = arith.constant 1 : i32
    %eq3A_900 = vector.broadcast %eq3A_899 : i32 to vector<16xi32>
    %eq3A_901 = arith.cmpi eq, %get3A_884, %eq3A_900 : vector<16xi32>
    %convert_element_type3A_902 = arith.extui %eq3A_901 : vector<16xi1> to vector<16xi32>
    %broadcast_in_dim3A_903 = arith.constant true
    %broadcast_in_dim3A_904 = vector.broadcast %broadcast_in_dim3A_903 : i1 to vector<16xi1>
    %masked_cumsum3A_905 = tpu.scan <sum>, %convert_element_type3A_902 masked %broadcast_in_dim3A_904 : vector<16xi32>, vector<16xi1> -> vector<16xi32>
    %sub3A_906 = arith.constant 1 : i32
    %sub3A_907 = vector.broadcast %sub3A_906 : i32 to vector<16xi32>
    %sub3A_908 = arith.subi %masked_cumsum3A_905, %sub3A_907 : vector<16xi32>
    %select_n3A_909 = arith.select %eq3A_901, %sub3A_908, %select_n3A_898 : vector<16xi1>, vector<16xi32>
    %eq3A_910 = arith.constant 2 : i32
    %eq3A_911 = vector.broadcast %eq3A_910 : i32 to vector<16xi32>
    %eq3A_912 = arith.cmpi eq, %get3A_884, %eq3A_911 : vector<16xi32>
    %convert_element_type3A_913 = arith.extui %eq3A_912 : vector<16xi1> to vector<16xi32>
    %broadcast_in_dim3A_914 = arith.constant true
    %broadcast_in_dim3A_915 = vector.broadcast %broadcast_in_dim3A_914 : i1 to vector<16xi1>
    %masked_cumsum3A_916 = tpu.scan <sum>, %convert_element_type3A_913 masked %broadcast_in_dim3A_915 : vector<16xi32>, vector<16xi1> -> vector<16xi32>
    %sub3A_917 = arith.constant 1 : i32
    %sub3A_918 = vector.broadcast %sub3A_917 : i32 to vector<16xi32>
    %sub3A_919 = arith.subi %masked_cumsum3A_916, %sub3A_918 : vector<16xi32>
    %select_n3A_920 = arith.select %eq3A_912, %sub3A_919, %select_n3A_909 : vector<16xi1>, vector<16xi32>
    %eq3A_921 = arith.constant 3 : i32
    %eq3A_922 = vector.broadcast %eq3A_921 : i32 to vector<16xi32>
    %eq3A_923 = arith.cmpi eq, %get3A_884, %eq3A_922 : vector<16xi32>
    %convert_element_type3A_924 = arith.extui %eq3A_923 : vector<16xi1> to vector<16xi32>
    %broadcast_in_dim3A_925 = arith.constant true
    %broadcast_in_dim3A_926 = vector.broadcast %broadcast_in_dim3A_925 : i1 to vector<16xi1>
    %masked_cumsum3A_927 = tpu.scan <sum>, %convert_element_type3A_924 masked %broadcast_in_dim3A_926 : vector<16xi32>, vector<16xi1> -> vector<16xi32>
    %sub3A_928 = arith.constant 1 : i32
    %sub3A_929 = vector.broadcast %sub3A_928 : i32 to vector<16xi32>
    %sub3A_930 = arith.subi %masked_cumsum3A_927, %sub3A_929 : vector<16xi32>
    %select_n3A_931 = arith.select %eq3A_923, %sub3A_930, %select_n3A_920 : vector<16xi1>, vector<16xi32>
    %eq3A_932 = arith.constant 4 : i32
    %eq3A_933 = vector.broadcast %eq3A_932 : i32 to vector<16xi32>
    %eq3A_934 = arith.cmpi eq, %get3A_884, %eq3A_933 : vector<16xi32>
    %convert_element_type3A_935 = arith.extui %eq3A_934 : vector<16xi1> to vector<16xi32>
    %broadcast_in_dim3A_936 = arith.constant true
    %broadcast_in_dim3A_937 = vector.broadcast %broadcast_in_dim3A_936 : i1 to vector<16xi1>
    %masked_cumsum3A_938 = tpu.scan <sum>, %convert_element_type3A_935 masked %broadcast_in_dim3A_937 : vector<16xi32>, vector<16xi1> -> vector<16xi32>
    %sub3A_939 = arith.constant 1 : i32
    %sub3A_940 = vector.broadcast %sub3A_939 : i32 to vector<16xi32>
    %sub3A_941 = arith.subi %masked_cumsum3A_938, %sub3A_940 : vector<16xi32>
    %select_n3A_942 = arith.select %eq3A_934, %sub3A_941, %select_n3A_931 : vector<16xi1>, vector<16xi32>
    %eq3A_943 = arith.constant 5 : i32
    %eq3A_944 = vector.broadcast %eq3A_943 : i32 to vector<16xi32>
    %eq3A_945 = arith.cmpi eq, %get3A_884, %eq3A_944 : vector<16xi32>
    %convert_element_type3A_946 = arith.extui %eq3A_945 : vector<16xi1> to vector<16xi32>
    %broadcast_in_dim3A_947 = arith.constant true
    %broadcast_in_dim3A_948 = vector.broadcast %broadcast_in_dim3A_947 : i1 to vector<16xi1>
    %masked_cumsum3A_949 = tpu.scan <sum>, %convert_element_type3A_946 masked %broadcast_in_dim3A_948 : vector<16xi32>, vector<16xi1> -> vector<16xi32>
    %sub3A_950 = arith.constant 1 : i32
    %sub3A_951 = vector.broadcast %sub3A_950 : i32 to vector<16xi32>
    %sub3A_952 = arith.subi %masked_cumsum3A_949, %sub3A_951 : vector<16xi32>
    %select_n3A_953 = arith.select %eq3A_945, %sub3A_952, %select_n3A_942 : vector<16xi1>, vector<16xi32>
    %eq3A_954 = arith.constant 6 : i32
    %eq3A_955 = vector.broadcast %eq3A_954 : i32 to vector<16xi32>
    %eq3A_956 = arith.cmpi eq, %get3A_884, %eq3A_955 : vector<16xi32>
    %convert_element_type3A_957 = arith.extui %eq3A_956 : vector<16xi1> to vector<16xi32>
    %broadcast_in_dim3A_958 = arith.constant true
    %broadcast_in_dim3A_959 = vector.broadcast %broadcast_in_dim3A_958 : i1 to vector<16xi1>
    %masked_cumsum3A_960 = tpu.scan <sum>, %convert_element_type3A_957 masked %broadcast_in_dim3A_959 : vector<16xi32>, vector<16xi1> -> vector<16xi32>
    %sub3A_961 = arith.constant 1 : i32
    %sub3A_962 = vector.broadcast %sub3A_961 : i32 to vector<16xi32>
    %sub3A_963 = arith.subi %masked_cumsum3A_960, %sub3A_962 : vector<16xi32>
    %select_n3A_964 = arith.select %eq3A_956, %sub3A_963, %select_n3A_953 : vector<16xi1>, vector<16xi32>
    %eq3A_965 = arith.constant 7 : i32
    %eq3A_966 = vector.broadcast %eq3A_965 : i32 to vector<16xi32>
    %eq3A_967 = arith.cmpi eq, %get3A_884, %eq3A_966 : vector<16xi32>
    %convert_element_type3A_968 = arith.extui %eq3A_967 : vector<16xi1> to vector<16xi32>
    %broadcast_in_dim3A_969 = arith.constant true
    %broadcast_in_dim3A_970 = vector.broadcast %broadcast_in_dim3A_969 : i1 to vector<16xi1>
    %masked_cumsum3A_971 = tpu.scan <sum>, %convert_element_type3A_968 masked %broadcast_in_dim3A_970 : vector<16xi32>, vector<16xi1> -> vector<16xi32>
    %sub3A_972 = arith.constant 1 : i32
    %sub3A_973 = vector.broadcast %sub3A_972 : i32 to vector<16xi32>
    %sub3A_974 = arith.subi %masked_cumsum3A_971, %sub3A_973 : vector<16xi32>
    %select_n3A_975 = arith.select %eq3A_967, %sub3A_974, %select_n3A_964 : vector<16xi1>, vector<16xi32>
    %add3A_976 = arith.addi %gather3A_885, %select_n3A_975 : vector<16xi32>
    %swap3A_977 = arith.constant 16 : index
    %swap3A_978 = tpu.vector_load %arg14[%swap3A_977] {strides = array<i32>} : memref<64xi32, #tpu.memory_space<vmem>>, vector<16xi32>,
    tpu.vector_store %arg14[%swap3A_977], %add3A_976 {strides = array<i32>} : memref<64xi32, #tpu.memory_space<vmem>>, vector<16xi32>,
    tpu.vector_store_idx %arg17[%get3A_884], %broadcast_in_dim3A_8 masked %broadcast_in_dim3A_10 {add = true} : memref<16xi32, #tpu.memory_space<vmem>>[vector<16xi32>], vector<16xi32>, vector<16xi1>
    %get3A_979 = arith.constant 32 : index
    %get3A_980 = tpu.vector_load %arg12[%get3A_979] {strides = array<i32>} : memref<64xi32, #tpu.memory_space<vmem>>, vector<16xi32>,
    %gather3A_981 = tpu.vector_load_idx %arg17[%get3A_980] : memref<16xi32, #tpu.memory_space<vmem>>[vector<16xi32>], vector<16xi32>,
    %broadcast_in_dim3A_982 = arith.constant 0 : i32
    %broadcast_in_dim3A_983 = vector.broadcast %broadcast_in_dim3A_982 : i32 to vector<16xi32>
    %eq3A_984 = arith.constant 0 : i32
    %eq3A_985 = vector.broadcast %eq3A_984 : i32 to vector<16xi32>
    %eq3A_986 = arith.cmpi eq, %get3A_980, %eq3A_985 : vector<16xi32>
    %convert_element_type3A_987 = arith.extui %eq3A_986 : vector<16xi1> to vector<16xi32>
    %broadcast_in_dim3A_988 = arith.constant true
    %broadcast_in_dim3A_989 = vector.broadcast %broadcast_in_dim3A_988 : i1 to vector<16xi1>
    %masked_cumsum3A_990 = tpu.scan <sum>, %convert_element_type3A_987 masked %broadcast_in_dim3A_989 : vector<16xi32>, vector<16xi1> -> vector<16xi32>
    %sub3A_991 = arith.constant 1 : i32
    %sub3A_992 = vector.broadcast %sub3A_991 : i32 to vector<16xi32>
    %sub3A_993 = arith.subi %masked_cumsum3A_990, %sub3A_992 : vector<16xi32>
    %select_n3A_994 = arith.select %eq3A_986, %sub3A_993, %broadcast_in_dim3A_983 : vector<16xi1>, vector<16xi32>
    %eq3A_995 = arith.constant 1 : i32
    %eq3A_996 = vector.broadcast %eq3A_995 : i32 to vector<16xi32>
    %eq3A_997 = arith.cmpi eq, %get3A_980, %eq3A_996 : vector<16xi32>
    %convert_element_type3A_998 = arith.extui %eq3A_997 : vector<16xi1> to vector<16xi32>
    %broadcast_in_dim3A_999 = arith.constant true
    %broadcast_in_dim3A_1000 = vector.broadcast %broadcast_in_dim3A_999 : i1 to vector<16xi1>
    %masked_cumsum3A_1001 = tpu.scan <sum>, %convert_element_type3A_998 masked %broadcast_in_dim3A_1000 : vector<16xi32>, vector<16xi1> -> vector<16xi32>
    %sub3A_1002 = arith.constant 1 : i32
    %sub3A_1003 = vector.broadcast %sub3A_1002 : i32 to vector<16xi32>
    %sub3A_1004 = arith.subi %masked_cumsum3A_1001, %sub3A_1003 : vector<16xi32>
    %select_n3A_1005 = arith.select %eq3A_997, %sub3A_1004, %select_n3A_994 : vector<16xi1>, vector<16xi32>
    %eq3A_1006 = arith.constant 2 : i32
    %eq3A_1007 = vector.broadcast %eq3A_1006 : i32 to vector<16xi32>
    %eq3A_1008 = arith.cmpi eq, %get3A_980, %eq3A_1007 : vector<16xi32>
    %convert_element_type3A_1009 = arith.extui %eq3A_1008 : vector<16xi1> to vector<16xi32>
    %broadcast_in_dim3A_1010 = arith.constant true
    %broadcast_in_dim3A_1011 = vector.broadcast %broadcast_in_dim3A_1010 : i1 to vector<16xi1>
    %masked_cumsum3A_1012 = tpu.scan <sum>, %convert_element_type3A_1009 masked %broadcast_in_dim3A_1011 : vector<16xi32>, vector<16xi1> -> vector<16xi32>
    %sub3A_1013 = arith.constant 1 : i32
    %sub3A_1014 = vector.broadcast %sub3A_1013 : i32 to vector<16xi32>
    %sub3A_1015 = arith.subi %masked_cumsum3A_1012, %sub3A_1014 : vector<16xi32>
    %select_n3A_1016 = arith.select %eq3A_1008, %sub3A_1015, %select_n3A_1005 : vector<16xi1>, vector<16xi32>
    %eq3A_1017 = arith.constant 3 : i32
    %eq3A_1018 = vector.broadcast %eq3A_1017 : i32 to vector<16xi32>
    %eq3A_1019 = arith.cmpi eq, %get3A_980, %eq3A_1018 : vector<16xi32>
    %convert_element_type3A_1020 = arith.extui %eq3A_1019 : vector<16xi1> to vector<16xi32>
    %broadcast_in_dim3A_1021 = arith.constant true
    %broadcast_in_dim3A_1022 = vector.broadcast %broadcast_in_dim3A_1021 : i1 to vector<16xi1>
    %masked_cumsum3A_1023 = tpu.scan <sum>, %convert_element_type3A_1020 masked %broadcast_in_dim3A_1022 : vector<16xi32>, vector<16xi1> -> vector<16xi32>
    %sub3A_1024 = arith.constant 1 : i32
    %sub3A_1025 = vector.broadcast %sub3A_1024 : i32 to vector<16xi32>
    %sub3A_1026 = arith.subi %masked_cumsum3A_1023, %sub3A_1025 : vector<16xi32>
    %select_n3A_1027 = arith.select %eq3A_1019, %sub3A_1026, %select_n3A_1016 : vector<16xi1>, vector<16xi32>
    %eq3A_1028 = arith.constant 4 : i32
    %eq3A_1029 = vector.broadcast %eq3A_1028 : i32 to vector<16xi32>
    %eq3A_1030 = arith.cmpi eq, %get3A_980, %eq3A_1029 : vector<16xi32>
    %convert_element_type3A_1031 = arith.extui %eq3A_1030 : vector<16xi1> to vector<16xi32>
    %broadcast_in_dim3A_1032 = arith.constant true
    %broadcast_in_dim3A_1033 = vector.broadcast %broadcast_in_dim3A_1032 : i1 to vector<16xi1>
    %masked_cumsum3A_1034 = tpu.scan <sum>, %convert_element_type3A_1031 masked %broadcast_in_dim3A_1033 : vector<16xi32>, vector<16xi1> -> vector<16xi32>
    %sub3A_1035 = arith.constant 1 : i32
    %sub3A_1036 = vector.broadcast %sub3A_1035 : i32 to vector<16xi32>
    %sub3A_1037 = arith.subi %masked_cumsum3A_1034, %sub3A_1036 : vector<16xi32>
    %select_n3A_1038 = arith.select %eq3A_1030, %sub3A_1037, %select_n3A_1027 : vector<16xi1>, vector<16xi32>
    %eq3A_1039 = arith.constant 5 : i32
    %eq3A_1040 = vector.broadcast %eq3A_1039 : i32 to vector<16xi32>
    %eq3A_1041 = arith.cmpi eq, %get3A_980, %eq3A_1040 : vector<16xi32>
    %convert_element_type3A_1042 = arith.extui %eq3A_1041 : vector<16xi1> to vector<16xi32>
    %broadcast_in_dim3A_1043 = arith.constant true
    %broadcast_in_dim3A_1044 = vector.broadcast %broadcast_in_dim3A_1043 : i1 to vector<16xi1>
    %masked_cumsum3A_1045 = tpu.scan <sum>, %convert_element_type3A_1042 masked %broadcast_in_dim3A_1044 : vector<16xi32>, vector<16xi1> -> vector<16xi32>
    %sub3A_1046 = arith.constant 1 : i32
    %sub3A_1047 = vector.broadcast %sub3A_1046 : i32 to vector<16xi32>
    %sub3A_1048 = arith.subi %masked_cumsum3A_1045, %sub3A_1047 : vector<16xi32>
    %select_n3A_1049 = arith.select %eq3A_1041, %sub3A_1048, %select_n3A_1038 : vector<16xi1>, vector<16xi32>
    %eq3A_1050 = arith.constant 6 : i32
    %eq3A_1051 = vector.broadcast %eq3A_1050 : i32 to vector<16xi32>
    %eq3A_1052 = arith.cmpi eq, %get3A_980, %eq3A_1051 : vector<16xi32>
    %convert_element_type3A_1053 = arith.extui %eq3A_1052 : vector<16xi1> to vector<16xi32>
    %broadcast_in_dim3A_1054 = arith.constant true
    %broadcast_in_dim3A_1055 = vector.broadcast %broadcast_in_dim3A_1054 : i1 to vector<16xi1>
    %masked_cumsum3A_1056 = tpu.scan <sum>, %convert_element_type3A_1053 masked %broadcast_in_dim3A_1055 : vector<16xi32>, vector<16xi1> -> vector<16xi32>
    %sub3A_1057 = arith.constant 1 : i32
    %sub3A_1058 = vector.broadcast %sub3A_1057 : i32 to vector<16xi32>
    %sub3A_1059 = arith.subi %masked_cumsum3A_1056, %sub3A_1058 : vector<16xi32>
    %select_n3A_1060 = arith.select %eq3A_1052, %sub3A_1059, %select_n3A_1049 : vector<16xi1>, vector<16xi32>
    %eq3A_1061 = arith.constant 7 : i32
    %eq3A_1062 = vector.broadcast %eq3A_1061 : i32 to vector<16xi32>
    %eq3A_1063 = arith.cmpi eq, %get3A_980, %eq3A_1062 : vector<16xi32>
    %convert_element_type3A_1064 = arith.extui %eq3A_1063 : vector<16xi1> to vector<16xi32>
    %broadcast_in_dim3A_1065 = arith.constant true
    %broadcast_in_dim3A_1066 = vector.broadcast %broadcast_in_dim3A_1065 : i1 to vector<16xi1>
    %masked_cumsum3A_1067 = tpu.scan <sum>, %convert_element_type3A_1064 masked %broadcast_in_dim3A_1066 : vector<16xi32>, vector<16xi1> -> vector<16xi32>
    %sub3A_1068 = arith.constant 1 : i32
    %sub3A_1069 = vector.broadcast %sub3A_1068 : i32 to vector<16xi32>
    %sub3A_1070 = arith.subi %masked_cumsum3A_1067, %sub3A_1069 : vector<16xi32>
    %select_n3A_1071 = arith.select %eq3A_1063, %sub3A_1070, %select_n3A_1060 : vector<16xi1>, vector<16xi32>
    %add3A_1072 = arith.addi %gather3A_981, %select_n3A_1071 : vector<16xi32>
    %swap3A_1073 = arith.constant 32 : index
    %swap3A_1074 = tpu.vector_load %arg14[%swap3A_1073] {strides = array<i32>} : memref<64xi32, #tpu.memory_space<vmem>>, vector<16xi32>,
    tpu.vector_store %arg14[%swap3A_1073], %add3A_1072 {strides = array<i32>} : memref<64xi32, #tpu.memory_space<vmem>>, vector<16xi32>,
    tpu.vector_store_idx %arg17[%get3A_980], %broadcast_in_dim3A_8 masked %broadcast_in_dim3A_10 {add = true} : memref<16xi32, #tpu.memory_space<vmem>>[vector<16xi32>], vector<16xi32>, vector<16xi1>
    %get3A_1075 = arith.constant 48 : index
    %get3A_1076 = tpu.vector_load %arg12[%get3A_1075] {strides = array<i32>} : memref<64xi32, #tpu.memory_space<vmem>>, vector<16xi32>,
    %gather3A_1077 = tpu.vector_load_idx %arg17[%get3A_1076] : memref<16xi32, #tpu.memory_space<vmem>>[vector<16xi32>], vector<16xi32>,
    %broadcast_in_dim3A_1078 = arith.constant 0 : i32
    %broadcast_in_dim3A_1079 = vector.broadcast %broadcast_in_dim3A_1078 : i32 to vector<16xi32>
    %eq3A_1080 = arith.constant 0 : i32
    %eq3A_1081 = vector.broadcast %eq3A_1080 : i32 to vector<16xi32>
    %eq3A_1082 = arith.cmpi eq, %get3A_1076, %eq3A_1081 : vector<16xi32>
    %convert_element_type3A_1083 = arith.extui %eq3A_1082 : vector<16xi1> to vector<16xi32>
    %broadcast_in_dim3A_1084 = arith.constant true
    %broadcast_in_dim3A_1085 = vector.broadcast %broadcast_in_dim3A_1084 : i1 to vector<16xi1>
    %masked_cumsum3A_1086 = tpu.scan <sum>, %convert_element_type3A_1083 masked %broadcast_in_dim3A_1085 : vector<16xi32>, vector<16xi1> -> vector<16xi32>
    %sub3A_1087 = arith.constant 1 : i32
    %sub3A_1088 = vector.broadcast %sub3A_1087 : i32 to vector<16xi32>
    %sub3A_1089 = arith.subi %masked_cumsum3A_1086, %sub3A_1088 : vector<16xi32>
    %select_n3A_1090 = arith.select %eq3A_1082, %sub3A_1089, %broadcast_in_dim3A_1079 : vector<16xi1>, vector<16xi32>
    %eq3A_1091 = arith.constant 1 : i32
    %eq3A_1092 = vector.broadcast %eq3A_1091 : i32 to vector<16xi32>
    %eq3A_1093 = arith.cmpi eq, %get3A_1076, %eq3A_1092 : vector<16xi32>
    %convert_element_type3A_1094 = arith.extui %eq3A_1093 : vector<16xi1> to vector<16xi32>
    %broadcast_in_dim3A_1095 = arith.constant true
    %broadcast_in_dim3A_1096 = vector.broadcast %broadcast_in_dim3A_1095 : i1 to vector<16xi1>
    %masked_cumsum3A_1097 = tpu.scan <sum>, %convert_element_type3A_1094 masked %broadcast_in_dim3A_1096 : vector<16xi32>, vector<16xi1> -> vector<16xi32>
    %sub3A_1098 = arith.constant 1 : i32
    %sub3A_1099 = vector.broadcast %sub3A_1098 : i32 to vector<16xi32>
    %sub3A_1100 = arith.subi %masked_cumsum3A_1097, %sub3A_1099 : vector<16xi32>
    %select_n3A_1101 = arith.select %eq3A_1093, %sub3A_1100, %select_n3A_1090 : vector<16xi1>, vector<16xi32>
    %eq3A_1102 = arith.constant 2 : i32
    %eq3A_1103 = vector.broadcast %eq3A_1102 : i32 to vector<16xi32>
    %eq3A_1104 = arith.cmpi eq, %get3A_1076, %eq3A_1103 : vector<16xi32>
    %convert_element_type3A_1105 = arith.extui %eq3A_1104 : vector<16xi1> to vector<16xi32>
    %broadcast_in_dim3A_1106 = arith.constant true
    %broadcast_in_dim3A_1107 = vector.broadcast %broadcast_in_dim3A_1106 : i1 to vector<16xi1>
    %masked_cumsum3A_1108 = tpu.scan <sum>, %convert_element_type3A_1105 masked %broadcast_in_dim3A_1107 : vector<16xi32>, vector<16xi1> -> vector<16xi32>
    %sub3A_1109 = arith.constant 1 : i32
    %sub3A_1110 = vector.broadcast %sub3A_1109 : i32 to vector<16xi32>
    %sub3A_1111 = arith.subi %masked_cumsum3A_1108, %sub3A_1110 : vector<16xi32>
    %select_n3A_1112 = arith.select %eq3A_1104, %sub3A_1111, %select_n3A_1101 : vector<16xi1>, vector<16xi32>
    %eq3A_1113 = arith.constant 3 : i32
    %eq3A_1114 = vector.broadcast %eq3A_1113 : i32 to vector<16xi32>
    %eq3A_1115 = arith.cmpi eq, %get3A_1076, %eq3A_1114 : vector<16xi32>
    %convert_element_type3A_1116 = arith.extui %eq3A_1115 : vector<16xi1> to vector<16xi32>
    %broadcast_in_dim3A_1117 = arith.constant true
    %broadcast_in_dim3A_1118 = vector.broadcast %broadcast_in_dim3A_1117 : i1 to vector<16xi1>
    %masked_cumsum3A_1119 = tpu.scan <sum>, %convert_element_type3A_1116 masked %broadcast_in_dim3A_1118 : vector<16xi32>, vector<16xi1> -> vector<16xi32>
    %sub3A_1120 = arith.constant 1 : i32
    %sub3A_1121 = vector.broadcast %sub3A_1120 : i32 to vector<16xi32>
    %sub3A_1122 = arith.subi %masked_cumsum3A_1119, %sub3A_1121 : vector<16xi32>
    %select_n3A_1123 = arith.select %eq3A_1115, %sub3A_1122, %select_n3A_1112 : vector<16xi1>, vector<16xi32>
    %eq3A_1124 = arith.constant 4 : i32
    %eq3A_1125 = vector.broadcast %eq3A_1124 : i32 to vector<16xi32>
    %eq3A_1126 = arith.cmpi eq, %get3A_1076, %eq3A_1125 : vector<16xi32>
    %convert_element_type3A_1127 = arith.extui %eq3A_1126 : vector<16xi1> to vector<16xi32>
    %broadcast_in_dim3A_1128 = arith.constant true
    %broadcast_in_dim3A_1129 = vector.broadcast %broadcast_in_dim3A_1128 : i1 to vector<16xi1>
    %masked_cumsum3A_1130 = tpu.scan <sum>, %convert_element_type3A_1127 masked %broadcast_in_dim3A_1129 : vector<16xi32>, vector<16xi1> -> vector<16xi32>
    %sub3A_1131 = arith.constant 1 : i32
    %sub3A_1132 = vector.broadcast %sub3A_1131 : i32 to vector<16xi32>
    %sub3A_1133 = arith.subi %masked_cumsum3A_1130, %sub3A_1132 : vector<16xi32>
    %select_n3A_1134 = arith.select %eq3A_1126, %sub3A_1133, %select_n3A_1123 : vector<16xi1>, vector<16xi32>
    %eq3A_1135 = arith.constant 5 : i32
    %eq3A_1136 = vector.broadcast %eq3A_1135 : i32 to vector<16xi32>
    %eq3A_1137 = arith.cmpi eq, %get3A_1076, %eq3A_1136 : vector<16xi32>
    %convert_element_type3A_1138 = arith.extui %eq3A_1137 : vector<16xi1> to vector<16xi32>
    %broadcast_in_dim3A_1139 = arith.constant true
    %broadcast_in_dim3A_1140 = vector.broadcast %broadcast_in_dim3A_1139 : i1 to vector<16xi1>
    %masked_cumsum3A_1141 = tpu.scan <sum>, %convert_element_type3A_1138 masked %broadcast_in_dim3A_1140 : vector<16xi32>, vector<16xi1> -> vector<16xi32>
    %sub3A_1142 = arith.constant 1 : i32
    %sub3A_1143 = vector.broadcast %sub3A_1142 : i32 to vector<16xi32>
    %sub3A_1144 = arith.subi %masked_cumsum3A_1141, %sub3A_1143 : vector<16xi32>
    %select_n3A_1145 = arith.select %eq3A_1137, %sub3A_1144, %select_n3A_1134 : vector<16xi1>, vector<16xi32>
    %eq3A_1146 = arith.constant 6 : i32
    %eq3A_1147 = vector.broadcast %eq3A_1146 : i32 to vector<16xi32>
    %eq3A_1148 = arith.cmpi eq, %get3A_1076, %eq3A_1147 : vector<16xi32>
    %convert_element_type3A_1149 = arith.extui %eq3A_1148 : vector<16xi1> to vector<16xi32>
    %broadcast_in_dim3A_1150 = arith.constant true
    %broadcast_in_dim3A_1151 = vector.broadcast %broadcast_in_dim3A_1150 : i1 to vector<16xi1>
    %masked_cumsum3A_1152 = tpu.scan <sum>, %convert_element_type3A_1149 masked %broadcast_in_dim3A_1151 : vector<16xi32>, vector<16xi1> -> vector<16xi32>
    %sub3A_1153 = arith.constant 1 : i32
    %sub3A_1154 = vector.broadcast %sub3A_1153 : i32 to vector<16xi32>
    %sub3A_1155 = arith.subi %masked_cumsum3A_1152, %sub3A_1154 : vector<16xi32>
    %select_n3A_1156 = arith.select %eq3A_1148, %sub3A_1155, %select_n3A_1145 : vector<16xi1>, vector<16xi32>
    %eq3A_1157 = arith.constant 7 : i32
    %eq3A_1158 = vector.broadcast %eq3A_1157 : i32 to vector<16xi32>
    %eq3A_1159 = arith.cmpi eq, %get3A_1076, %eq3A_1158 : vector<16xi32>
    %convert_element_type3A_1160 = arith.extui %eq3A_1159 : vector<16xi1> to vector<16xi32>
    %broadcast_in_dim3A_1161 = arith.constant true
    %broadcast_in_dim3A_1162 = vector.broadcast %broadcast_in_dim3A_1161 : i1 to vector<16xi1>
    %masked_cumsum3A_1163 = tpu.scan <sum>, %convert_element_type3A_1160 masked %broadcast_in_dim3A_1162 : vector<16xi32>, vector<16xi1> -> vector<16xi32>
    %sub3A_1164 = arith.constant 1 : i32
    %sub3A_1165 = vector.broadcast %sub3A_1164 : i32 to vector<16xi32>
    %sub3A_1166 = arith.subi %masked_cumsum3A_1163, %sub3A_1165 : vector<16xi32>
    %select_n3A_1167 = arith.select %eq3A_1159, %sub3A_1166, %select_n3A_1156 : vector<16xi1>, vector<16xi32>
    %add3A_1168 = arith.addi %gather3A_1077, %select_n3A_1167 : vector<16xi32>
    %swap3A_1169 = arith.constant 48 : index
    %swap3A_1170 = tpu.vector_load %arg14[%swap3A_1169] {strides = array<i32>} : memref<64xi32, #tpu.memory_space<vmem>>, vector<16xi32>,
    tpu.vector_store %arg14[%swap3A_1169], %add3A_1168 {strides = array<i32>} : memref<64xi32, #tpu.memory_space<vmem>>, vector<16xi32>,
    tpu.vector_store_idx %arg17[%get3A_1076], %broadcast_in_dim3A_8 masked %broadcast_in_dim3A_10 {add = true} : memref<16xi32, #tpu.memory_space<vmem>>[vector<16xi32>], vector<16xi32>, vector<16xi1>
    %dma_start3A_1171 = tpu.memref_slice %arg4[%mul3A_2] : memref<2048xi32, #tpu.memory_space<hbm>> -> memref<64xi32, #tpu.memory_space<hbm>>
    %dma_start3A_1172 = tpu.memref_slice %arg4[%mul3A_2] : memref<2048xi32, #tpu.memory_space<hbm>> -> memref<64xi32, #tpu.memory_space<hbm>>
    tpu.enqueue_dma source(%arg14 : memref<64xi32, #tpu.memory_space<vmem>>) target(%dma_start3A_1172 : memref<64xi32, #tpu.memory_space<hbm>>) target_semaphore(%arg24 : memref<!tpu.dma_semaphore, #tpu.memory_space<semaphore_mem>>)
    %dma_wait3A = arith.constant 0 : i32
    %dma_wait3A_1173 = tpu.memref_slice %arg3[%mul3A_2, %dma_wait3A] : memref<2048x768xf32, #tpu.memory_space<hbm>> -> memref<64x768xf32, #tpu.memory_space<hbm>>
    %dma_wait3A_1174 = arith.constant 0 : i32
    %dma_wait3A_1175 = tpu.memref_slice %arg3[%mul3A_2, %dma_wait3A_1174] : memref<2048x768xf32, #tpu.memory_space<hbm>> -> memref<64x768xf32, #tpu.memory_space<hbm>>
    tpu.wait_dma2 semaphore(%arg25 : memref<!tpu.dma_semaphore, #tpu.memory_space<semaphore_mem>>) src(%dma_wait3A_1175 : memref<64x768xf32, #tpu.memory_space<hbm>>) dst(%arg13 : memref<64x768xf32, #tpu.memory_space<vmem>>)
    %dma_start3A_1176 = arith.constant 0 : i32
    %dma_start3A_1177 = arith.constant 0 : i32
    %dma_start3A_1178 = tpu.memref_slice %arg5[%dma_start3A_1176, %dma_start3A_1177] : memref<2048x768xf32, #tpu.memory_space<hbm>> -> memref<2048x768xf32, #tpu.memory_space<hbm>>
    tpu.enqueue_indirect_dma source(%arg13 : memref<64x768xf32, #tpu.memory_space<vmem>>) target(%dma_start3A_1178 : memref<2048x768xf32, #tpu.memory_space<hbm>>) offsets(%arg14 : memref<64xi32, #tpu.memory_space<vmem>>) semaphore(%arg25 : memref<!tpu.dma_semaphore, #tpu.memory_space<semaphore_mem>>)
    %dma_wait3A_1179 = tpu.memref_slice %arg4[%mul3A_2] : memref<2048xi32, #tpu.memory_space<hbm>> -> memref<64xi32, #tpu.memory_space<hbm>>
    %dma_wait3A_1180 = tpu.memref_slice %arg4[%mul3A_2] : memref<2048xi32, #tpu.memory_space<hbm>> -> memref<64xi32, #tpu.memory_space<hbm>>
    tpu.wait_dma2 semaphore(%arg24 : memref<!tpu.dma_semaphore, #tpu.memory_space<semaphore_mem>>) src(%arg14 : memref<64xi32, #tpu.memory_space<vmem>>) dst(%dma_wait3A_1180 : memref<64xi32, #tpu.memory_space<hbm>>)
    %dma_wait3A_1181 = arith.constant 0 : i32
    %dma_wait3A_1182 = arith.constant 0 : i32
    %dma_wait3A_1183 = tpu.memref_slice %arg5[%dma_wait3A_1181, %dma_wait3A_1182] : memref<2048x768xf32, #tpu.memory_space<hbm>> -> memref<2048x768xf32, #tpu.memory_space<hbm>>
    tpu.wait_indirect_dma semaphore(%arg25 : memref<!tpu.dma_semaphore, #tpu.memory_space<semaphore_mem>>) src(%arg13 : memref<64x768xf32, #tpu.memory_space<vmem>>) dst(%dma_wait3A_1183 : memref<2048x768xf32, #tpu.memory_space<hbm>>)
    %eq3A_1184 = arith.constant 0 : i32
    %eq3A_1185 = arith.cmpi eq, %add3A, %eq3A_1184 : i32
    %convert_element_type3A_1186 = arith.extui %eq3A_1185 : i1 to i32
    %cond3A = arith.constant 0 : i32
    %cond3A_1187 = arith.cmpi ne, %convert_element_type3A_1186, %cond3A : i32
    scf.if %cond3A_1187 {
      %iota3A = tpu.iota {dimensions = array<i32: 0>} : vector<16xi32>
      %swap3A_1188 = arith.constant 0 : index
      %swap3A_1189 = tpu.vector_load %arg18[%swap3A_1188] {strides = array<i32>} : memref<16xi32, #tpu.memory_space<vmem>>, vector<16xi32>,
      tpu.vector_store %arg18[%swap3A_1188], %sub3A {strides = array<i32>} : memref<16xi32, #tpu.memory_space<vmem>>, vector<16xi32>,
      %add3A_1190 = arith.constant 1 : i32
      %add3A_1191 = vector.broadcast %add3A_1190 : i32 to vector<16xi32>
      %add3A_1192 = arith.addi %iota3A, %add3A_1191 : vector<16xi32>
      %min3A = arith.constant 15 : i32
      %min3A_1193 = vector.broadcast %min3A : i32 to vector<16xi32>
      %min3A_1194 = arith.minsi %add3A_1192, %min3A_1193 : vector<16xi32>
      %gather3A_1195 = tpu.vector_load_idx %arg18[%min3A_1194] : memref<16xi32, #tpu.memory_space<vmem>>[vector<16xi32>], vector<16xi32>,
      %jit3A = arith.constant 256 : i32
      %div3A = vector.broadcast %jit3A : i32 to vector<16xi32>
      %div3A_1196 = arith.divsi %sub3A, %div3A : vector<16xi32>
      %sign3A = arith.constant 0 : i32
      %sign3A_1197 = vector.broadcast %sign3A : i32 to vector<16xi32>
      %sign3A_1198 = arith.cmpi sgt, %sub3A, %sign3A_1197 : vector<16xi32>
      %sign3A_1199 = arith.extui %sign3A_1198 : vector<16xi1> to vector<16xi32>
      %sign3A_1200 = arith.constant 0 : i32
      %sign3A_1201 = vector.broadcast %sign3A_1200 : i32 to vector<16xi32>
      %sign3A_1202 = arith.cmpi slt, %sub3A, %sign3A_1201 : vector<16xi32>
      %sign3A_1203 = arith.extui %sign3A_1202 : vector<16xi1> to vector<16xi32>
      %sign3A_1204 = arith.subi %sign3A_1199, %sign3A_1203 : vector<16xi32>
      %sign3A_1205 = arith.constant 0 : i32
      %sign3A_1206 = arith.cmpi sgt, %jit3A, %sign3A_1205 : i32
      %sign3A_1207 = arith.extui %sign3A_1206 : i1 to i32
      %sign3A_1208 = arith.constant 0 : i32
      %sign3A_1209 = arith.cmpi slt, %jit3A, %sign3A_1208 : i32
      %sign3A_1210 = arith.extui %sign3A_1209 : i1 to i32
      %sign3A_1211 = arith.subi %sign3A_1207, %sign3A_1210 : i32
      %ne3A = vector.broadcast %sign3A_1211 : i32 to vector<16xi32>
      %ne3A_1212 = arith.cmpi ne, %sign3A_1204, %ne3A : vector<16xi32>
      %rem3A = vector.broadcast %jit3A : i32 to vector<16xi32>
      %rem3A_1213 = arith.remsi %sub3A, %rem3A : vector<16xi32>
      %ne3A_1214 = arith.constant 0 : i32
      %ne3A_1215 = vector.broadcast %ne3A_1214 : i32 to vector<16xi32>
      %ne3A_1216 = arith.cmpi ne, %rem3A_1213, %ne3A_1215 : vector<16xi32>
      %and3A = arith.andi %ne3A_1212, %ne3A_1216 : vector<16xi1>
      %sub3A_1217 = arith.constant 1 : i32
      %sub3A_1218 = vector.broadcast %sub3A_1217 : i32 to vector<16xi32>
      %sub3A_1219 = arith.subi %div3A_1196, %sub3A_1218 : vector<16xi32>
      %select_n3A_1220 = arith.select %and3A, %sub3A_1219, %div3A_1196 : vector<16xi1>, vector<16xi32>
      %gt3A = arith.cmpi sgt, %gather3A_1195, %sub3A : vector<16xi32>
      %lt3A_1221 = arith.constant 8 : i32
      %lt3A_1222 = vector.broadcast %lt3A_1221 : i32 to vector<16xi32>
      %lt3A_1223 = arith.cmpi slt, %iota3A, %lt3A_1222 : vector<16xi32>
      %and3A_1224 = arith.andi %gt3A, %lt3A_1223 : vector<16xi1>
      %max3A = arith.constant 1 : i32
      %max3A_1225 = vector.broadcast %max3A : i32 to vector<16xi32>
      %max3A_1226 = arith.maxsi %gather3A_1195, %max3A_1225 : vector<16xi32>
      %sub3A_1227 = arith.constant 1 : i32
      %sub3A_1228 = vector.broadcast %sub3A_1227 : i32 to vector<16xi32>
      %sub3A_1229 = arith.subi %max3A_1226, %sub3A_1228 : vector<16xi32>
      %jit3A_1230 = arith.constant 256 : i32
      %div3A_1231 = vector.broadcast %jit3A_1230 : i32 to vector<16xi32>
      %div3A_1232 = arith.divsi %sub3A_1229, %div3A_1231 : vector<16xi32>
      %sign3A_1233 = arith.constant 0 : i32
      %sign3A_1234 = vector.broadcast %sign3A_1233 : i32 to vector<16xi32>
      %sign3A_1235 = arith.cmpi sgt, %sub3A_1229, %sign3A_1234 : vector<16xi32>
      %sign3A_1236 = arith.extui %sign3A_1235 : vector<16xi1> to vector<16xi32>
      %sign3A_1237 = arith.constant 0 : i32
      %sign3A_1238 = vector.broadcast %sign3A_1237 : i32 to vector<16xi32>
      %sign3A_1239 = arith.cmpi slt, %sub3A_1229, %sign3A_1238 : vector<16xi32>
      %sign3A_1240 = arith.extui %sign3A_1239 : vector<16xi1> to vector<16xi32>
      %sign3A_1241 = arith.subi %sign3A_1236, %sign3A_1240 : vector<16xi32>
      %sign3A_1242 = arith.constant 0 : i32
      %sign3A_1243 = arith.cmpi sgt, %jit3A_1230, %sign3A_1242 : i32
      %sign3A_1244 = arith.extui %sign3A_1243 : i1 to i32
      %sign3A_1245 = arith.constant 0 : i32
      %sign3A_1246 = arith.cmpi slt, %jit3A_1230, %sign3A_1245 : i32
      %sign3A_1247 = arith.extui %sign3A_1246 : i1 to i32
      %sign3A_1248 = arith.subi %sign3A_1244, %sign3A_1247 : i32
      %ne3A_1249 = vector.broadcast %sign3A_1248 : i32 to vector<16xi32>
      %ne3A_1250 = arith.cmpi ne, %sign3A_1241, %ne3A_1249 : vector<16xi32>
      %rem3A_1251 = vector.broadcast %jit3A_1230 : i32 to vector<16xi32>
      %rem3A_1252 = arith.remsi %sub3A_1229, %rem3A_1251 : vector<16xi32>
      %ne3A_1253 = arith.constant 0 : i32
      %ne3A_1254 = vector.broadcast %ne3A_1253 : i32 to vector<16xi32>
      %ne3A_1255 = arith.cmpi ne, %rem3A_1252, %ne3A_1254 : vector<16xi32>
      %and3A_1256 = arith.andi %ne3A_1250, %ne3A_1255 : vector<16xi1>
      %sub3A_1257 = arith.constant 1 : i32
      %sub3A_1258 = vector.broadcast %sub3A_1257 : i32 to vector<16xi32>
      %sub3A_1259 = arith.subi %div3A_1232, %sub3A_1258 : vector<16xi32>
      %select_n3A_1260 = arith.select %and3A_1256, %sub3A_1259, %div3A_1232 : vector<16xi1>, vector<16xi32>
      %select_n3A_1261 = arith.select %and3A_1224, %select_n3A_1260, %select_n3A_1220 : vector<16xi1>, vector<16xi32>
      %sub3A_1262 = arith.subi %select_n3A_1261, %select_n3A_1220 : vector<16xi32>
      %add3A_1263 = arith.constant 1 : i32
      %add3A_1264 = vector.broadcast %add3A_1263 : i32 to vector<16xi32>
      %add3A_1265 = arith.addi %sub3A_1262, %add3A_1264 : vector<16xi32>
      %jit3A_1266 = arith.constant 0 : i32
      %broadcast_in_dim3A_1267 = vector.broadcast %jit3A_1266 : i32 to vector<16xi32>
      %select_n3A_1268 = arith.select %and3A_1224, %add3A_1265, %broadcast_in_dim3A_1267 : vector<16xi1>, vector<16xi32>
      %broadcast_in_dim3A_1269 = arith.constant true
      %broadcast_in_dim3A_1270 = vector.broadcast %broadcast_in_dim3A_1269 : i1 to vector<16xi1>
      %masked_cumsum3A_1271 = tpu.scan <sum>, %select_n3A_1268 masked %broadcast_in_dim3A_1270 : vector<16xi32>, vector<16xi1> -> vector<16xi32>
      %sub3A_1272 = arith.subi %masked_cumsum3A_1271, %select_n3A_1268 : vector<16xi32>
      %swap3A_1273 = arith.constant 0 : index
      %swap3A_1274 = tpu.vector_load %arg19[%swap3A_1273] {strides = array<i32>} : memref<16xi32, #tpu.memory_space<vmem>>, vector<16xi32>,
      tpu.vector_store %arg19[%swap3A_1273], %select_n3A_1220 {strides = array<i32>} : memref<16xi32, #tpu.memory_space<vmem>>, vector<16xi32>,
      %swap3A_1275 = arith.constant 0 : index
      %swap3A_1276 = tpu.vector_load %arg20[%swap3A_1275] {strides = array<i32>} : memref<16xi32, #tpu.memory_space<vmem>>, vector<16xi32>,
      tpu.vector_store %arg20[%swap3A_1275], %sub3A_1272 {strides = array<i32>} : memref<16xi32, #tpu.memory_space<vmem>>, vector<16xi32>,
      %swap3A_1277 = arith.constant 0 : index
      %swap3A_1278 = tpu.vector_load %arg23[%swap3A_1277] {strides = array<i32>} : memref<16xi32, #tpu.memory_space<vmem>>, vector<16xi32>,
      tpu.vector_store %arg23[%swap3A_1277], %broadcast_in_dim3A_6 {strides = array<i32>} : memref<16xi32, #tpu.memory_space<vmem>>, vector<16xi32>,
      %lt3A_1279 = arith.constant 8 : i32
      %lt3A_1280 = vector.broadcast %lt3A_1279 : i32 to vector<16xi32>
      %lt3A_1281 = arith.cmpi slt, %iota3A, %lt3A_1280 : vector<16xi32>
      tpu.vector_store_idx %arg23[%sub3A_1272], %broadcast_in_dim3A_8 masked %lt3A_1281 {add = true} : memref<16xi32, #tpu.memory_space<vmem>>[vector<16xi32>], vector<16xi32>, vector<16xi1>
      %get3A_1282 = arith.constant 0 : index
      %get3A_1283 = tpu.vector_load %arg23[%get3A_1282] {strides = array<i32>} : memref<16xi32, #tpu.memory_space<vmem>>, vector<16xi32>,
      %broadcast_in_dim3A_1284 = arith.constant true
      %broadcast_in_dim3A_1285 = vector.broadcast %broadcast_in_dim3A_1284 : i1 to vector<16xi1>
      %masked_cumsum3A_1286 = tpu.scan <sum>, %get3A_1283 masked %broadcast_in_dim3A_1285 : vector<16xi32>, vector<16xi1> -> vector<16xi32>
      %sub3A_1287 = arith.constant 1 : i32
      %sub3A_1288 = vector.broadcast %sub3A_1287 : i32 to vector<16xi32>
      %sub3A_1289 = arith.subi %masked_cumsum3A_1286, %sub3A_1288 : vector<16xi32>
      %gather3A_1290 = tpu.vector_load_idx %arg19[%sub3A_1289] : memref<16xi32, #tpu.memory_space<vmem>>[vector<16xi32>], vector<16xi32>,
      %gather3A_1291 = tpu.vector_load_idx %arg20[%sub3A_1289] : memref<16xi32, #tpu.memory_space<vmem>>[vector<16xi32>], vector<16xi32>,
      %add3A_1292 = arith.addi %gather3A_1290, %iota3A : vector<16xi32>
      %sub3A_1293 = arith.subi %add3A_1292, %gather3A_1291 : vector<16xi32>
      %swap3A_1294 = arith.constant 0 : index
      %swap3A_1295 = tpu.vector_load %arg21[%swap3A_1294] {strides = array<i32>} : memref<16xi32, #tpu.memory_space<vmem>>, vector<16xi32>,
      tpu.vector_store %arg21[%swap3A_1294], %sub3A_1289 {strides = array<i32>} : memref<16xi32, #tpu.memory_space<vmem>>, vector<16xi32>,
      %swap3A_1296 = arith.constant 0 : index
      %swap3A_1297 = tpu.vector_load %arg22[%swap3A_1296] {strides = array<i32>} : memref<16xi32, #tpu.memory_space<vmem>>, vector<16xi32>,
      tpu.vector_store %arg22[%swap3A_1296], %sub3A_1293 {strides = array<i32>} : memref<16xi32, #tpu.memory_space<vmem>>, vector<16xi32>,
      %reduce_max3A = arith.constant true
      %reduce_max3A_1298 = vector.broadcast %reduce_max3A : i1 to vector<16xi1>
      %reduce_max3A_1299 = arith.constant -2147483648 : i32
      %reduce_max3A_1300 = vector.broadcast %reduce_max3A_1299 : i32 to vector<16xi32>
      %reduce_max3A_1301 = arith.xori %masked_cumsum3A_1271, %reduce_max3A_1300 : vector<16xi32>
      %reduce_max3A_1302 = tpu.scan <max>, %reduce_max3A_1301 masked %reduce_max3A_1298 : vector<16xi32>, vector<16xi1> -> vector<16xi32>
      %reduce_max3A_1303 = arith.xori %reduce_max3A_1302, %reduce_max3A_1300 : vector<16xi32>
      %reduce_max3A_1304 = vector.extract %reduce_max3A_1303[15] : i32 from vector<16xi32>
      %lt3A_1305 = vector.broadcast %reduce_max3A_1304 : i32 to vector<16xi32>
      %lt3A_1306 = arith.cmpi slt, %iota3A, %lt3A_1305 : vector<16xi32>
      %mul3A_1307 = arith.constant 0 : i32
      %mul3A_1308 = vector.broadcast %mul3A_1307 : i32 to vector<16xi32>
      %mul3A_1309 = arith.muli %iota3A, %mul3A_1308 : vector<16xi32>
      %sub3A_1310 = arith.constant 1 : i32
      %sub3A_1311 = arith.subi %reduce_max3A_1304, %sub3A_1310 : i32
      %max3A_1312 = arith.constant 0 : i32
      %max3A_1313 = arith.maxsi %sub3A_1311, %max3A_1312 : i32
      %add3A_1314 = vector.broadcast %max3A_1313 : i32 to vector<16xi32>
      %add3A_1315 = arith.addi %mul3A_1309, %add3A_1314 : vector<16xi32>
      %gather3A_1316 = tpu.vector_load_idx %arg21[%add3A_1315] : memref<16xi32, #tpu.memory_space<vmem>>[vector<16xi32>], vector<16xi32>,
      %gather3A_1317 = tpu.vector_load_idx %arg22[%add3A_1315] : memref<16xi32, #tpu.memory_space<vmem>>[vector<16xi32>], vector<16xi32>,
      %select_n3A_1318 = arith.select %lt3A_1306, %sub3A_1289, %gather3A_1316 : vector<16xi1>, vector<16xi32>
      %select_n3A_1319 = arith.select %lt3A_1306, %sub3A_1293, %gather3A_1317 : vector<16xi1>, vector<16xi32>
      %gather3A_1320 = tpu.vector_load_idx %arg18[%select_n3A_1318] : memref<16xi32, #tpu.memory_space<vmem>>[vector<16xi32>], vector<16xi32>,
      %add3A_1321 = arith.constant 1 : i32
      %add3A_1322 = vector.broadcast %add3A_1321 : i32 to vector<16xi32>
      %add3A_1323 = arith.addi %select_n3A_1318, %add3A_1322 : vector<16xi32>
      %gather3A_1324 = tpu.vector_load_idx %arg18[%add3A_1323] : memref<16xi32, #tpu.memory_space<vmem>>[vector<16xi32>], vector<16xi32>,
      %swap3A_1325 = arith.constant 0 : index
      %swap3A_1326 = tpu.vector_load %arg23[%swap3A_1325] {strides = array<i32>} : memref<16xi32, #tpu.memory_space<vmem>>, vector<16xi32>,
      tpu.vector_store %arg23[%swap3A_1325], %select_n3A_1318 {strides = array<i32>} : memref<16xi32, #tpu.memory_space<vmem>>, vector<16xi32>,
      "tpu.region"() ({
        %run_scoped3A = tpu.sem_alloc : memref<!tpu.dma_semaphore, #tpu.memory_space<semaphore_mem>>
        tpu.enqueue_dma source(%arg23 : memref<16xi32, #tpu.memory_space<vmem>>) target(%arg6 : memref<16xi32, #tpu.memory_space<hbm>>) target_semaphore(%run_scoped3A : memref<!tpu.dma_semaphore, #tpu.memory_space<semaphore_mem>>)
        tpu.wait_dma2 semaphore(%run_scoped3A : memref<!tpu.dma_semaphore, #tpu.memory_space<semaphore_mem>>) src(%arg23 : memref<16xi32, #tpu.memory_space<vmem>>) dst(%arg6 : memref<16xi32, #tpu.memory_space<hbm>>)
        tpu.yield
      }) : () -> ()
      %swap3A_1327 = arith.constant 0 : index
      %swap3A_1328 = tpu.vector_load %arg23[%swap3A_1327] {strides = array<i32>} : memref<16xi32, #tpu.memory_space<vmem>>, vector<16xi32>,
      tpu.vector_store %arg23[%swap3A_1327], %select_n3A_1319 {strides = array<i32>} : memref<16xi32, #tpu.memory_space<vmem>>, vector<16xi32>,
      "tpu.region"() ({
        %run_scoped3A = tpu.sem_alloc : memref<!tpu.dma_semaphore, #tpu.memory_space<semaphore_mem>>
        tpu.enqueue_dma source(%arg23 : memref<16xi32, #tpu.memory_space<vmem>>) target(%arg7 : memref<16xi32, #tpu.memory_space<hbm>>) target_semaphore(%run_scoped3A : memref<!tpu.dma_semaphore, #tpu.memory_space<semaphore_mem>>)
        tpu.wait_dma2 semaphore(%run_scoped3A : memref<!tpu.dma_semaphore, #tpu.memory_space<semaphore_mem>>) src(%arg23 : memref<16xi32, #tpu.memory_space<vmem>>) dst(%arg7 : memref<16xi32, #tpu.memory_space<hbm>>)
        tpu.yield
      }) : () -> ()
      %convert_element_type3A_1329 = arith.extui %lt3A_1306 : vector<16xi1> to vector<16xi32>
      %swap3A_1330 = arith.constant 0 : index
      %swap3A_1331 = tpu.vector_load %arg23[%swap3A_1330] {strides = array<i32>} : memref<16xi32, #tpu.memory_space<vmem>>, vector<16xi32>,
      tpu.vector_store %arg23[%swap3A_1330], %convert_element_type3A_1329 {strides = array<i32>} : memref<16xi32, #tpu.memory_space<vmem>>, vector<16xi32>,
      "tpu.region"() ({
        %run_scoped3A = tpu.sem_alloc : memref<!tpu.dma_semaphore, #tpu.memory_space<semaphore_mem>>
        tpu.enqueue_dma source(%arg23 : memref<16xi32, #tpu.memory_space<vmem>>) target(%arg8 : memref<16xi32, #tpu.memory_space<hbm>>) target_semaphore(%run_scoped3A : memref<!tpu.dma_semaphore, #tpu.memory_space<semaphore_mem>>)
        tpu.wait_dma2 semaphore(%run_scoped3A : memref<!tpu.dma_semaphore, #tpu.memory_space<semaphore_mem>>) src(%arg23 : memref<16xi32, #tpu.memory_space<vmem>>) dst(%arg8 : memref<16xi32, #tpu.memory_space<hbm>>)
        tpu.yield
      }) : () -> ()
      %swap3A_1332 = arith.constant 0 : index
      %swap3A_1333 = tpu.vector_load %arg23[%swap3A_1332] {strides = array<i32>} : memref<16xi32, #tpu.memory_space<vmem>>, vector<16xi32>,
      tpu.vector_store %arg23[%swap3A_1332], %gather3A_1320 {strides = array<i32>} : memref<16xi32, #tpu.memory_space<vmem>>, vector<16xi32>,
      "tpu.region"() ({
        %run_scoped3A = tpu.sem_alloc : memref<!tpu.dma_semaphore, #tpu.memory_space<semaphore_mem>>
        tpu.enqueue_dma source(%arg23 : memref<16xi32, #tpu.memory_space<vmem>>) target(%arg9 : memref<16xi32, #tpu.memory_space<hbm>>) target_semaphore(%run_scoped3A : memref<!tpu.dma_semaphore, #tpu.memory_space<semaphore_mem>>)
        tpu.wait_dma2 semaphore(%run_scoped3A : memref<!tpu.dma_semaphore, #tpu.memory_space<semaphore_mem>>) src(%arg23 : memref<16xi32, #tpu.memory_space<vmem>>) dst(%arg9 : memref<16xi32, #tpu.memory_space<hbm>>)
        tpu.yield
      }) : () -> ()
      %swap3A_1334 = arith.constant 0 : index
      %swap3A_1335 = tpu.vector_load %arg23[%swap3A_1334] {strides = array<i32>} : memref<16xi32, #tpu.memory_space<vmem>>, vector<16xi32>,
      tpu.vector_store %arg23[%swap3A_1334], %gather3A_1324 {strides = array<i32>} : memref<16xi32, #tpu.memory_space<vmem>>, vector<16xi32>,
      "tpu.region"() ({
        %run_scoped3A = tpu.sem_alloc : memref<!tpu.dma_semaphore, #tpu.memory_space<semaphore_mem>>
        tpu.enqueue_dma source(%arg23 : memref<16xi32, #tpu.memory_space<vmem>>) target(%arg10 : memref<16xi32, #tpu.memory_space<hbm>>) target_semaphore(%run_scoped3A : memref<!tpu.dma_semaphore, #tpu.memory_space<semaphore_mem>>)
        tpu.wait_dma2 semaphore(%run_scoped3A : memref<!tpu.dma_semaphore, #tpu.memory_space<semaphore_mem>>) src(%arg23 : memref<16xi32, #tpu.memory_space<vmem>>) dst(%arg10 : memref<16xi32, #tpu.memory_space<hbm>>)
        tpu.yield
      }) : () -> ()
    } else {
    }
    return
  }
}

</mosaic_0001>

<sc_bundles>
// kernel: _routing_sc.3.cloned.1.call-start
scs
__scs_entry_jumppad:
0x0: {  	(pc) =	sbr.rel $0x88, $3  }
0x1: {  	(tag) =	ssettag $0x0;
	lr =	simm.s32 $0x1  }
0x2: {  	[smem:$0x3F9F] =	sst lr;
	_ =	strace $0xD0000000  }
0x3: {  	_ = 	snop  }
0x4: {  	_ = 	snop  }
0x5: {  	_ = 	snop  }
0x6: {  	_ = 	snop  }
0x7: {  	_ = 	snop  }
__scs_overlays_trampoline_lowered:
0x8: {  	[smem:$0x3FAE] =	sst s0  }
0x9: {  	[smem:$0x3FAF] =	sst s1  }
0xa: {  	[smem:$0x3FB0] =	sst s2  }
0xb: {  	[smem:$0x3FB1] =	sst s3  }
0xc: {  	[smem:$0x3FB2] =	sst s4  }
0xd: {  	[smem:$0x3FB3] =	sst s5  }
0xe: {  	[smem:$0x3FB4] =	sst s6  }
0xf: {  	[smem:$0x3FB5] =	sst s7  }
0x10: {  	[smem:$0x3FB6] =	sst s8  }
0x11: {  	[smem:$0x3FB7] =	sst s9;
	s0 =	simm.s32 @!p0 $0x0  }
0x12: {  	s1 =	sld [smem:$0x3F9D];
	s0 =	simm.s32 @p0 $0x1  }
0x13: {  	[smem:$0x3FB8] =	sst s0;
	s0 =	simm.s32 @!p1 $0x0  }
0x14: {  	s2 =	sld [smem:$0x3F9C];
	s0 =	simm.s32 @p1 $0x1  }
0x15: {  	[smem:$0x3FB9] =	sst s0;
	s0 =	simm.s32 @!p2 $0x0  }
0x16: {  	s3 =	sld [smem:$0x3FDB];
	s0 =	simm.s32 @p2 $0x1  }
0x17: {  	s4 =	simm.s32 $0x1BF5;
	[smem:$0x3FBB] =	sst s0  }
0x18: {  	s0 =	sld [smem:$0x3F9E];
	_ =	swait.ge [sflag:s4], $0x0  }
0x19: {  	s7 =	sld [smem:$0x3F9F]  }
0x1a: {  	s8 =	sadd.s32 $0xFFFFE003, lr  }
0x1b: {  	s9 =	sadd.s32 $0xFFFFFEF7, lr;
	s5 =	simm.s32 $0xFFFFFFFF;
	p2 =	slt.u32 s8, $0xFFFFF086  }
0x1c: {  	p1 =	slt.u32 s9, $0xF7A;
	s5 =	simm.s32 @!p2 $0x0  }
0x1d: {  	s5 =	simm.s32 @p1 $0x1;
	p0 =	seq.s32 s7, s2  }
0x1e: {  	s7 =	smul.u32 @!p0 $0xF7A, s2;
	p2 =	seq.s32 @!p0 s5, $0x0  }
0x1f: {  	s9 =	smul.u32 $0xF7A, s1;
	s8 =	simm.s32 @!p0 $0x1BF5;
	p2 =	por !p2, p0  }
0x20: {  	[sflag:s8] =	ssyncset.s32 @!p0 $0xFFFFF086;
	s6 =	sadd.s32 @!p0 s3, s7;
	s7 =	simm.s32 @!p0 $0x108  }
0x21: {  	s3 =	sadd.s32 s3, s9;
	s6 =	sadd.s32 @!p0 $0x88, s6;
	s7 =	simm.s32 @p2 $0x1082  }
0x22: {  	[simem:s7], [sflag:s8] =	dma.local @!p0 [hbm:s6], $0xF7A  }
0x23: {  	s9 =	sor.u32 $0xD0000000, s2;
	s6 =	simm.s32 $0x108;
	_ =	swait.ge @!p0 [sflag:s8], $0x0  }
0x24: {  	s3 =	sadd.s32 $0x88, s3;
	s6 =	simm.s32 @!p1 $0x1082;
	[sflag:s4] =	ssyncset.s32 $0xFFFFF086  }
0x25: {  	[simem:s6], [sflag:s4] =	dma.local [hbm:s3], $0xF7A  }
0x26: {  	[smem:$0x3F9F] =	sst s1;
	(tag) =	ssettag s2;
	_ =	strace s9  }
0x27: {  	s1 =	sld [smem:$0x3FAF]  }
0x28: {  	s2 =	sld [smem:$0x3FB0]  }
0x29: {  	s4 =	sld [smem:$0x3FB2]  }
0x2a: {  	p0 =	seq.s32 s5, $0x0;
	s5 =	sld [smem:$0x3FB3]  }
0x2b: {  	s6 =	sld [smem:$0x3FB4]  }
0x2c: {  	s7 =	sld [smem:$0x3FB5]  }
0x2d: {  	s3 =	simm.s32 $0x108;
	s8 =	sld [smem:$0x3FB6]  }
0x2e: {  	s3 =	simm.s32 @!p0 $0x1082;
	s9 =	sld [smem:$0x3FB7]  }
0x2f: {  	lr =	sadd.s32 s0, s3;
	s0 =	sld [smem:$0x3FAE]  }
0x30: {  	s3 =	sld [smem:$0x3FB1]  }
0x31: {  	[smem:$0x3FBA] =	sst s10  }
0x32: {  	s10 =	sld [smem:$0x3FB8];
	_ =	sdelay $0x3  }
0x33: {  	p0 =	seq.s32 s10, $0x1;
	s10 =	sld [smem:$0x3FBA];
	_ =	sdelay $0x3  }
0x34: {  	[smem:$0x3FBA] =	sst s10  }
0x35: {  	s10 =	sld [smem:$0x3FB9];
	_ =	sdelay $0x3  }
0x36: {  	p1 =	seq.s32 s10, $0x1;
	s10 =	sld [smem:$0x3FBA];
	_ =	sdelay $0x3  }
0x37: {  	[smem:$0x3FBA] =	sst s10  }
0x38: {  	s10 =	sld [smem:$0x3FBB]  }
0x39: {  	_ = 	snop;
	(pc) =	sbr.ind lr, $3  }
0x3a: {  	_ = 	snop  }
0x3b: {  	_ = 	snop  }
0x3c: {  	p2 =	seq.s32 s10, $0x1;
	s10 =	sld [smem:$0x3FBA]  }
0x3d: {  	_ =	shalt  }
0x3e: {  	_ =	shalt  }
0x3f: {  	_ =	shalt  }
0x40: {  	_ =	shalt  }
0x41: {  	_ =	shalt  }
0x42: {  	_ =	shalt  }
0x43: {  	_ =	shalt  }
0x44: {  	_ =	shalt  }
0x45: {  	_ =	shalt  }
0x46: {  	_ =	shalt  }
0x47: {  	_ =	shalt  }
0x48: {  	_ =	shalt  }
0x49: {  	_ =	shalt  }
0x4a: {  	_ =	shalt  }
0x4b: {  	_ =	shalt  }
0x4c: {  	_ =	shalt  }
0x4d: {  	_ =	shalt  }
0x4e: {  	_ =	shalt  }
0x4f: {  	_ =	shalt  }
0x50: {  	_ =	shalt  }
0x51: {  	_ =	shalt  }
0x52: {  	_ =	shalt  }
0x53: {  	_ =	shalt  }
0x54: {  	_ =	shalt  }
0x55: {  	_ =	shalt  }
0x56: {  	_ =	shalt  }
0x57: {  	_ =	shalt  }
0x58: {  	_ =	shalt  }
0x59: {  	_ =	shalt  }
0x5a: {  	_ =	shalt  }
0x5b: {  	_ =	shalt  }
0x5c: {  	_ =	shalt  }
0x5d: {  	_ =	shalt  }
0x5e: {  	_ =	shalt  }
0x5f: {  	_ =	shalt  }
0x60: {  	_ =	shalt  }
0x61: {  	_ =	shalt  }
0x62: {  	_ =	shalt  }
0x63: {  	_ =	shalt  }
0x64: {  	_ =	shalt  }
0x65: {  	_ =	shalt  }
0x66: {  	_ =	shalt  }
0x67: {  	_ =	shalt  }
0x68: {  	_ =	shalt  }
0x69: {  	_ =	shalt  }
0x6a: {  	_ =	shalt  }
0x6b: {  	_ =	shalt  }
0x6c: {  	_ =	shalt  }
0x6d: {  	_ =	shalt  }
0x6e: {  	_ =	shalt  }
0x6f: {  	_ =	shalt  }
0x70: {  	_ =	shalt  }
0x71: {  	_ =	shalt  }
0x72: {  	_ =	shalt  }
0x73: {  	_ =	shalt  }
0x74: {  	_ =	shalt  }
0x75: {  	_ =	shalt  }
0x76: {  	_ =	shalt  }
0x77: {  	_ =	shalt  }
0x78: {  	_ =	shalt  }
0x79: {  	_ =	shalt  }
0x7a: {  	_ =	shalt  }
0x7b: {  	_ =	shalt  }
0x7c: {  	_ =	shalt  }
0x7d: {  	_ =	shalt  }
0x7e: {  	_ =	shalt  }
0x7f: {  	_ =	shalt  }
0x80: {  	_ =	shalt  }
0x81: {  	_ =	shalt  }
0x82: {  	_ =	shalt  }
0x83: {  	_ =	shalt  }
0x84: {  	_ =	shalt  }
0x85: {  	_ =	shalt  }
0x86: {  	_ =	shalt  }
0x87: {  	_ =	shalt  }
.Lfunc_end0:
.L_simem_size_0:
called_computation_lowered:
.L_overlay_start_0:
0x88: {  	s2 =	sld [smem:$0x3FD9]  }
0x89: {  	s3 =	sld [smem:$0x3FFE];
	_ =	sdelay $0x1  }
0x8a: {  	s1 =	srdreg.scid  }
0x8b: {  	s0 =	sand.u32 $0x1, s1  }
0x8c: {  	s15 =	sshll.u32 s0, $0xA;
	s2 =	sadd.s32 s3, s2  }
0x8d: {  	s2 =	sadd.s32 s2, s15  }
0x8e: {  	[smem:$0x3FC6] =	sst s2  }
0x8f: {  	_ = 	snop  }
0x90: {  	s2 =	sld [smem:$0x3FD0];
	_ =	sdelay $0x1  }
0x91: {  	s16 =	sld [smem:$0x3FC9]  }
0x92: {  	s5 =	simm.s32 $0xA;
	s6 =	simm.s32 $0x10;
	s4 =	sld [smem:$0x3FC8]  }
0x93: {  	[smem:s6], [sflag:s5] =	dma.local [hbm:s2], $0x1  }
0x94: {  	_ =	swait.eq [sflag:s5], $0x1  }
0x95: {  	s17 =	sld [smem:$0x10]  }
0x96: {  	s18 =	sld [smem:$0x11]  }
0x97: {  	s7 =	sld [smem:$0x12]  }
0x98: {  	s8 =	sld [smem:$0x13]  }
0x99: {  	s9 =	sld [smem:$0x14];
	[sflag:s5] =	ssyncset.done $0x0  }
0x9a: {  	s10 =	sld [smem:$0x15];
	[sflag:s5] =	ssyncadd.s32 $0xFFFFFFFF  }
0x9b: {  	s19 =	sld [smem:$0x16];
	(tm) =	ssettm $0x1  }
0x9c: {  	s11 =	sld [smem:$0x3FFB];
	_ =	sdelay $0x3  }
0x9d: {  	_ =	strace s11  }
0x9e: {  	s11 =	sld [smem:$0x3FFC];
	_ =	sdelay $0x3  }
0x9f: {  	_ =	strace s11  }
0xa0: {  	s11 =	sld [smem:$0x3FFD];
	_ =	sdelay $0x3  }
0xa1: {  	_ =	strace s11  }
0xa2: {  	_ =	strace $0x8FFFFFFF  }
0xa3: {  	s20 =	sld [smem:$0x3FDB];
	_ =	sdelay $0x1  }
0xa4: {  	s12 =	simm.s32 $_scs_section_size  }
0xa5: {  	s13 =	simm.s32 $_size__tile_overlayer_lowered;
	s14 =	simm.s32 $_tile_overlayer_lowered  }
0xa6: {  	s23 =	simm.s32 $0x1BFF;
	s22 =	sshll.u32 s14, $0x1;
	s11 =	sadd.s32 s12, s20  }
0xa7: {  	s21 =	sshll.u32 s13, $0x1;
	s15 =	simm.s32 $0x0;
	s13 =	sadd.s32 s22, s11  }
0xa8: {  	[timem:s15], [sflag:s23] =	dma.local [hbm:s13], s21  }
0xa9: {  	_ =	swait.ge [sflag:s23], s21  }
0xaa: {  	s12 =	ssub.s32 $0x0, s21;
	[sflag:s23] =	ssyncset.done $0x0  }
0xab: {  	[sflag:s23] =	ssyncadd.s32 s12;
	_ =	sdelay $0x1  }
0xac: {  	s24 =	simm.s32 $0x1B8B  }
0xad: {  	_ =	swait.ge [sflag:s24], $0x1  }
0xae: {  	[sflag:s24] =	ssyncset.done $0x0  }
0xaf: {  	s25 =	simm.s32 $0x1B8E;
	[sflag:s24] =	ssyncadd.s32 $0xFFFFFFFF  }
0xb0: {  	s26 =	simm.s32 $execute0_lowered;
	[smem:$0x3FD2] =	sst s25  }
0xb1: {  	s12 =	sshll.u32 s26, $0x1;
	_ =	strace $0x80000046;
	[dreg:$0x1] =	wrdreg $0xFFFFFFFF  }
0xb2: {  	s28 =	simm.s32 $_size_execute0_lowered;
	s11 =	sadd.s32 s11, s12;
	[dreg:$0x0] =	wrdreg $0x0  }
0xb3: {  	s12 =	sshll.u32 s28, $0x1;
	[dreg:$0x2] =	wrdreg s11  }
0xb4: {  	[dreg:$0x3] =	wrdreg s12  }
0xb5: {  	[dreg:$0x4] =	wrdreg $0xC0  }
0xb6: {  	_ =	task [dreg:s15], $0x5FFFF  }
0xb7: {  	[dreg:$0x1] =	wrdreg $0xFFFFFFFF  }
0xb8: {  	[dreg:$0x0] =	wrdreg $0x60  }
0xb9: {  	[dreg:$0x2] =	wrdreg s16  }
0xba: {  	[dreg:$0x3] =	wrdreg s4  }
0xbb: {  	[dreg:$0x4] =	wrdreg s17  }
0xbc: {  	[dreg:$0x5] =	wrdreg s18  }
0xbd: {  	[dreg:$0x6] =	wrdreg s7  }
0xbe: {  	[dreg:$0x7] =	wrdreg s8  }
0xbf: {  	[dreg:$0x8] =	wrdreg s9  }
0xc0: {  	[dreg:$0x9] =	wrdreg s10  }
0xc1: {  	[dreg:$0xa] =	wrdreg s19  }
0xc2: {  	[dreg:$0xb] =	wrdreg $0x9  }
0xc3: {  	_ =	task.clear_ibuf [dreg:s15], $0xCFFFF;
	_ =	strace $0x90000046  }
0xc4: {  	s29 =	simm.s32 $0x9;
	_ =	strace $0x80000048  }
0xc5: {  	_ =	swait.ge [sflag:s29], $0x1  }
0xc6: {  	[sflag:s29] =	ssyncadd.s32 $0xFFFFFFFF  }
0xc7: {  	_ =	strace $0x90000048  }
0xc8: {  	_ =	sfence  }
0xc9: {  	s30 =	sld [smem:$0x0];
	_ =	sdelay $0x2  }
0xca: {  	s31 =	sshll.u32 s1, $0xD;
	s1 =	sshrl.u32 s1, $0x2  }
0xcb: {  	s3 =	sand.u32 $0x4000, s31;
	s1 =	sadd.s32 s1, s30  }
0xcc: {  	s0 =	sor.u32 s3, s0;
	s1 =	sshll.u32 s1, $0x11  }
0xcd: {  	s0 =	sor.u32 s1, s0  }
0xce: {  	s0 =	sadd.s32 $0x8F2B, s0  }
0xcf: {  	[sflag:s0] =	ssyncadd.remote.s32 $0x1  }
0xd0: {  	_ =	sfence.sel $0xFFFF  }
0xd1: {  	[dreg:$0x0] =	wrdreg $0xFFFFFFFF;
	(pc) =	sbr.abs _section_cstart, $3  }
0xd2: {  	[dreg:$0x1] =	wrdreg $0xFFFFFFFF  }
0xd3: {  	_ =	task.clear_ibuf [dreg:s15], $0x2FFFF;
	_ =	strace $0x9FFFFFFF  }
0xd4: {  	(tm) =	ssettm $0x7FFFFFFF  }
0xd5: {  	_ =	shalt  }
tec
execute0_lowered:
.L_overlay_start_1:
0x0: {  	(tag) =	ssettag $0x1  }
0x1: {  	s3 =	srdreg.scid;
	s4 =	stileid.u32  }
0x2: {  	s3 =	sand.u32 $0x1, s3;
	s4 =	sshll.u32 s4, $0x1  }
0x3: {  	s4 =	sor.u32 s3, s4  }
0x4: {  	s8 =	rddreg [dreg:$0x0];
	s5 =	sshll.u32 s4, $0x2  }
0x5: {  	s0 =	rddreg [dreg:$0x1];
	v0 =	vmov s5  }
0x6: {  	s2 =	rddreg [dreg:$0x2];
	s9 =	simm.s32 $0x0;
	v1 =	vimm.s32 $0x0;
	vm0 =	veq.s32 v0, $0x7C  }
0x7: {  	[smem:$0x7FF] =	sst s9;
	v1 =	vsel vm0, $0xFFFFFFFF, v1  }
0x8: {  	s1 =	rddreg [dreg:$0x3];
	_ =	strace $0x80000047;
	vm0 =	vgt.u32 v0, $0x7A;
	[tilespmem:$0x1FE70] =	vst v1;
	v1 =	vimm.s32 $0x0  }
0x9: {  	v1 =	vsel vm0, $0xFFFFFFFF, v1  }
0xa: {  	vm0 =	vgt.u32 v0, $0x79;
	[tilespmem:$0x1FE80] =	vst v1;
	v1 =	vimm.s32 $0x0  }
0xb: {  	v1 =	vsel vm0, $0xFFFFFFFF, v1  }
0xc: {  	vm0 =	vgt.u32 v0, $0x78;
	[tilespmem:$0x1FE90] =	vst v1;
	v1 =	vimm.s32 $0x0  }
0xd: {  	v1 =	vsel vm0, $0xFFFFFFFF, v1  }
0xe: {  	vm0 =	vgt.u32 v0, $0x77;
	[tilespmem:$0x1FEA0] =	vst v1;
	v1 =	vimm.s32 $0x0  }
0xf: {  	v1 =	vsel vm0, $0xFFFFFFFF, v1  }
0x10: {  	vm0 =	vgt.u32 v0, $0x76;
	[tilespmem:$0x1FEB0] =	vst v1;
	v1 =	vimm.s32 $0x0  }
0x11: {  	v1 =	vsel vm0, $0xFFFFFFFF, v1  }
0x12: {  	vm0 =	vgt.u32 v0, $0x75;
	[tilespmem:$0x1FEC0] =	vst v1;
	v1 =	vimm.s32 $0x0  }
0x13: {  	v1 =	vsel vm0, $0xFFFFFFFF, v1  }
0x14: {  	vm0 =	vgt.u32 v0, $0x74;
	[tilespmem:$0x1FED0] =	vst v1;
	v1 =	vimm.s32 $0x0  }
0x15: {  	v1 =	vsel vm0, $0xFFFFFFFF, v1  }
0x16: {  	vm0 =	vgt.u32 v0, $0x73;
	[tilespmem:$0x1FEE0] =	vst v1;
	v1 =	vimm.s32 $0x0  }
0x17: {  	v1 =	vsel vm0, $0xFFFFFFFF, v1  }
0x18: {  	vm0 =	vgt.u32 v0, $0x72;
	[tilespmem:$0x1FEF0] =	vst v1;
	v1 =	vimm.s32 $0x0  }
0x19: {  	v3 =	vimm.s32 $0x0;
	v1 =	vsel vm0, $0xFFFFFFFF, v1;
	vm0 =	vgt.u32 v0, $0x71  }
0x1a: {  	v3 =	vsel vm0, $0xFFFFFFFF, v3  }
0x1b: {  	vm0 =	vgt.u32 v0, $0x70;
	[tilespmem:$0x1FF10] =	vst v3;
	v3 =	vimm.s32 $0x0  }
0x1c: {  	v3 =	vsel vm0, $0xFFFFFFFF, v3  }
0x1d: {  	vm0 =	vgt.u32 v0, $0x6F;
	[tilespmem:$0x1FF20] =	vst v3;
	v3 =	vimm.s32 $0x0  }
0x1e: {  	[tilespmem:$0x1FF00] =	vst v1;
	v1 =	vimm.s32 $0xFFEDCBA9;
	v3 =	vsel vm0, $0xFFFFFFFF, v3  }
0x1f: {  	v1 =	vunpack.c.l.s4.s8 v1;
	vm0 =	vgt.u32 v0, $0x6E;
	[tilespmem:$0x1FF30] =	vst v3;
	v3 =	vimm.s32 $0x0  }
0x20: {  	v3 =	vsel vm0, $0xFFFFFFFF, v3  }
0x21: {  	v4 =	vunpack.c.0.s8.s32 v1;
	vm0 =	vgt.u32 v0, $0x6D;
	[tilespmem:$0x1FF40] =	vst v3;
	v3 =	vimm.s32 $0x0  }
0x22: {  	v1 =	vimm.s32 $0x0;
	v3 =	vsel vm0, $0xFFFFFFFF, v3;
	vm0 =	vgt.u32 v0, $0x6C  }
0x23: {  	v8 =	vimm.s32 $0x0;
	v1 =	vsel vm0, $0xFFFFFFFF, v1;
	vm0 =	vgt.u32 v0, $0x6B  }
0x24: {  	v8 =	vsel vm0, $0xFFFFFFFF, v8  }
0x25: {  	vm0 =	vgt.u32 v0, $0x6A;
	[tilespmem:$0x1FF70] =	vst v8;
	v8 =	vimm.s32 $0x0  }
0x26: {  	v8 =	vsel vm0, $0xFFFFFFFF, v8  }
0x27: {  	v2 =	vimm.s32 $0x87654321;
	vm0 =	vgt.u32 v0, $0x69;
	[tilespmem:$0x1FF80] =	vst v8;
	v8 =	vimm.s32 $0x0  }
0x28: {  	v2 =	vunpack.c.l.s4.s8 v2;
	v8 =	vsel vm0, $0xFFFFFFFF, v8  }
0x29: {  	vm0 =	vgt.u32 v0, $0x68;
	[tilespmem:$0x1FF90] =	vst v8;
	v8 =	vimm.s32 $0x0  }
0x2a: {  	s16 =	simm.s32 $0x880;
	s17 =	simm.s32 $0x3;
	v5 =	vunpack.c.0.s8.s32 v2;
	v8 =	vsel vm0, $0xFFFFFFFF, v8  }
0x2b: {  	s19 =	simm.s32 $0xC980;
	s20 =	simm.s32 $0xC900;
	s21 =	simm.s32 $0xCA00;
	v2 =	vlaneseq.u32;
	vm0 =	vgt.u32 v0, $0x67;
	[tilespmem:$0x1FFA0] =	vst v8;
	v8 =	vimm.s32 $0x0  }
0x2c: {  	s23 =	simm.s32 $0x2;
	s18 =	simm.s32 $0x8880;
	s22 =	simm.s32 $0x9080;
	v6 =	vshrl.u32 v2, $0x3;
	v8 =	vsel vm0, $0xFFFFFFFF, v8  }
0x2d: {  	s24 =	simm.s32 $0x9880;
	s25 =	simm.s32 $0xA080;
	s28 =	simm.s32 $0xB080;
	vm9 =	vgt.u32 v0, $0x62;
	vm0 =	vgt.u32 v0, $0x66;
	[tilespmem:$0x1FFB0] =	vst v8;
	v8 =	vimm.s32 $0x0  }
0x2e: {  	s29 =	simm.s32 $0xB880;
	s30 =	simm.s32 $0xC080;
	s31 =	simm.s32 $0x1;
	vm10 =	vgt.u32 v0, $0x61;
	vm11 =	vgt.u32 v0, $0x60;
	v8 =	vsel vm0, $0xFFFFFFFF, v8  }
0x2f: {  	s13 =	sadd.s32 $0x100, s1;
	s14 =	sadd.s32 $0x200, s1;
	s3 =	ssub.s32 $0x2, s3;
	vm12 =	vgt.u32 v0, $0x5F;
	vm0 =	vgt.u32 v0, $0x65;
	[tilespmem:$0x1FFC0] =	vst v8;
	v8 =	vimm.s32 $0x0  }
0x30: {  	s6 =	sshrl.u32 s3, $0x1;
	s7 =	smul.u32 $0x1800, s4;
	s26 =	sshll.u32 s4, $0x3;
	vm13 =	vgt.u32 v0, $0x5E;
	vm14 =	vgt.u32 v0, $0x5D;
	v8 =	vsel vm0, $0xFFFFFFFF, v8  }
.Ltmp0:
0x31: {  	p0 =	sne.s32 s4, $0x0;
	s4 =	simm.s32 $0x800;
	vm15 =	vgt.u32 v0, $0x5C;
	vm0 =	vgt.u32 v0, $0x64;
	[tilespmem:$0x1FFD0] =	vst v8;
	v8 =	vimm.s32 $0x0;
	(pc) =	sbr.rel .LBB2_1-.Ltmp0, $4  }
0x32: {  	s3 =	ssub.s32 s3, s6;
	s11 =	sadd.s32 s8, s26;
	s12 =	sadd.s32 s2, s26;
	v7 =	vcombine.low v5, v4;
	v4 =	vand.u32 $0x7, v2;
	[tilespmem:$0x1FF50] =	vst v3;
	v8 =	vsel vm0, $0xFFFFFFFF, v8  }
0x33: {  	s2 =	smov.u32 s8;
	s5 =	simm.s32 $0xC880;
	s8 =	simm.s32 $0x7880;
	v5 =	vmul.u32 $0x8, v6;
	vm0 =	vgt.u32 v0, $0x63;
	[tilespmem:$0x1FFE0] =	vst v8;
	v8 =	vimm.s32 $0x0  }
0x34: {  	s26 =	simm.s32 $0xA880;
	s6 =	simm.s32 $0xCA80;
	s10 =	sadd.s32 s0, s7;
	v6 =	vor.u32 $0x8, v2;
	v7 =	vand.u32 $0xF, v7;
	[tilespmem:$0x1FF60] =	vst v1;
	v8 =	vsel vm0, $0xFFFFFFFF, v8  }
0x35: {  	s15 =	smax.u32 s3, $0x1;
	s0 =	simm.s32 $0x8080;
	s3 =	simm.s32 $0xCD00;
	v3 =	vimm.s32 $0x1;
	v1 =	vimm.s32 $0x0;
	vm0 =	vmxor vm0, vm0;
	[tilespmem:$0x1FFF0] =	vst v8  }
.LBB2_3:
0x36: {  	s15 =	sadd.s32 $0xFFFFFFFF, s15  }
0x37: {  	p1 =	sne.s32 s15, $0x0  }
.Ltmp1:
0x38: {  	_ = 	snop;
	(pc) =	sbr.rel @!p1 .LBB2_4-.Ltmp1, $1  }
0x39: {  	_ =	sdelay $0x3  }
.LBB2_1:
0x3a: {  	[tilespmem:s16], [sflag:$0x2] =	stream.linear.gather [hbm4b:s10+s9], $0xC000, $0x38;
	[tilespmem:$0xCD80] =	vst v63  }
0x3b: {  	_ = 	snop  }
0x3c: {  	[tilespmem:s9], [sflag:$0x3] =	stream.linear.gather [hbm4b:s2+s9], $0x800, $0x38;
	[tilespmem:$0xCD80] =	vst v63  }
0x3d: {  	_ =	swait.ge [sflag:s17], $0x800  }
0x3e: {  	[sflag:s17] =	ssyncset.done $0x0  }
0x3f: {  	[sflag:s17] =	ssyncadd.s32 $0xFFFFF800  }
0x40: {  	[tilespmem:s4], [sflag:$0x3] =	stream.linear.gather [hbm4b:s11+s9], $0x40, $0x38;
	[tilespmem:$0xCD80] =	vst v63  }
0x41: {  	_ =	swait.ge [sflag:s17], $0x40  }
0x42: {  	[sflag:s17] =	ssyncset.done $0x0  }
0x43: {  	[sflag:s17] =	ssyncadd.s32 $0xFFFFFFC0  }
0x44: {  	v8 =	vld [tilespmem:$0x0];
	_ =	sdelay $0x2  }
0x45: {  	vm1 =	vne.s32 v0, $0x0;
	_ =	sdelay $0x2  }
0x46: {  	[tilespmem:$0xC900] =	vst v1  }
0x47: {  	[tilespmem:$0xC980] =	vst v1  }
0x48: {  	[tilespmem:v8+s19+$0x0] =	vst.idx.add.s32.msk $0xffff, v3  }
0x49: {  	[tilespmem:v8+s20+$0x0] =	vst.idx.add.s32.msk vm1, v3  }
0x4a: {  	v8 =	vld [tilespmem:$0x10];
	_ =	sdelay $0x7  }
0x4b: {  	[tilespmem:v8+s19+$0x0] =	vst.idx.add.s32.msk $0xffff, v3  }
0x4c: {  	[tilespmem:v8+s20+$0x0] =	vst.idx.add.s32.msk vm1, v3  }
0x4d: {  	v8 =	vld [tilespmem:$0x20];
	_ =	sdelay $0x7  }
0x4e: {  	[tilespmem:v8+s19+$0x0] =	vst.idx.add.s32.msk $0xffff, v3  }
0x4f: {  	[tilespmem:v8+s20+$0x0] =	vst.idx.add.s32.msk vm1, v3  }
0x50: {  	v8 =	vld [tilespmem:$0x30];
	_ =	sdelay $0x7  }
0x51: {  	[tilespmem:v8+s19+$0x0] =	vst.idx.add.s32.msk $0xffff, v3  }
0x52: {  	[tilespmem:v8+s20+$0x0] =	vst.idx.add.s32.msk vm1, v3  }
0x53: {  	v8 =	vld [tilespmem:$0x40];
	_ =	sdelay $0x2  }
0x54: {  	vm1 =	vgt.u32 v0, $0x4;
	_ =	sdelay $0x4  }
0x55: {  	[tilespmem:v8+s19+$0x0] =	vst.idx.add.s32.msk $0xffff, v3  }
0x56: {  	[tilespmem:v8+s20+$0x0] =	vst.idx.add.s32.msk vm1, v3  }
0x57: {  	v8 =	vld [tilespmem:$0x50];
	_ =	sdelay $0x2  }
0x58: {  	vm1 =	vgt.u32 v0, $0x5;
	_ =	sdelay $0x4  }
0x59: {  	[tilespmem:v8+s19+$0x0] =	vst.idx.add.s32.msk $0xffff, v3  }
0x5a: {  	[tilespmem:v8+s20+$0x0] =	vst.idx.add.s32.msk vm1, v3  }
0x5b: {  	v8 =	vld [tilespmem:$0x60];
	_ =	sdelay $0x2  }
0x5c: {  	vm1 =	vgt.u32 v0, $0x6;
	_ =	sdelay $0x4  }
0x5d: {  	[tilespmem:v8+s19+$0x0] =	vst.idx.add.s32.msk $0xffff, v3  }
0x5e: {  	[tilespmem:v8+s20+$0x0] =	vst.idx.add.s32.msk vm1, v3  }
0x5f: {  	v8 =	vld [tilespmem:$0x70];
	_ =	sdelay $0x2  }
0x60: {  	vm1 =	vgt.u32 v0, $0x7;
	_ =	sdelay $0x4  }
0x61: {  	[tilespmem:v8+s19+$0x0] =	vst.idx.add.s32.msk $0xffff, v3  }
0x62: {  	[tilespmem:v8+s20+$0x0] =	vst.idx.add.s32.msk vm1, v3  }
0x63: {  	v8 =	vld [tilespmem:$0x80];
	_ =	sdelay $0x2  }
0x64: {  	vm1 =	vgt.u32 v0, $0x8;
	_ =	sdelay $0x4  }
0x65: {  	[tilespmem:v8+s19+$0x0] =	vst.idx.add.s32.msk $0xffff, v3  }
0x66: {  	[tilespmem:v8+s20+$0x0] =	vst.idx.add.s32.msk vm1, v3  }
0x67: {  	v8 =	vld [tilespmem:$0x90];
	_ =	sdelay $0x2  }
0x68: {  	vm1 =	vgt.u32 v0, $0x9;
	_ =	sdelay $0x4  }
0x69: {  	[tilespmem:v8+s19+$0x0] =	vst.idx.add.s32.msk $0xffff, v3  }
0x6a: {  	[tilespmem:v8+s20+$0x0] =	vst.idx.add.s32.msk vm1, v3  }
0x6b: {  	v8 =	vld [tilespmem:$0xA0];
	_ =	sdelay $0x2  }
0x6c: {  	vm1 =	vgt.u32 v0, $0xA;
	_ =	sdelay $0x4  }
0x6d: {  	[tilespmem:v8+s19+$0x0] =	vst.idx.add.s32.msk $0xffff, v3  }
0x6e: {  	[tilespmem:v8+s20+$0x0] =	vst.idx.add.s32.msk vm1, v3  }
0x6f: {  	v8 =	vld [tilespmem:$0xB0];
	_ =	sdelay $0x2  }
0x70: {  	vm1 =	vgt.u32 v0, $0xB;
	_ =	sdelay $0x4  }
0x71: {  	[tilespmem:v8+s19+$0x0] =	vst.idx.add.s32.msk $0xffff, v3  }
0x72: {  	[tilespmem:v8+s20+$0x0] =	vst.idx.add.s32.msk vm1, v3  }
0x73: {  	v8 =	vld [tilespmem:$0xC0];
	_ =	sdelay $0x2  }
0x74: {  	vm1 =	vgt.u32 v0, $0xC;
	_ =	sdelay $0x4  }
0x75: {  	[tilespmem:v8+s19+$0x0] =	vst.idx.add.s32.msk $0xffff, v3  }
0x76: {  	[tilespmem:v8+s20+$0x0] =	vst.idx.add.s32.msk vm1, v3  }
0x77: {  	v8 =	vld [tilespmem:$0xD0];
	_ =	sdelay $0x2  }
0x78: {  	vm1 =	vgt.u32 v0, $0xD;
	_ =	sdelay $0x4  }
0x79: {  	[tilespmem:v8+s19+$0x0] =	vst.idx.add.s32.msk $0xffff, v3  }
0x7a: {  	[tilespmem:v8+s20+$0x0] =	vst.idx.add.s32.msk vm1, v3  }
0x7b: {  	v8 =	vld [tilespmem:$0xE0];
	_ =	sdelay $0x2  }
0x7c: {  	vm1 =	vgt.u32 v0, $0xE;
	_ =	sdelay $0x4  }
0x7d: {  	[tilespmem:v8+s19+$0x0] =	vst.idx.add.s32.msk $0xffff, v3  }
0x7e: {  	[tilespmem:v8+s20+$0x0] =	vst.idx.add.s32.msk vm1, v3  }
0x7f: {  	v8 =	vld [tilespmem:$0xF0];
	_ =	sdelay $0x2  }
0x80: {  	vm1 =	vgt.u32 v0, $0xF;
	_ =	sdelay $0x4  }
0x81: {  	[tilespmem:v8+s19+$0x0] =	vst.idx.add.s32.msk $0xffff, v3  }
0x82: {  	[tilespmem:v8+s20+$0x0] =	vst.idx.add.s32.msk vm1, v3  }
0x83: {  	v8 =	vld [tilespmem:$0x100];
	_ =	sdelay $0x2  }
0x84: {  	vm1 =	vgt.u32 v0, $0x10;
	_ =	sdelay $0x4  }
0x85: {  	[tilespmem:v8+s19+$0x0] =	vst.idx.add.s32.msk $0xffff, v3  }
0x86: {  	[tilespmem:v8+s20+$0x0] =	vst.idx.add.s32.msk vm1, v3  }
0x87: {  	v8 =	vld [tilespmem:$0x110];
	_ =	sdelay $0x2  }
0x88: {  	vm1 =	vgt.u32 v0, $0x11;
	_ =	sdelay $0x4  }
0x89: {  	[tilespmem:v8+s19+$0x0] =	vst.idx.add.s32.msk $0xffff, v3  }
0x8a: {  	[tilespmem:v8+s20+$0x0] =	vst.idx.add.s32.msk vm1, v3  }
0x8b: {  	v8 =	vld [tilespmem:$0x120];
	_ =	sdelay $0x2  }
0x8c: {  	vm1 =	vgt.u32 v0, $0x12;
	_ =	sdelay $0x4  }
0x8d: {  	[tilespmem:v8+s19+$0x0] =	vst.idx.add.s32.msk $0xffff, v3  }
0x8e: {  	[tilespmem:v8+s20+$0x0] =	vst.idx.add.s32.msk vm1, v3  }
0x8f: {  	v8 =	vld [tilespmem:$0x130];
	_ =	sdelay $0x2  }
0x90: {  	vm1 =	vgt.u32 v0, $0x13;
	_ =	sdelay $0x4  }
0x91: {  	[tilespmem:v8+s19+$0x0] =	vst.idx.add.s32.msk $0xffff, v3  }
0x92: {  	[tilespmem:v8+s20+$0x0] =	vst.idx.add.s32.msk vm1, v3  }
0x93: {  	v8 =	vld [tilespmem:$0x140];
	_ =	sdelay $0x2  }
0x94: {  	vm1 =	vgt.u32 v0, $0x14;
	_ =	sdelay $0x4  }
0x95: {  	[tilespmem:v8+s19+$0x0] =	vst.idx.add.s32.msk $0xffff, v3  }
0x96: {  	[tilespmem:v8+s20+$0x0] =	vst.idx.add.s32.msk vm1, v3  }
0x97: {  	v8 =	vld [tilespmem:$0x150];
	_ =	sdelay $0x2  }
0x98: {  	vm1 =	vgt.u32 v0, $0x15;
	_ =	sdelay $0x4  }
0x99: {  	[tilespmem:v8+s19+$0x0] =	vst.idx.add.s32.msk $0xffff, v3  }
0x9a: {  	[tilespmem:v8+s20+$0x0] =	vst.idx.add.s32.msk vm1, v3  }
0x9b: {  	v8 =	vld [tilespmem:$0x160];
	_ =	sdelay $0x2  }
0x9c: {  	vm1 =	vgt.u32 v0, $0x16;
	_ =	sdelay $0x4  }
0x9d: {  	[tilespmem:v8+s19+$0x0] =	vst.idx.add.s32.msk $0xffff, v3  }
0x9e: {  	[tilespmem:v8+s20+$0x0] =	vst.idx.add.s32.msk vm1, v3  }
0x9f: {  	v8 =	vld [tilespmem:$0x170];
	_ =	sdelay $0x2  }
0xa0: {  	vm1 =	vgt.u32 v0, $0x17;
	_ =	sdelay $0x4  }
0xa1: {  	[tilespmem:v8+s19+$0x0] =	vst.idx.add.s32.msk $0xffff, v3  }
0xa2: {  	[tilespmem:v8+s20+$0x0] =	vst.idx.add.s32.msk vm1, v3  }
0xa3: {  	v8 =	vld [tilespmem:$0x180];
	_ =	sdelay $0x2  }
0xa4: {  	vm1 =	vgt.u32 v0, $0x18;
	_ =	sdelay $0x4  }
0xa5: {  	[tilespmem:v8+s19+$0x0] =	vst.idx.add.s32.msk $0xffff, v3  }
0xa6: {  	[tilespmem:v8+s20+$0x0] =	vst.idx.add.s32.msk vm1, v3  }
0xa7: {  	v8 =	vld [tilespmem:$0x190];
	_ =	sdelay $0x2  }
0xa8: {  	vm1 =	vgt.u32 v0, $0x19;
	_ =	sdelay $0x4  }
0xa9: {  	[tilespmem:v8+s19+$0x0] =	vst.idx.add.s32.msk $0xffff, v3  }
0xaa: {  	[tilespmem:v8+s20+$0x0] =	vst.idx.add.s32.msk vm1, v3  }
0xab: {  	v8 =	vld [tilespmem:$0x1A0];
	_ =	sdelay $0x2  }
0xac: {  	vm1 =	vgt.u32 v0, $0x1A;
	_ =	sdelay $0x4  }
0xad: {  	[tilespmem:v8+s19+$0x0] =	vst.idx.add.s32.msk $0xffff, v3  }
0xae: {  	[tilespmem:v8+s20+$0x0] =	vst.idx.add.s32.msk vm1, v3  }
0xaf: {  	v8 =	vld [tilespmem:$0x1B0];
	_ =	sdelay $0x2  }
0xb0: {  	vm1 =	vgt.u32 v0, $0x1B;
	_ =	sdelay $0x4  }
0xb1: {  	[tilespmem:v8+s19+$0x0] =	vst.idx.add.s32.msk $0xffff, v3  }
0xb2: {  	[tilespmem:v8+s20+$0x0] =	vst.idx.add.s32.msk vm1, v3  }
0xb3: {  	v8 =	vld [tilespmem:$0x1C0];
	_ =	sdelay $0x2  }
0xb4: {  	vm1 =	vgt.u32 v0, $0x1C;
	_ =	sdelay $0x4  }
0xb5: {  	[tilespmem:v8+s19+$0x0] =	vst.idx.add.s32.msk $0xffff, v3  }
0xb6: {  	[tilespmem:v8+s20+$0x0] =	vst.idx.add.s32.msk vm1, v3  }
0xb7: {  	v8 =	vld [tilespmem:$0x1D0];
	_ =	sdelay $0x2  }
0xb8: {  	vm1 =	vgt.u32 v0, $0x1D;
	_ =	sdelay $0x4  }
0xb9: {  	[tilespmem:v8+s19+$0x0] =	vst.idx.add.s32.msk $0xffff, v3  }
0xba: {  	[tilespmem:v8+s20+$0x0] =	vst.idx.add.s32.msk vm1, v3  }
0xbb: {  	v8 =	vld [tilespmem:$0x1E0];
	_ =	sdelay $0x2  }
0xbc: {  	vm1 =	vgt.u32 v0, $0x1E;
	_ =	sdelay $0x4  }
0xbd: {  	[tilespmem:v8+s19+$0x0] =	vst.idx.add.s32.msk $0xffff, v3  }
0xbe: {  	[tilespmem:v8+s20+$0x0] =	vst.idx.add.s32.msk vm1, v3  }
0xbf: {  	v8 =	vld [tilespmem:$0x1F0];
	_ =	sdelay $0x2  }
0xc0: {  	vm1 =	vgt.u32 v0, $0x1F;
	_ =	sdelay $0x4  }
0xc1: {  	[tilespmem:v8+s19+$0x0] =	vst.idx.add.s32.msk $0xffff, v3  }
0xc2: {  	[tilespmem:v8+s20+$0x0] =	vst.idx.add.s32.msk vm1, v3  }
0xc3: {  	v8 =	vld [tilespmem:$0x200];
	_ =	sdelay $0x2  }
0xc4: {  	vm1 =	vgt.u32 v0, $0x20;
	_ =	sdelay $0x4  }
0xc5: {  	[tilespmem:v8+s19+$0x0] =	vst.idx.add.s32.msk $0xffff, v3  }
0xc6: {  	[tilespmem:v8+s20+$0x0] =	vst.idx.add.s32.msk vm1, v3  }
0xc7: {  	v8 =	vld [tilespmem:$0x210];
	_ =	sdelay $0x2  }
0xc8: {  	vm1 =	vgt.u32 v0, $0x21;
	_ =	sdelay $0x4  }
0xc9: {  	[tilespmem:v8+s19+$0x0] =	vst.idx.add.s32.msk $0xffff, v3  }
0xca: {  	[tilespmem:v8+s20+$0x0] =	vst.idx.add.s32.msk vm1, v3  }
0xcb: {  	v8 =	vld [tilespmem:$0x220];
	_ =	sdelay $0x2  }
0xcc: {  	vm1 =	vgt.u32 v0, $0x22;
	_ =	sdelay $0x4  }
0xcd: {  	[tilespmem:v8+s19+$0x0] =	vst.idx.add.s32.msk $0xffff, v3  }
0xce: {  	[tilespmem:v8+s20+$0x0] =	vst.idx.add.s32.msk vm1, v3  }
0xcf: {  	v8 =	vld [tilespmem:$0x230];
	_ =	sdelay $0x2  }
0xd0: {  	vm1 =	vgt.u32 v0, $0x23;
	_ =	sdelay $0x4  }
0xd1: {  	[tilespmem:v8+s19+$0x0] =	vst.idx.add.s32.msk $0xffff, v3  }
0xd2: {  	[tilespmem:v8+s20+$0x0] =	vst.idx.add.s32.msk vm1, v3  }
0xd3: {  	v8 =	vld [tilespmem:$0x240];
	_ =	sdelay $0x2  }
0xd4: {  	vm1 =	vgt.u32 v0, $0x24;
	_ =	sdelay $0x4  }
0xd5: {  	[tilespmem:v8+s19+$0x0] =	vst.idx.add.s32.msk $0xffff, v3  }
0xd6: {  	[tilespmem:v8+s20+$0x0] =	vst.idx.add.s32.msk vm1, v3  }
0xd7: {  	v8 =	vld [tilespmem:$0x250];
	_ =	sdelay $0x2  }
0xd8: {  	vm1 =	vgt.u32 v0, $0x25;
	_ =	sdelay $0x4  }
0xd9: {  	[tilespmem:v8+s19+$0x0] =	vst.idx.add.s32.msk $0xffff, v3  }
0xda: {  	[tilespmem:v8+s20+$0x0] =	vst.idx.add.s32.msk vm1, v3  }
0xdb: {  	v8 =	vld [tilespmem:$0x260];
	_ =	sdelay $0x2  }
0xdc: {  	vm1 =	vgt.u32 v0, $0x26;
	_ =	sdelay $0x4  }
0xdd: {  	[tilespmem:v8+s19+$0x0] =	vst.idx.add.s32.msk $0xffff, v3  }
0xde: {  	[tilespmem:v8+s20+$0x0] =	vst.idx.add.s32.msk vm1, v3  }
0xdf: {  	v8 =	vld [tilespmem:$0x270];
	_ =	sdelay $0x2  }
0xe0: {  	vm1 =	vgt.u32 v0, $0x27;
	_ =	sdelay $0x4  }
0xe1: {  	[tilespmem:v8+s19+$0x0] =	vst.idx.add.s32.msk $0xffff, v3  }
0xe2: {  	[tilespmem:v8+s20+$0x0] =	vst.idx.add.s32.msk vm1, v3  }
0xe3: {  	v8 =	vld [tilespmem:$0x280];
	_ =	sdelay $0x2  }
0xe4: {  	vm1 =	vgt.u32 v0, $0x28;
	_ =	sdelay $0x4  }
0xe5: {  	[tilespmem:v8+s19+$0x0] =	vst.idx.add.s32.msk $0xffff, v3  }
0xe6: {  	[tilespmem:v8+s20+$0x0] =	vst.idx.add.s32.msk vm1, v3  }
0xe7: {  	v8 =	vld [tilespmem:$0x290];
	_ =	sdelay $0x2  }
0xe8: {  	vm1 =	vgt.u32 v0, $0x29;
	_ =	sdelay $0x4  }
0xe9: {  	[tilespmem:v8+s19+$0x0] =	vst.idx.add.s32.msk $0xffff, v3  }
0xea: {  	[tilespmem:v8+s20+$0x0] =	vst.idx.add.s32.msk vm1, v3  }
0xeb: {  	v8 =	vld [tilespmem:$0x2A0];
	_ =	sdelay $0x2  }
0xec: {  	vm1 =	vgt.u32 v0, $0x2A;
	_ =	sdelay $0x4  }
0xed: {  	[tilespmem:v8+s19+$0x0] =	vst.idx.add.s32.msk $0xffff, v3  }
0xee: {  	[tilespmem:v8+s20+$0x0] =	vst.idx.add.s32.msk vm1, v3  }
0xef: {  	v8 =	vld [tilespmem:$0x2B0];
	_ =	sdelay $0x2  }
0xf0: {  	vm1 =	vgt.u32 v0, $0x2B;
	_ =	sdelay $0x4  }
0xf1: {  	[tilespmem:v8+s19+$0x0] =	vst.idx.add.s32.msk $0xffff, v3  }
0xf2: {  	[tilespmem:v8+s20+$0x0] =	vst.idx.add.s32.msk vm1, v3  }
0xf3: {  	v8 =	vld [tilespmem:$0x2C0];
	_ =	sdelay $0x2  }
0xf4: {  	vm1 =	vgt.u32 v0, $0x2C;
	_ =	sdelay $0x4  }
0xf5: {  	[tilespmem:v8+s19+$0x0] =	vst.idx.add.s32.msk $0xffff, v3  }
0xf6: {  	[tilespmem:v8+s20+$0x0] =	vst.idx.add.s32.msk vm1, v3  }
0xf7: {  	v8 =	vld [tilespmem:$0x2D0];
	_ =	sdelay $0x2  }
0xf8: {  	vm1 =	vgt.u32 v0, $0x2D;
	_ =	sdelay $0x4  }
0xf9: {  	[tilespmem:v8+s19+$0x0] =	vst.idx.add.s32.msk $0xffff, v3  }
0xfa: {  	[tilespmem:v8+s20+$0x0] =	vst.idx.add.s32.msk vm1, v3  }
0xfb: {  	v8 =	vld [tilespmem:$0x2E0];
	_ =	sdelay $0x2  }
0xfc: {  	vm1 =	vgt.u32 v0, $0x2E;
	_ =	sdelay $0x4  }
0xfd: {  	[tilespmem:v8+s19+$0x0] =	vst.idx.add.s32.msk $0xffff, v3  }
0xfe: {  	[tilespmem:v8+s20+$0x0] =	vst.idx.add.s32.msk vm1, v3  }
0xff: {  	v8 =	vld [tilespmem:$0x2F0];
	_ =	sdelay $0x2  }
0x100: {  	vm1 =	vgt.u32 v0, $0x2F;
	_ =	sdelay $0x4  }
0x101: {  	[tilespmem:v8+s19+$0x0] =	vst.idx.add.s32.msk $0xffff, v3  }
0x102: {  	[tilespmem:v8+s20+$0x0] =	vst.idx.add.s32.msk vm1, v3  }
0x103: {  	v8 =	vld [tilespmem:$0x300];
	_ =	sdelay $0x2  }
0x104: {  	vm1 =	vgt.u32 v0, $0x30;
	_ =	sdelay $0x4  }
0x105: {  	[tilespmem:v8+s19+$0x0] =	vst.idx.add.s32.msk $0xffff, v3  }
0x106: {  	[tilespmem:v8+s20+$0x0] =	vst.idx.add.s32.msk vm1, v3  }
0x107: {  	v8 =	vld [tilespmem:$0x310];
	_ =	sdelay $0x2  }
0x108: {  	vm1 =	vgt.u32 v0, $0x31;
	_ =	sdelay $0x4  }
0x109: {  	[tilespmem:v8+s19+$0x0] =	vst.idx.add.s32.msk $0xffff, v3  }
0x10a: {  	[tilespmem:v8+s20+$0x0] =	vst.idx.add.s32.msk vm1, v3  }
0x10b: {  	v8 =	vld [tilespmem:$0x320];
	_ =	sdelay $0x2  }
0x10c: {  	vm1 =	vgt.u32 v0, $0x32;
	_ =	sdelay $0x4  }
0x10d: {  	[tilespmem:v8+s19+$0x0] =	vst.idx.add.s32.msk $0xffff, v3  }
0x10e: {  	[tilespmem:v8+s20+$0x0] =	vst.idx.add.s32.msk vm1, v3  }
0x10f: {  	v8 =	vld [tilespmem:$0x330];
	_ =	sdelay $0x2  }
0x110: {  	vm1 =	vgt.u32 v0, $0x33;
	_ =	sdelay $0x4  }
0x111: {  	[tilespmem:v8+s19+$0x0] =	vst.idx.add.s32.msk $0xffff, v3  }
0x112: {  	[tilespmem:v8+s20+$0x0] =	vst.idx.add.s32.msk vm1, v3  }
0x113: {  	v8 =	vld [tilespmem:$0x340];
	_ =	sdelay $0x2  }
0x114: {  	vm1 =	vgt.u32 v0, $0x34;
	_ =	sdelay $0x4  }
0x115: {  	[tilespmem:v8+s19+$0x0] =	vst.idx.add.s32.msk $0xffff, v3  }
0x116: {  	[tilespmem:v8+s20+$0x0] =	vst.idx.add.s32.msk vm1, v3  }
0x117: {  	v8 =	vld [tilespmem:$0x350];
	_ =	sdelay $0x2  }
0x118: {  	vm1 =	vgt.u32 v0, $0x35;
	_ =	sdelay $0x4  }
0x119: {  	[tilespmem:v8+s19+$0x0] =	vst.idx.add.s32.msk $0xffff, v3  }
0x11a: {  	[tilespmem:v8+s20+$0x0] =	vst.idx.add.s32.msk vm1, v3  }
0x11b: {  	v8 =	vld [tilespmem:$0x360];
	_ =	sdelay $0x2  }
0x11c: {  	vm1 =	vgt.u32 v0, $0x36;
	_ =	sdelay $0x4  }
0x11d: {  	[tilespmem:v8+s19+$0x0] =	vst.idx.add.s32.msk $0xffff, v3  }
0x11e: {  	[tilespmem:v8+s20+$0x0] =	vst.idx.add.s32.msk vm1, v3  }
0x11f: {  	v8 =	vld [tilespmem:$0x370];
	_ =	sdelay $0x2  }
0x120: {  	vm1 =	vgt.u32 v0, $0x37;
	_ =	sdelay $0x4  }
0x121: {  	[tilespmem:v8+s19+$0x0] =	vst.idx.add.s32.msk $0xffff, v3  }
0x122: {  	[tilespmem:v8+s20+$0x0] =	vst.idx.add.s32.msk vm1, v3  }
0x123: {  	v8 =	vld [tilespmem:$0x380];
	_ =	sdelay $0x2  }
0x124: {  	vm1 =	vgt.u32 v0, $0x38;
	_ =	sdelay $0x4  }
0x125: {  	[tilespmem:v8+s19+$0x0] =	vst.idx.add.s32.msk $0xffff, v3  }
0x126: {  	[tilespmem:v8+s20+$0x0] =	vst.idx.add.s32.msk vm1, v3  }
0x127: {  	v8 =	vld [tilespmem:$0x390];
	_ =	sdelay $0x2  }
0x128: {  	vm1 =	vgt.u32 v0, $0x39;
	_ =	sdelay $0x4  }
0x129: {  	[tilespmem:v8+s19+$0x0] =	vst.idx.add.s32.msk $0xffff, v3  }
0x12a: {  	[tilespmem:v8+s20+$0x0] =	vst.idx.add.s32.msk vm1, v3  }
0x12b: {  	v8 =	vld [tilespmem:$0x3A0];
	_ =	sdelay $0x2  }
0x12c: {  	vm1 =	vgt.u32 v0, $0x3A;
	_ =	sdelay $0x4  }
0x12d: {  	[tilespmem:v8+s19+$0x0] =	vst.idx.add.s32.msk $0xffff, v3  }
0x12e: {  	[tilespmem:v8+s20+$0x0] =	vst.idx.add.s32.msk vm1, v3  }
0x12f: {  	v8 =	vld [tilespmem:$0x3B0];
	_ =	sdelay $0x2  }
0x130: {  	vm1 =	vgt.u32 v0, $0x3B;
	_ =	sdelay $0x4  }
0x131: {  	[tilespmem:v8+s19+$0x0] =	vst.idx.add.s32.msk $0xffff, v3  }
0x132: {  	[tilespmem:v8+s20+$0x0] =	vst.idx.add.s32.msk vm1, v3  }
0x133: {  	v8 =	vld [tilespmem:$0x3C0];
	_ =	sdelay $0x2  }
0x134: {  	vm1 =	vgt.u32 v0, $0x3C;
	_ =	sdelay $0x4  }
0x135: {  	[tilespmem:v8+s19+$0x0] =	vst.idx.add.s32.msk $0xffff, v3  }
0x136: {  	[tilespmem:v8+s20+$0x0] =	vst.idx.add.s32.msk vm1, v3  }
0x137: {  	v8 =	vld [tilespmem:$0x3D0];
	_ =	sdelay $0x2  }
0x138: {  	vm1 =	vgt.u32 v0, $0x3D;
	_ =	sdelay $0x4  }
0x139: {  	[tilespmem:v8+s19+$0x0] =	vst.idx.add.s32.msk $0xffff, v3  }
0x13a: {  	[tilespmem:v8+s20+$0x0] =	vst.idx.add.s32.msk vm1, v3  }
0x13b: {  	v8 =	vld [tilespmem:$0x3E0];
	_ =	sdelay $0x2  }
0x13c: {  	vm1 =	vgt.u32 v0, $0x3E;
	_ =	sdelay $0x4  }
0x13d: {  	[tilespmem:v8+s19+$0x0] =	vst.idx.add.s32.msk $0xffff, v3  }
0x13e: {  	[tilespmem:v8+s20+$0x0] =	vst.idx.add.s32.msk vm1, v3  }
0x13f: {  	v8 =	vld [tilespmem:$0x3F0];
	_ =	sdelay $0x2  }
0x140: {  	vm1 =	vgt.u32 v0, $0x3F;
	_ =	sdelay $0x4  }
0x141: {  	[tilespmem:v8+s19+$0x0] =	vst.idx.add.s32.msk $0xffff, v3  }
0x142: {  	[tilespmem:v8+s20+$0x0] =	vst.idx.add.s32.msk vm1, v3  }
0x143: {  	v8 =	vld [tilespmem:$0x400];
	_ =	sdelay $0x2  }
0x144: {  	vm1 =	vgt.u32 v0, $0x40;
	_ =	sdelay $0x4  }
0x145: {  	[tilespmem:v8+s19+$0x0] =	vst.idx.add.s32.msk $0xffff, v3  }
0x146: {  	[tilespmem:v8+s20+$0x0] =	vst.idx.add.s32.msk vm1, v3  }
0x147: {  	v8 =	vld [tilespmem:$0x410];
	_ =	sdelay $0x2  }
0x148: {  	vm1 =	vgt.u32 v0, $0x41;
	_ =	sdelay $0x4  }
0x149: {  	[tilespmem:v8+s19+$0x0] =	vst.idx.add.s32.msk $0xffff, v3  }
0x14a: {  	[tilespmem:v8+s20+$0x0] =	vst.idx.add.s32.msk vm1, v3  }
0x14b: {  	v8 =	vld [tilespmem:$0x420];
	_ =	sdelay $0x2  }
0x14c: {  	vm1 =	vgt.u32 v0, $0x42;
	_ =	sdelay $0x4  }
0x14d: {  	[tilespmem:v8+s19+$0x0] =	vst.idx.add.s32.msk $0xffff, v3  }
0x14e: {  	[tilespmem:v8+s20+$0x0] =	vst.idx.add.s32.msk vm1, v3  }
0x14f: {  	v8 =	vld [tilespmem:$0x430];
	_ =	sdelay $0x2  }
0x150: {  	vm1 =	vgt.u32 v0, $0x43;
	_ =	sdelay $0x4  }
0x151: {  	[tilespmem:v8+s19+$0x0] =	vst.idx.add.s32.msk $0xffff, v3  }
0x152: {  	[tilespmem:v8+s20+$0x0] =	vst.idx.add.s32.msk vm1, v3  }
0x153: {  	v8 =	vld [tilespmem:$0x440];
	_ =	sdelay $0x2  }
0x154: {  	vm1 =	vgt.u32 v0, $0x44;
	_ =	sdelay $0x4  }
0x155: {  	[tilespmem:v8+s19+$0x0] =	vst.idx.add.s32.msk $0xffff, v3  }
0x156: {  	[tilespmem:v8+s20+$0x0] =	vst.idx.add.s32.msk vm1, v3  }
0x157: {  	v8 =	vld [tilespmem:$0x450];
	_ =	sdelay $0x2  }
0x158: {  	vm1 =	vgt.u32 v0, $0x45;
	_ =	sdelay $0x4  }
0x159: {  	[tilespmem:v8+s19+$0x0] =	vst.idx.add.s32.msk $0xffff, v3  }
0x15a: {  	[tilespmem:v8+s20+$0x0] =	vst.idx.add.s32.msk vm1, v3  }
0x15b: {  	v8 =	vld [tilespmem:$0x460];
	_ =	sdelay $0x2  }
0x15c: {  	vm1 =	vgt.u32 v0, $0x46;
	_ =	sdelay $0x4  }
0x15d: {  	[tilespmem:v8+s19+$0x0] =	vst.idx.add.s32.msk $0xffff, v3  }
0x15e: {  	[tilespmem:v8+s20+$0x0] =	vst.idx.add.s32.msk vm1, v3  }
0x15f: {  	v8 =	vld [tilespmem:$0x470];
	_ =	sdelay $0x2  }
0x160: {  	vm1 =	vgt.u32 v0, $0x47;
	_ =	sdelay $0x4  }
0x161: {  	[tilespmem:v8+s19+$0x0] =	vst.idx.add.s32.msk $0xffff, v3  }
0x162: {  	[tilespmem:v8+s20+$0x0] =	vst.idx.add.s32.msk vm1, v3  }
0x163: {  	v8 =	vld [tilespmem:$0x480];
	_ =	sdelay $0x2  }
0x164: {  	vm1 =	vgt.u32 v0, $0x48;
	_ =	sdelay $0x4  }
0x165: {  	[tilespmem:v8+s19+$0x0] =	vst.idx.add.s32.msk $0xffff, v3  }
0x166: {  	[tilespmem:v8+s20+$0x0] =	vst.idx.add.s32.msk vm1, v3  }
0x167: {  	v8 =	vld [tilespmem:$0x490];
	_ =	sdelay $0x2  }
0x168: {  	vm1 =	vgt.u32 v0, $0x49;
	_ =	sdelay $0x4  }
0x169: {  	[tilespmem:v8+s19+$0x0] =	vst.idx.add.s32.msk $0xffff, v3  }
0x16a: {  	[tilespmem:v8+s20+$0x0] =	vst.idx.add.s32.msk vm1, v3  }
0x16b: {  	v8 =	vld [tilespmem:$0x4A0];
	_ =	sdelay $0x2  }
0x16c: {  	vm1 =	vgt.u32 v0, $0x4A;
	_ =	sdelay $0x4  }
0x16d: {  	[tilespmem:v8+s19+$0x0] =	vst.idx.add.s32.msk $0xffff, v3  }
0x16e: {  	[tilespmem:v8+s20+$0x0] =	vst.idx.add.s32.msk vm1, v3  }
0x16f: {  	v8 =	vld [tilespmem:$0x4B0];
	_ =	sdelay $0x2  }
0x170: {  	vm1 =	vgt.u32 v0, $0x4B;
	_ =	sdelay $0x4  }
0x171: {  	[tilespmem:v8+s19+$0x0] =	vst.idx.add.s32.msk $0xffff, v3  }
0x172: {  	[tilespmem:v8+s20+$0x0] =	vst.idx.add.s32.msk vm1, v3  }
0x173: {  	v8 =	vld [tilespmem:$0x4C0];
	_ =	sdelay $0x2  }
0x174: {  	vm1 =	vgt.u32 v0, $0x4C;
	_ =	sdelay $0x4  }
0x175: {  	[tilespmem:v8+s19+$0x0] =	vst.idx.add.s32.msk $0xffff, v3  }
0x176: {  	[tilespmem:v8+s20+$0x0] =	vst.idx.add.s32.msk vm1, v3  }
0x177: {  	v8 =	vld [tilespmem:$0x4D0];
	_ =	sdelay $0x2  }
0x178: {  	vm1 =	vgt.u32 v0, $0x4D;
	_ =	sdelay $0x4  }
0x179: {  	[tilespmem:v8+s19+$0x0] =	vst.idx.add.s32.msk $0xffff, v3  }
0x17a: {  	[tilespmem:v8+s20+$0x0] =	vst.idx.add.s32.msk vm1, v3  }
0x17b: {  	v8 =	vld [tilespmem:$0x4E0];
	_ =	sdelay $0x2  }
0x17c: {  	vm1 =	vgt.u32 v0, $0x4E;
	_ =	sdelay $0x4  }
0x17d: {  	[tilespmem:v8+s19+$0x0] =	vst.idx.add.s32.msk $0xffff, v3  }
0x17e: {  	[tilespmem:v8+s20+$0x0] =	vst.idx.add.s32.msk vm1, v3  }
0x17f: {  	v8 =	vld [tilespmem:$0x4F0];
	_ =	sdelay $0x2  }
0x180: {  	vm1 =	vgt.u32 v0, $0x4F;
	_ =	sdelay $0x4  }
0x181: {  	[tilespmem:v8+s19+$0x0] =	vst.idx.add.s32.msk $0xffff, v3  }
0x182: {  	[tilespmem:v8+s20+$0x0] =	vst.idx.add.s32.msk vm1, v3  }
0x183: {  	v8 =	vld [tilespmem:$0x500];
	_ =	sdelay $0x2  }
0x184: {  	vm1 =	vgt.u32 v0, $0x50;
	_ =	sdelay $0x4  }
0x185: {  	[tilespmem:v8+s19+$0x0] =	vst.idx.add.s32.msk $0xffff, v3  }
0x186: {  	[tilespmem:v8+s20+$0x0] =	vst.idx.add.s32.msk vm1, v3  }
0x187: {  	v8 =	vld [tilespmem:$0x510];
	_ =	sdelay $0x2  }
0x188: {  	vm1 =	vgt.u32 v0, $0x51;
	_ =	sdelay $0x4  }
0x189: {  	[tilespmem:v8+s19+$0x0] =	vst.idx.add.s32.msk $0xffff, v3  }
0x18a: {  	[tilespmem:v8+s20+$0x0] =	vst.idx.add.s32.msk vm1, v3  }
0x18b: {  	v8 =	vld [tilespmem:$0x520];
	_ =	sdelay $0x2  }
0x18c: {  	vm1 =	vgt.u32 v0, $0x52;
	_ =	sdelay $0x4  }
0x18d: {  	[tilespmem:v8+s19+$0x0] =	vst.idx.add.s32.msk $0xffff, v3  }
0x18e: {  	[tilespmem:v8+s20+$0x0] =	vst.idx.add.s32.msk vm1, v3  }
0x18f: {  	v8 =	vld [tilespmem:$0x530];
	_ =	sdelay $0x2  }
0x190: {  	vm1 =	vgt.u32 v0, $0x53;
	_ =	sdelay $0x4  }
0x191: {  	[tilespmem:v8+s19+$0x0] =	vst.idx.add.s32.msk $0xffff, v3  }
0x192: {  	[tilespmem:v8+s20+$0x0] =	vst.idx.add.s32.msk vm1, v3  }
0x193: {  	v8 =	vld [tilespmem:$0x540];
	_ =	sdelay $0x2  }
0x194: {  	vm1 =	vgt.u32 v0, $0x54;
	_ =	sdelay $0x4  }
0x195: {  	[tilespmem:v8+s19+$0x0] =	vst.idx.add.s32.msk $0xffff, v3  }
0x196: {  	[tilespmem:v8+s20+$0x0] =	vst.idx.add.s32.msk vm1, v3  }
0x197: {  	v8 =	vld [tilespmem:$0x550];
	_ =	sdelay $0x2  }
0x198: {  	vm1 =	vgt.u32 v0, $0x55;
	_ =	sdelay $0x4  }
0x199: {  	[tilespmem:v8+s19+$0x0] =	vst.idx.add.s32.msk $0xffff, v3  }
0x19a: {  	[tilespmem:v8+s20+$0x0] =	vst.idx.add.s32.msk vm1, v3  }
0x19b: {  	v8 =	vld [tilespmem:$0x560];
	_ =	sdelay $0x2  }
0x19c: {  	vm1 =	vgt.u32 v0, $0x56;
	_ =	sdelay $0x4  }
0x19d: {  	[tilespmem:v8+s19+$0x0] =	vst.idx.add.s32.msk $0xffff, v3  }
0x19e: {  	[tilespmem:v8+s20+$0x0] =	vst.idx.add.s32.msk vm1, v3  }
0x19f: {  	v8 =	vld [tilespmem:$0x570];
	_ =	sdelay $0x2  }
0x1a0: {  	vm1 =	vgt.u32 v0, $0x57;
	_ =	sdelay $0x4  }
0x1a1: {  	[tilespmem:v8+s19+$0x0] =	vst.idx.add.s32.msk $0xffff, v3  }
0x1a2: {  	[tilespmem:v8+s20+$0x0] =	vst.idx.add.s32.msk vm1, v3  }
0x1a3: {  	v8 =	vld [tilespmem:$0x580];
	_ =	sdelay $0x2  }
0x1a4: {  	vm1 =	vgt.u32 v0, $0x58;
	_ =	sdelay $0x4  }
0x1a5: {  	[tilespmem:v8+s19+$0x0] =	vst.idx.add.s32.msk $0xffff, v3  }
0x1a6: {  	[tilespmem:v8+s20+$0x0] =	vst.idx.add.s32.msk vm1, v3  }
0x1a7: {  	v8 =	vld [tilespmem:$0x590];
	_ =	sdelay $0x2  }
0x1a8: {  	vm1 =	vgt.u32 v0, $0x59;
	_ =	sdelay $0x4  }
0x1a9: {  	[tilespmem:v8+s19+$0x0] =	vst.idx.add.s32.msk $0xffff, v3  }
0x1aa: {  	[tilespmem:v8+s20+$0x0] =	vst.idx.add.s32.msk vm1, v3  }
0x1ab: {  	v8 =	vld [tilespmem:$0x5A0];
	_ =	sdelay $0x2  }
0x1ac: {  	vm1 =	vgt.u32 v0, $0x5A;
	_ =	sdelay $0x4  }
0x1ad: {  	[tilespmem:v8+s19+$0x0] =	vst.idx.add.s32.msk $0xffff, v3  }
0x1ae: {  	[tilespmem:v8+s20+$0x0] =	vst.idx.add.s32.msk vm1, v3  }
0x1af: {  	v8 =	vld [tilespmem:$0x5B0];
	_ =	sdelay $0x2  }
0x1b0: {  	vm1 =	vgt.u32 v0, $0x5B;
	_ =	sdelay $0x4  }
0x1b1: {  	[tilespmem:v8+s19+$0x0] =	vst.idx.add.s32.msk $0xffff, v3  }
0x1b2: {  	[tilespmem:v8+s20+$0x0] =	vst.idx.add.s32.msk vm1, v3  }
0x1b3: {  	v8 =	vld [tilespmem:$0x5C0];
	_ =	sdelay $0x7  }
0x1b4: {  	[tilespmem:v8+s19+$0x0] =	vst.idx.add.s32.msk $0xffff, v3  }
0x1b5: {  	[tilespmem:v8+s20+$0x0] =	vst.idx.add.s32.msk vm15, v3  }
0x1b6: {  	v8 =	vld [tilespmem:$0x5D0];
	_ =	sdelay $0x7  }
0x1b7: {  	[tilespmem:v8+s19+$0x0] =	vst.idx.add.s32.msk $0xffff, v3  }
0x1b8: {  	[tilespmem:v8+s20+$0x0] =	vst.idx.add.s32.msk vm14, v3  }
0x1b9: {  	v8 =	vld [tilespmem:$0x5E0];
	_ =	sdelay $0x7  }
0x1ba: {  	[tilespmem:v8+s19+$0x0] =	vst.idx.add.s32.msk $0xffff, v3  }
0x1bb: {  	[tilespmem:v8+s20+$0x0] =	vst.idx.add.s32.msk vm13, v3  }
0x1bc: {  	v8 =	vld [tilespmem:$0x5F0];
	_ =	sdelay $0x7  }
0x1bd: {  	[tilespmem:v8+s19+$0x0] =	vst.idx.add.s32.msk $0xffff, v3  }
0x1be: {  	[tilespmem:v8+s20+$0x0] =	vst.idx.add.s32.msk vm12, v3  }
0x1bf: {  	v8 =	vld [tilespmem:$0x600];
	_ =	sdelay $0x7  }
0x1c0: {  	[tilespmem:v8+s19+$0x0] =	vst.idx.add.s32.msk $0xffff, v3  }
0x1c1: {  	[tilespmem:v8+s20+$0x0] =	vst.idx.add.s32.msk vm11, v3  }
0x1c2: {  	v8 =	vld [tilespmem:$0x610];
	_ =	sdelay $0x7  }
0x1c3: {  	[tilespmem:v8+s19+$0x0] =	vst.idx.add.s32.msk $0xffff, v3  }
0x1c4: {  	[tilespmem:v8+s20+$0x0] =	vst.idx.add.s32.msk vm10, v3  }
0x1c5: {  	v8 =	vld [tilespmem:$0x620];
	_ =	sdelay $0x6  }
0x1c6: {  	v9 =	vld [tilespmem:$0x1FFF0]  }
0x1c7: {  	[tilespmem:v8+s19+$0x0] =	vst.idx.add.s32.msk $0xffff, v3  }
0x1c8: {  	[tilespmem:v8+s20+$0x0] =	vst.idx.add.s32.msk vm9, v3  }
0x1c9: {  	v8 =	vld [tilespmem:$0x630];
	_ =	sdelay $0x2  }
0x1ca: {  	vm1 =	vnez.u8 v9;
	_ =	sdelay $0x3  }
0x1cb: {  	v9 =	vld [tilespmem:$0x1FFE0]  }
0x1cc: {  	[tilespmem:v8+s19+$0x0] =	vst.idx.add.s32.msk $0xffff, v3  }
0x1cd: {  	[tilespmem:v8+s20+$0x0] =	vst.idx.add.s32.msk vm1, v3  }
0x1ce: {  	v8 =	vld [tilespmem:$0x640];
	_ =	sdelay $0x2  }
0x1cf: {  	vm1 =	vnez.u8 v9;
	_ =	sdelay $0x3  }
0x1d0: {  	v9 =	vld [tilespmem:$0x1FFD0]  }
0x1d1: {  	[tilespmem:v8+s19+$0x0] =	vst.idx.add.s32.msk $0xffff, v3  }
0x1d2: {  	[tilespmem:v8+s20+$0x0] =	vst.idx.add.s32.msk vm1, v3  }
0x1d3: {  	v8 =	vld [tilespmem:$0x650];
	_ =	sdelay $0x2  }
0x1d4: {  	vm1 =	vnez.u8 v9;
	_ =	sdelay $0x3  }
0x1d5: {  	v9 =	vld [tilespmem:$0x1FFC0]  }
0x1d6: {  	[tilespmem:v8+s19+$0x0] =	vst.idx.add.s32.msk $0xffff, v3  }
0x1d7: {  	[tilespmem:v8+s20+$0x0] =	vst.idx.add.s32.msk vm1, v3  }
0x1d8: {  	v8 =	vld [tilespmem:$0x660];
	_ =	sdelay $0x2  }
0x1d9: {  	vm1 =	vnez.u8 v9;
	_ =	sdelay $0x3  }
0x1da: {  	v9 =	vld [tilespmem:$0x1FFB0]  }
0x1db: {  	[tilespmem:v8+s19+$0x0] =	vst.idx.add.s32.msk $0xffff, v3  }
0x1dc: {  	[tilespmem:v8+s20+$0x0] =	vst.idx.add.s32.msk vm1, v3  }
0x1dd: {  	v8 =	vld [tilespmem:$0x670];
	_ =	sdelay $0x2  }
0x1de: {  	vm1 =	vnez.u8 v9;
	_ =	sdelay $0x3  }
0x1df: {  	v9 =	vld [tilespmem:$0x1FFA0]  }
0x1e0: {  	[tilespmem:v8+s19+$0x0] =	vst.idx.add.s32.msk $0xffff, v3  }
0x1e1: {  	[tilespmem:v8+s20+$0x0] =	vst.idx.add.s32.msk vm1, v3  }
0x1e2: {  	v8 =	vld [tilespmem:$0x680];
	_ =	sdelay $0x2  }
0x1e3: {  	vm1 =	vnez.u8 v9;
	_ =	sdelay $0x3  }
0x1e4: {  	v9 =	vld [tilespmem:$0x1FF90]  }
0x1e5: {  	[tilespmem:v8+s19+$0x0] =	vst.idx.add.s32.msk $0xffff, v3  }
0x1e6: {  	[tilespmem:v8+s20+$0x0] =	vst.idx.add.s32.msk vm1, v3  }
0x1e7: {  	v8 =	vld [tilespmem:$0x690];
	_ =	sdelay $0x2  }
0x1e8: {  	vm1 =	vnez.u8 v9;
	_ =	sdelay $0x3  }
0x1e9: {  	v9 =	vld [tilespmem:$0x1FF80]  }
0x1ea: {  	[tilespmem:v8+s19+$0x0] =	vst.idx.add.s32.msk $0xffff, v3  }
0x1eb: {  	[tilespmem:v8+s20+$0x0] =	vst.idx.add.s32.msk vm1, v3  }
0x1ec: {  	v8 =	vld [tilespmem:$0x6A0];
	_ =	sdelay $0x2  }
0x1ed: {  	vm1 =	vnez.u8 v9;
	_ =	sdelay $0x3  }
0x1ee: {  	v9 =	vld [tilespmem:$0x1FF70]  }
0x1ef: {  	[tilespmem:v8+s19+$0x0] =	vst.idx.add.s32.msk $0xffff, v3  }
0x1f0: {  	[tilespmem:v8+s20+$0x0] =	vst.idx.add.s32.msk vm1, v3  }
0x1f1: {  	v8 =	vld [tilespmem:$0x6B0];
	_ =	sdelay $0x2  }
0x1f2: {  	vm1 =	vnez.u8 v9;
	_ =	sdelay $0x3  }
0x1f3: {  	v9 =	vld [tilespmem:$0x1FF60]  }
0x1f4: {  	[tilespmem:v8+s19+$0x0] =	vst.idx.add.s32.msk $0xffff, v3  }
0x1f5: {  	[tilespmem:v8+s20+$0x0] =	vst.idx.add.s32.msk vm1, v3  }
0x1f6: {  	v8 =	vld [tilespmem:$0x6C0];
	_ =	sdelay $0x2  }
0x1f7: {  	vm1 =	vnez.u8 v9;
	_ =	sdelay $0x3  }
0x1f8: {  	v9 =	vld [tilespmem:$0x1FF50]  }
0x1f9: {  	[tilespmem:v8+s19+$0x0] =	vst.idx.add.s32.msk $0xffff, v3  }
0x1fa: {  	[tilespmem:v8+s20+$0x0] =	vst.idx.add.s32.msk vm1, v3  }
0x1fb: {  	v8 =	vld [tilespmem:$0x6D0];
	_ =	sdelay $0x2  }
0x1fc: {  	vm1 =	vnez.u8 v9;
	_ =	sdelay $0x3  }
0x1fd: {  	v9 =	vld [tilespmem:$0x1FF40]  }
0x1fe: {  	[tilespmem:v8+s19+$0x0] =	vst.idx.add.s32.msk $0xffff, v3  }
0x1ff: {  	[tilespmem:v8+s20+$0x0] =	vst.idx.add.s32.msk vm1, v3  }
0x200: {  	v8 =	vld [tilespmem:$0x6E0];
	_ =	sdelay $0x2  }
0x201: {  	vm1 =	vnez.u8 v9;
	_ =	sdelay $0x3  }
0x202: {  	v9 =	vld [tilespmem:$0x1FF30]  }
0x203: {  	[tilespmem:v8+s19+$0x0] =	vst.idx.add.s32.msk $0xffff, v3  }
0x204: {  	[tilespmem:v8+s20+$0x0] =	vst.idx.add.s32.msk vm1, v3  }
0x205: {  	v8 =	vld [tilespmem:$0x6F0];
	_ =	sdelay $0x2  }
0x206: {  	vm1 =	vnez.u8 v9;
	_ =	sdelay $0x3  }
0x207: {  	v9 =	vld [tilespmem:$0x1FF20]  }
0x208: {  	[tilespmem:v8+s19+$0x0] =	vst.idx.add.s32.msk $0xffff, v3  }
0x209: {  	[tilespmem:v8+s20+$0x0] =	vst.idx.add.s32.msk vm1, v3  }
0x20a: {  	v8 =	vld [tilespmem:$0x700];
	_ =	sdelay $0x2  }
0x20b: {  	vm1 =	vnez.u8 v9;
	_ =	sdelay $0x3  }
0x20c: {  	v9 =	vld [tilespmem:$0x1FF10]  }
0x20d: {  	[tilespmem:v8+s19+$0x0] =	vst.idx.add.s32.msk $0xffff, v3  }
0x20e: {  	[tilespmem:v8+s20+$0x0] =	vst.idx.add.s32.msk vm1, v3  }
0x20f: {  	v8 =	vld [tilespmem:$0x710];
	_ =	sdelay $0x2  }
0x210: {  	vm1 =	vnez.u8 v9;
	_ =	sdelay $0x3  }
0x211: {  	v9 =	vld [tilespmem:$0x1FF00]  }
0x212: {  	[tilespmem:v8+s19+$0x0] =	vst.idx.add.s32.msk $0xffff, v3  }
0x213: {  	[tilespmem:v8+s20+$0x0] =	vst.idx.add.s32.msk vm1, v3  }
0x214: {  	v8 =	vld [tilespmem:$0x720];
	_ =	sdelay $0x2  }
0x215: {  	vm1 =	vnez.u8 v9;
	_ =	sdelay $0x3  }
0x216: {  	v9 =	vld [tilespmem:$0x1FEF0]  }
0x217: {  	[tilespmem:v8+s19+$0x0] =	vst.idx.add.s32.msk $0xffff, v3  }
0x218: {  	[tilespmem:v8+s20+$0x0] =	vst.idx.add.s32.msk vm1, v3  }
0x219: {  	v8 =	vld [tilespmem:$0x730];
	_ =	sdelay $0x2  }
0x21a: {  	vm1 =	vnez.u8 v9;
	_ =	sdelay $0x3  }
0x21b: {  	v9 =	vld [tilespmem:$0x1FEE0]  }
0x21c: {  	[tilespmem:v8+s19+$0x0] =	vst.idx.add.s32.msk $0xffff, v3  }
0x21d: {  	[tilespmem:v8+s20+$0x0] =	vst.idx.add.s32.msk vm1, v3  }
0x21e: {  	v8 =	vld [tilespmem:$0x740];
	_ =	sdelay $0x2  }
0x21f: {  	vm1 =	vnez.u8 v9;
	_ =	sdelay $0x3  }
0x220: {  	v9 =	vld [tilespmem:$0x1FED0]  }
0x221: {  	[tilespmem:v8+s19+$0x0] =	vst.idx.add.s32.msk $0xffff, v3  }
0x222: {  	[tilespmem:v8+s20+$0x0] =	vst.idx.add.s32.msk vm1, v3  }
0x223: {  	v8 =	vld [tilespmem:$0x750];
	_ =	sdelay $0x2  }
0x224: {  	vm1 =	vnez.u8 v9;
	_ =	sdelay $0x3  }
0x225: {  	v9 =	vld [tilespmem:$0x1FEC0]  }
0x226: {  	[tilespmem:v8+s19+$0x0] =	vst.idx.add.s32.msk $0xffff, v3  }
0x227: {  	[tilespmem:v8+s20+$0x0] =	vst.idx.add.s32.msk vm1, v3  }
0x228: {  	v8 =	vld [tilespmem:$0x760];
	_ =	sdelay $0x2  }
0x229: {  	vm1 =	vnez.u8 v9;
	_ =	sdelay $0x3  }
0x22a: {  	v9 =	vld [tilespmem:$0x1FEB0]  }
0x22b: {  	[tilespmem:v8+s19+$0x0] =	vst.idx.add.s32.msk $0xffff, v3  }
0x22c: {  	[tilespmem:v8+s20+$0x0] =	vst.idx.add.s32.msk vm1, v3  }
0x22d: {  	v8 =	vld [tilespmem:$0x770];
	_ =	sdelay $0x2  }
0x22e: {  	vm1 =	vnez.u8 v9;
	_ =	sdelay $0x3  }
0x22f: {  	v9 =	vld [tilespmem:$0x1FEA0]  }
0x230: {  	[tilespmem:v8+s19+$0x0] =	vst.idx.add.s32.msk $0xffff, v3  }
0x231: {  	[tilespmem:v8+s20+$0x0] =	vst.idx.add.s32.msk vm1, v3  }
0x232: {  	v8 =	vld [tilespmem:$0x780];
	_ =	sdelay $0x2  }
0x233: {  	vm1 =	vnez.u8 v9;
	_ =	sdelay $0x3  }
0x234: {  	v9 =	vld [tilespmem:$0x1FE90]  }
0x235: {  	[tilespmem:v8+s19+$0x0] =	vst.idx.add.s32.msk $0xffff, v3  }
0x236: {  	[tilespmem:v8+s20+$0x0] =	vst.idx.add.s32.msk vm1, v3  }
0x237: {  	v8 =	vld [tilespmem:$0x790];
	_ =	sdelay $0x2  }
0x238: {  	vm1 =	vnez.u8 v9;
	_ =	sdelay $0x3  }
0x239: {  	v9 =	vld [tilespmem:$0x1FE80]  }
0x23a: {  	[tilespmem:v8+s19+$0x0] =	vst.idx.add.s32.msk $0xffff, v3  }
0x23b: {  	[tilespmem:v8+s20+$0x0] =	vst.idx.add.s32.msk vm1, v3  }
0x23c: {  	v8 =	vld [tilespmem:$0x7A0];
	_ =	sdelay $0x2  }
0x23d: {  	vm1 =	vnez.u8 v9;
	_ =	sdelay $0x3  }
0x23e: {  	v9 =	vld [tilespmem:$0x1FE70]  }
0x23f: {  	[tilespmem:v8+s19+$0x0] =	vst.idx.add.s32.msk $0xffff, v3  }
0x240: {  	[tilespmem:v8+s20+$0x0] =	vst.idx.add.s32.msk vm1, v3  }
0x241: {  	v8 =	vld [tilespmem:$0x7B0];
	_ =	sdelay $0x2  }
0x242: {  	vm1 =	vnez.u8 v9;
	_ =	sdelay $0x4  }
0x243: {  	[tilespmem:v8+s19+$0x0] =	vst.idx.add.s32.msk $0xffff, v3  }
0x244: {  	[tilespmem:v8+s20+$0x0] =	vst.idx.add.s32.msk vm1, v3  }
0x245: {  	v8 =	vld [tilespmem:$0x7C0];
	_ =	sdelay $0x7  }
0x246: {  	[tilespmem:v8+s19+$0x0] =	vst.idx.add.s32.msk $0xffff, v3  }
0x247: {  	[tilespmem:v8+s20+$0x0] =	vst.idx.add.s32.msk vm0, v3  }
0x248: {  	v8 =	vld [tilespmem:$0x7D0];
	_ =	sdelay $0x7  }
0x249: {  	[tilespmem:v8+s19+$0x0] =	vst.idx.add.s32.msk $0xffff, v3  }
0x24a: {  	[tilespmem:v8+s20+$0x0] =	vst.idx.add.s32.msk vm0, v3  }
0x24b: {  	v8 =	vld [tilespmem:$0x7E0];
	_ =	sdelay $0x7  }
0x24c: {  	[tilespmem:v8+s19+$0x0] =	vst.idx.add.s32.msk $0xffff, v3  }
0x24d: {  	[tilespmem:v8+s20+$0x0] =	vst.idx.add.s32.msk vm0, v3  }
0x24e: {  	v8 =	vld [tilespmem:$0x7F0];
	_ =	sdelay $0x7  }
0x24f: {  	[tilespmem:v8+s19+$0x0] =	vst.idx.add.s32.msk $0xffff, v3  }
0x250: {  	[tilespmem:v8+s20+$0x0] =	vst.idx.add.s32.msk vm0, v3  }
0x251: {  	v11 =	vld [tilespmem:$0x800]  }
0x252: {  	v8 =	vld [tilespmem:$0xC980];
	_ =	sdelay $0x3  }
0x253: {  	vm6 =	veq.s32 v11, $0x0  }
0x254: {  	(xrf0) =	vadd.scan.msk.s32 $0xffff, v8;
	vm7 =	veq.s32 v11, $0x1;
	v9 =	vsel vm6, $0x1, v1  }
0x255: {  	vm4 =	veq.s32 v11, $0x2;
	(xrf0) =	vadd.scan.msk.s32 $0xffff, v9;
	v9 =	vsel vm7, $0x1, v1  }
0x256: {  	vm1 =	veq.s32 v11, $0x3;
	(xrf0) =	vadd.scan.msk.s32 $0xffff, v9;
	v9 =	vsel vm4, $0x1, v1  }
0x257: {  	vm2 =	veq.s32 v11, $0x4;
	(xrf0) =	vadd.scan.msk.s32 $0xffff, v9;
	v9 =	vsel vm1, $0x1, v1  }
0x258: {  	vm3 =	veq.s32 v11, $0x5;
	(xrf0) =	vadd.scan.msk.s32 $0xffff, v9;
	v9 =	vsel vm2, $0x1, v1  }
0x259: {  	v12 =	vld [tilespmem:$0xC900];
	vm5 =	veq.s32 v11, $0x6;
	(xrf0) =	vadd.scan.msk.s32 $0xffff, v9;
	v9 =	vsel vm3, $0x1, v1  }
0x25a: {  	vm8 =	veq.s32 v11, $0x7;
	v10, _, _ =	vpop (xrf0);
	(xrf0) =	vadd.scan.msk.s32 $0xffff, v9;
	v9 =	vsel vm5, $0x1, v1  }
0x25b: {  	v13, _, _ =	vpop (xrf0);
	(xrf0) =	vadd.scan.msk.s32 $0xffff, v9;
	v9 =	vsel vm8, $0x1, v1  }
0x25c: {  	v13 =	vadd.s32 $0xFFFFFFFF, v13;
	v14, _, _ =	vpop (xrf0);
	(xrf0) =	vadd.scan.msk.s32 $0xffff, v9  }
0x25d: {  	v9 =	vsub.s32 v10, v8;
	v13 =	vnsel vm6, $0x0, v13;
	v14 =	vadd.s32 $0xFFFFFFFF, v14;
	v15, _, _ =	vpop (xrf0)  }
0x25e: {  	v12 =	vadd.s32 v12, v9;
	v13 =	vsel vm7, v14, v13;
	v30 =	vadd.s32 $0xFFFFFFFF, v15;
	v31, _, _ =	vpop (xrf0)  }
0x25f: {  	[tilespmem:$0xCA00] =	vst v12;
	v32 =	vsel vm4, v30, v13;
	v33 =	vadd.s32 $0xFFFFFFFF, v31;
	v34, _, _ =	vpop (xrf0)  }
0x260: {  	v35 =	vld.idx.msk [tilespmem:v11+s21+$0x0], $0xffff;
	v12 =	vsel vm1, v33, v32;
	v36 =	vadd.s32 $0xFFFFFFFF, v34;
	v37, _, _ =	vpop (xrf0)  }
0x261: {  	v12 =	vsel vm2, v36, v12;
	v38 =	vadd.s32 $0xFFFFFFFF, v37;
	v39, _, _ =	vpop (xrf0)  }
0x262: {  	v12 =	vsel vm3, v38, v12;
	v40 =	vadd.s32 $0xFFFFFFFF, v39;
	v41, _, _ =	vpop (xrf0)  }
0x263: {  	v12 =	vsel vm5, v40, v12;
	v42 =	vadd.s32 $0xFFFFFFFF, v41  }
0x264: {  	v12 =	vsel vm8, v42, v12  }
0x265: {  	v12 =	vadd.s32 v35, v12  }
0x266: {  	[tilespmem:$0xC880] =	vst v12  }
0x267: {  	[tilespmem:v11+s21+$0x0] =	vst.idx.add.s32.msk $0xffff, v3  }
0x268: {  	v11 =	vld [tilespmem:$0x810];
	_ =	sdelay $0x4  }
0x269: {  	vm1 =	veq.s32 v11, $0x0  }
0x26a: {  	vm2 =	veq.s32 v11, $0x1;
	v43 =	vsel vm1, $0x1, v1  }
0x26b: {  	vm3 =	veq.s32 v11, $0x2;
	v44 =	vsel vm2, $0x1, v1;
	(xrf0) =	vadd.scan.msk.s32 $0xffff, v43  }
0x26c: {  	vm4 =	veq.s32 v11, $0x3;
	v45 =	vsel vm3, $0x1, v1;
	(xrf0) =	vadd.scan.msk.s32 $0xffff, v44  }
0x26d: {  	vm5 =	veq.s32 v11, $0x4;
	v46 =	vsel vm4, $0x1, v1;
	(xrf0) =	vadd.scan.msk.s32 $0xffff, v45  }
0x26e: {  	vm6 =	veq.s32 v11, $0x5;
	v47 =	vsel vm5, $0x1, v1;
	(xrf0) =	vadd.scan.msk.s32 $0xffff, v46  }
0x26f: {  	vm7 =	veq.s32 v11, $0x6;
	v48 =	vsel vm6, $0x1, v1;
	(xrf0) =	vadd.scan.msk.s32 $0xffff, v47  }
0x270: {  	vm8 =	veq.s32 v11, $0x7;
	v49 =	vsel vm7, $0x1, v1;
	(xrf0) =	vadd.scan.msk.s32 $0xffff, v48  }
0x271: {  	v51 =	vsel vm8, $0x1, v1;
	v50, _, _ =	vpop (xrf0);
	(xrf0) =	vadd.scan.msk.s32 $0xffff, v49  }
0x272: {  	v13 =	vadd.s32 $0xFFFFFFFF, v50;
	(xrf0) =	vadd.scan.msk.s32 $0xffff, v51;
	v52, _, _ =	vpop (xrf0)  }
0x273: {  	v13 =	vnsel vm1, $0x0, v13;
	v12 =	vadd.s32 $0xFFFFFFFF, v52;
	v53, _, _ =	vpop (xrf0)  }
0x274: {  	v12 =	vsel vm2, v12, v13;
	v54 =	vadd.s32 $0xFFFFFFFF, v53;
	v55, _, _ =	vpop (xrf0)  }
0x275: {  	v12 =	vsel vm3, v54, v12;
	v56 =	vadd.s32 $0xFFFFFFFF, v55;
	v57, _, _ =	vpop (xrf0)  }
0x276: {  	v58 =	vld.idx.msk [tilespmem:v11+s21+$0x0], $0xffff;
	v12 =	vsel vm4, v56, v12;
	v59 =	vadd.s32 $0xFFFFFFFF, v57;
	v60, _, _ =	vpop (xrf0)  }
0x277: {  	v12 =	vsel vm5, v59, v12;
	v61 =	vadd.s32 $0xFFFFFFFF, v60;
	v62, _, _ =	vpop (xrf0)  }
0x278: {  	v12 =	vsel vm6, v61, v12;
	v63 =	vadd.s32 $0xFFFFFFFF, v62;
	v16, _, _ =	vpop (xrf0)  }
0x279: {  	v12 =	vsel vm7, v63, v12;
	v17 =	vadd.s32 $0xFFFFFFFF, v16  }
0x27a: {  	v12 =	vsel vm8, v17, v12  }
0x27b: {  	v12 =	vadd.s32 v58, v12  }
0x27c: {  	[tilespmem:$0xC890] =	vst v12  }
0x27d: {  	[tilespmem:v11+s21+$0x0] =	vst.idx.add.s32.msk $0xffff, v3  }
0x27e: {  	v11 =	vld [tilespmem:$0x820];
	_ =	sdelay $0x4  }
0x27f: {  	vm1 =	veq.s32 v11, $0x0  }
0x280: {  	vm2 =	veq.s32 v11, $0x1;
	v18 =	vsel vm1, $0x1, v1  }
0x281: {  	vm3 =	veq.s32 v11, $0x2;
	v19 =	vsel vm2, $0x1, v1;
	(xrf0) =	vadd.scan.msk.s32 $0xffff, v18  }
0x282: {  	vm4 =	veq.s32 v11, $0x3;
	v20 =	vsel vm3, $0x1, v1;
	(xrf0) =	vadd.scan.msk.s32 $0xffff, v19  }
0x283: {  	vm5 =	veq.s32 v11, $0x4;
	v21 =	vsel vm4, $0x1, v1;
	(xrf0) =	vadd.scan.msk.s32 $0xffff, v20  }
0x284: {  	vm6 =	veq.s32 v11, $0x5;
	v22 =	vsel vm5, $0x1, v1;
	(xrf0) =	vadd.scan.msk.s32 $0xffff, v21  }
0x285: {  	vm7 =	veq.s32 v11, $0x6;
	v23 =	vsel vm6, $0x1, v1;
	(xrf0) =	vadd.scan.msk.s32 $0xffff, v22  }
0x286: {  	vm8 =	veq.s32 v11, $0x7;
	v24 =	vsel vm7, $0x1, v1;
	(xrf0) =	vadd.scan.msk.s32 $0xffff, v23  }
0x287: {  	v26 =	vsel vm8, $0x1, v1;
	v25, _, _ =	vpop (xrf0);
	(xrf0) =	vadd.scan.msk.s32 $0xffff, v24  }
0x288: {  	v13 =	vadd.s32 $0xFFFFFFFF, v25;
	(xrf0) =	vadd.scan.msk.s32 $0xffff, v26;
	v27, _, _ =	vpop (xrf0)  }
0x289: {  	v13 =	vnsel vm1, $0x0, v13;
	v12 =	vadd.s32 $0xFFFFFFFF, v27;
	v28, _, _ =	vpop (xrf0)  }
0x28a: {  	v12 =	vsel vm2, v12, v13;
	v29 =	vadd.s32 $0xFFFFFFFF, v28;
	v30, _, _ =	vpop (xrf0)  }
0x28b: {  	v12 =	vsel vm3, v29, v12;
	v31 =	vadd.s32 $0xFFFFFFFF, v30;
	v32, _, _ =	vpop (xrf0)  }
0x28c: {  	v33 =	vld.idx.msk [tilespmem:v11+s21+$0x0], $0xffff;
	v12 =	vsel vm4, v31, v12;
	v34 =	vadd.s32 $0xFFFFFFFF, v32;
	v35, _, _ =	vpop (xrf0)  }
0x28d: {  	v12 =	vsel vm5, v34, v12;
	v36 =	vadd.s32 $0xFFFFFFFF, v35;
	v37, _, _ =	vpop (xrf0)  }
0x28e: {  	v12 =	vsel vm6, v36, v12;
	v38 =	vadd.s32 $0xFFFFFFFF, v37;
	v39, _, _ =	vpop (xrf0)  }
0x28f: {  	v12 =	vsel vm7, v38, v12;
	v40 =	vadd.s32 $0xFFFFFFFF, v39  }
0x290: {  	v12 =	vsel vm8, v40, v12  }
0x291: {  	v12 =	vadd.s32 v33, v12  }
0x292: {  	[tilespmem:$0xC8A0] =	vst v12  }
0x293: {  	[tilespmem:v11+s21+$0x0] =	vst.idx.add.s32.msk $0xffff, v3  }
0x294: {  	v11 =	vld [tilespmem:$0x830];
	_ =	sdelay $0x4  }
0x295: {  	vm1 =	veq.s32 v11, $0x0  }
0x296: {  	vm2 =	veq.s32 v11, $0x1;
	v41 =	vsel vm1, $0x1, v1  }
0x297: {  	vm3 =	veq.s32 v11, $0x2;
	v42 =	vsel vm2, $0x1, v1;
	(xrf0) =	vadd.scan.msk.s32 $0xffff, v41  }
0x298: {  	vm4 =	veq.s32 v11, $0x3;
	v43 =	vsel vm3, $0x1, v1;
	(xrf0) =	vadd.scan.msk.s32 $0xffff, v42  }
0x299: {  	vm5 =	veq.s32 v11, $0x4;
	v44 =	vsel vm4, $0x1, v1;
	(xrf0) =	vadd.scan.msk.s32 $0xffff, v43  }
0x29a: {  	vm6 =	veq.s32 v11, $0x5;
	v45 =	vsel vm5, $0x1, v1;
	(xrf0) =	vadd.scan.msk.s32 $0xffff, v44  }
0x29b: {  	vm7 =	veq.s32 v11, $0x6;
	v46 =	vsel vm6, $0x1, v1;
	(xrf0) =	vadd.scan.msk.s32 $0xffff, v45  }
0x29c: {  	vm8 =	veq.s32 v11, $0x7;
	v47 =	vsel vm7, $0x1, v1;
	(xrf0) =	vadd.scan.msk.s32 $0xffff, v46  }
0x29d: {  	v49 =	vsel vm8, $0x1, v1;
	v48, _, _ =	vpop (xrf0);
	(xrf0) =	vadd.scan.msk.s32 $0xffff, v47  }
0x29e: {  	(xrf0) =	vadd.scan.msk.s32 $0xffff, v49;
	v50, _, _ =	vpop (xrf0);
	v13 =	vadd.s32 $0xFFFFFFFF, v48  }
0x29f: {  	v13 =	vnsel vm1, $0x0, v13;
	v51, _, _ =	vpop (xrf0);
	v12 =	vadd.s32 $0xFFFFFFFF, v50  }
0x2a0: {  	v12 =	vsel vm2, v12, v13;
	v52, _, _ =	vpop (xrf0);
	v14 =	vadd.s32 $0xFFFFFFFF, v51  }
0x2a1: {  	v12 =	vsel vm3, v14, v12;
	v53, _, _ =	vpop (xrf0);
	v13 =	vadd.s32 $0xFFFFFFFF, v52  }
0x2a2: {  	v55 =	vld.idx.msk [tilespmem:v11+s21+$0x0], $0xffff;
	v12 =	vsel vm4, v13, v12;
	v54, _, _ =	vpop (xrf0);
	v14 =	vadd.s32 $0xFFFFFFFF, v53  }
0x2a3: {  	v12 =	vsel vm5, v14, v12;
	v56, _, _ =	vpop (xrf0);
	v13 =	vadd.s32 $0xFFFFFFFF, v54  }
0x2a4: {  	v12 =	vsel vm6, v13, v12;
	v57 =	vadd.s32 $0xFFFFFFFF, v56;
	v58, _, _ =	vpop (xrf0)  }
0x2a5: {  	v12 =	vsel vm7, v57, v12;
	v59 =	vadd.s32 $0xFFFFFFFF, v58  }
0x2a6: {  	v12 =	vsel vm8, v59, v12  }
0x2a7: {  	v12 =	vadd.s32 v55, v12  }
0x2a8: {  	[tilespmem:$0xC8B0] =	vst v12  }
0x2a9: {  	[tilespmem:v11+s21+$0x0] =	vst.idx.add.s32.msk $0xffff, v3  }
0x2aa: {  	[hbm4b:s12+s9] =	stream.linear.scatter [tilespmem:s5], [sflag:$0x1], $0x40, $0x38;
	[tilespmem:$0xCD80] =	vst v63  }
0x2ab: {  	_ =	swait.ge [sflag:s23], $0xC000  }
0x2ac: {  	[sflag:s23] =	ssyncset.done $0x0  }
0x2ad: {  	[sflag:s23] =	ssyncadd.s32 $0xFFFF4000  }
0x2ae: {  	v11 =	vld [tilespmem:$0xC880];
	_ =	sdelay $0x4  }
0x2af: {  	v60 =	vshrl.u32 v11, $0x3  }
0x2b0: {  	v12 =	vmul.u32 $0x30, v60  }
0x2b1: {  	v11 =	vand.u32 $0x7, v11  }
0x2b2: {  	v11 =	vor.u32 v11, v12  }
0x2b3: {  	v12 =	vperm.xlane v11, v4;
	_ =	sdelay $0x1  }
0x2b4: {  	v12 =	vadd.s32 v5, v12;
	_ =	sdelay $0x3  }
0x2b5: {  	vm1 =	vmmov $0xffff;
	v11 =	vperm.xlane v11, v6  }
0x2b6: {  	[hbm4b:s1+s9] =	stream.indirect_vreg.scatter [tilespmem:s16], [sflag:$0x2], $0x80, v12, vm1, $0xb8;
	[tilespmem:$0xCD80] =	vst v63  }
0x2b7: {  	s7 =	simm.s32 $0x1080;
	v11 =	vadd.s32 v5, v11  }
0x2b8: {  	[hbm4b:s13+s9] =	stream.indirect_vreg.scatter [tilespmem:s7], [sflag:$0x2], $0x80, v12, vm1, $0xb8;
	[tilespmem:$0xCD80] =	vst v63  }
0x2b9: {  	s7 =	simm.s32 $0x1880  }
0x2ba: {  	[hbm4b:s14+s9] =	stream.indirect_vreg.scatter [tilespmem:s7], [sflag:$0x2], $0x80, v12, vm1, $0xb8;
	[tilespmem:$0xCD80] =	vst v63  }
0x2bb: {  	s7 =	simm.s32 $0x2080  }
0x2bc: {  	[hbm4b:s1+s9] =	stream.indirect_vreg.scatter [tilespmem:s7], [sflag:$0x2], $0x80, v11, vm1, $0xb8;
	[tilespmem:$0xCD80] =	vst v63  }
0x2bd: {  	s7 =	simm.s32 $0x2880  }
0x2be: {  	[hbm4b:s13+s9] =	stream.indirect_vreg.scatter [tilespmem:s7], [sflag:$0x2], $0x80, v11, vm1, $0xb8;
	[tilespmem:$0xCD80] =	vst v63  }
0x2bf: {  	s7 =	simm.s32 $0x3080  }
0x2c0: {  	[hbm4b:s14+s9] =	stream.indirect_vreg.scatter [tilespmem:s7], [sflag:$0x2], $0x80, v11, vm1, $0xb8;
	[tilespmem:$0xCD80] =	vst v63  }
0x2c1: {  	v11 =	vld [tilespmem:$0xC890];
	_ =	sdelay $0x4  }
0x2c2: {  	v61 =	vshrl.u32 v11, $0x3  }
0x2c3: {  	v12 =	vmul.u32 $0x30, v61  }
0x2c4: {  	v11 =	vand.u32 $0x7, v11  }
0x2c5: {  	v11 =	vor.u32 v11, v12  }
0x2c6: {  	v12 =	vperm.xlane v11, v4;
	_ =	sdelay $0x1  }
0x2c7: {  	v12 =	vadd.s32 v5, v12;
	_ =	sdelay $0x3  }
0x2c8: {  	s7 =	simm.s32 $0x3880;
	v11 =	vperm.xlane v11, v6  }
0x2c9: {  	[hbm4b:s1+s9] =	stream.indirect_vreg.scatter [tilespmem:s7], [sflag:$0x2], $0x80, v12, vm1, $0xb8;
	[tilespmem:$0xCD80] =	vst v63  }
0x2ca: {  	v11 =	vadd.s32 v5, v11;
	s7 =	simm.s32 $0x4080  }
0x2cb: {  	[hbm4b:s13+s9] =	stream.indirect_vreg.scatter [tilespmem:s7], [sflag:$0x2], $0x80, v12, vm1, $0xb8;
	[tilespmem:$0xCD80] =	vst v63  }
0x2cc: {  	s7 =	simm.s32 $0x4880  }
0x2cd: {  	[hbm4b:s14+s9] =	stream.indirect_vreg.scatter [tilespmem:s7], [sflag:$0x2], $0x80, v12, vm1, $0xb8;
	[tilespmem:$0xCD80] =	vst v63  }
0x2ce: {  	s7 =	simm.s32 $0x5080  }
0x2cf: {  	[hbm4b:s1+s9] =	stream.indirect_vreg.scatter [tilespmem:s7], [sflag:$0x2], $0x80, v11, vm1, $0xb8;
	[tilespmem:$0xCD80] =	vst v63  }
0x2d0: {  	s7 =	simm.s32 $0x5880  }
0x2d1: {  	[hbm4b:s13+s9] =	stream.indirect_vreg.scatter [tilespmem:s7], [sflag:$0x2], $0x80, v11, vm1, $0xb8;
	[tilespmem:$0xCD80] =	vst v63  }
0x2d2: {  	s7 =	simm.s32 $0x6080  }
0x2d3: {  	[hbm4b:s14+s9] =	stream.indirect_vreg.scatter [tilespmem:s7], [sflag:$0x2], $0x80, v11, vm1, $0xb8;
	[tilespmem:$0xCD80] =	vst v63  }
0x2d4: {  	v11 =	vld [tilespmem:$0xC8A0];
	_ =	sdelay $0x4  }
0x2d5: {  	v62 =	vshrl.u32 v11, $0x3  }
0x2d6: {  	v12 =	vmul.u32 $0x30, v62  }
0x2d7: {  	v11 =	vand.u32 $0x7, v11  }
0x2d8: {  	v11 =	vor.u32 v11, v12  }
0x2d9: {  	v12 =	vperm.xlane v11, v4;
	_ =	sdelay $0x1  }
0x2da: {  	v12 =	vadd.s32 v5, v12;
	_ =	sdelay $0x3  }
0x2db: {  	s7 =	simm.s32 $0x6880;
	v11 =	vperm.xlane v11, v6  }
0x2dc: {  	[hbm4b:s1+s9] =	stream.indirect_vreg.scatter [tilespmem:s7], [sflag:$0x2], $0x80, v12, vm1, $0xb8;
	[tilespmem:$0xCD80] =	vst v63  }
0x2dd: {  	v11 =	vadd.s32 v5, v11;
	s7 =	simm.s32 $0x7080  }
0x2de: {  	[hbm4b:s13+s9] =	stream.indirect_vreg.scatter [tilespmem:s7], [sflag:$0x2], $0x80, v12, vm1, $0xb8;
	[tilespmem:$0xCD80] =	vst v63  }
0x2df: {  	_ = 	snop  }
0x2e0: {  	[hbm4b:s14+s9] =	stream.indirect_vreg.scatter [tilespmem:s8], [sflag:$0x2], $0x80, v12, vm1, $0xb8;
	[tilespmem:$0xCD80] =	vst v63  }
0x2e1: {  	_ = 	snop  }
0x2e2: {  	[hbm4b:s1+s9] =	stream.indirect_vreg.scatter [tilespmem:s0], [sflag:$0x2], $0x80, v11, vm1, $0xb8;
	[tilespmem:$0xCD80] =	vst v63  }
0x2e3: {  	_ = 	snop  }
0x2e4: {  	[hbm4b:s13+s9] =	stream.indirect_vreg.scatter [tilespmem:s18], [sflag:$0x2], $0x80, v11, vm1, $0xb8;
	[tilespmem:$0xCD80] =	vst v63  }
0x2e5: {  	_ = 	snop  }
0x2e6: {  	[hbm4b:s14+s9] =	stream.indirect_vreg.scatter [tilespmem:s22], [sflag:$0x2], $0x80, v11, vm1, $0xb8;
	[tilespmem:$0xCD80] =	vst v63  }
0x2e7: {  	v11 =	vld [tilespmem:$0xC8B0];
	_ =	sdelay $0x4  }
0x2e8: {  	v63 =	vshrl.u32 v11, $0x3  }
0x2e9: {  	v12 =	vmul.u32 $0x30, v63  }
0x2ea: {  	v11 =	vand.u32 $0x7, v11  }
0x2eb: {  	v11 =	vor.u32 v11, v12  }
0x2ec: {  	v12 =	vperm.xlane v11, v4;
	_ =	sdelay $0x1  }
0x2ed: {  	v12 =	vadd.s32 v5, v12;
	_ =	sdelay $0x3  }
0x2ee: {  	v11 =	vperm.xlane v11, v6  }
0x2ef: {  	[hbm4b:s1+s9] =	stream.indirect_vreg.scatter [tilespmem:s24], [sflag:$0x2], $0x80, v12, vm1, $0xb8;
	[tilespmem:$0xCD80] =	vst v63  }
0x2f0: {  	v11 =	vadd.s32 v5, v11  }
0x2f1: {  	[hbm4b:s13+s9] =	stream.indirect_vreg.scatter [tilespmem:s25], [sflag:$0x2], $0x80, v12, vm1, $0xb8;
	[tilespmem:$0xCD80] =	vst v63  }
0x2f2: {  	_ = 	snop  }
0x2f3: {  	[hbm4b:s14+s9] =	stream.indirect_vreg.scatter [tilespmem:s26], [sflag:$0x2], $0x80, v12, vm1, $0xb8;
	[tilespmem:$0xCD80] =	vst v63  }
0x2f4: {  	_ = 	snop  }
0x2f5: {  	[hbm4b:s1+s9] =	stream.indirect_vreg.scatter [tilespmem:s28], [sflag:$0x2], $0x80, v11, vm1, $0xb8;
	[tilespmem:$0xCD80] =	vst v63  }
0x2f6: {  	_ = 	snop  }
0x2f7: {  	[hbm4b:s13+s9] =	stream.indirect_vreg.scatter [tilespmem:s29], [sflag:$0x2], $0x80, v11, vm1, $0xb8;
	[tilespmem:$0xCD80] =	vst v63  }
0x2f8: {  	_ = 	snop  }
0x2f9: {  	[hbm4b:s14+s9] =	stream.indirect_vreg.scatter [tilespmem:s30], [sflag:$0x2], $0x80, v11, vm1, $0xb8;
	[tilespmem:$0xCD80] =	vst v63  }
0x2fa: {  	_ =	swait.ge [sflag:s31], $0x40  }
.Ltmp2:
0x2fb: {  	[sflag:s31] =	ssyncset.done $0x0;
	(pc) =	sbr.rel @p0 .LBB2_3-.Ltmp2, $4  }
0x2fc: {  	[sflag:s31] =	ssyncadd.s32 $0xFFFFFFC0  }
0x2fd: {  	_ =	swait.ge [sflag:s23], $0xC000  }
0x2fe: {  	[sflag:s23] =	ssyncset.done $0x0  }
0x2ff: {  	[sflag:s23] =	ssyncadd.s32 $0xFFFF4000  }
0x300: {  	_ =	sdelay $0x2  }
0x301: {  	[tilespmem:$0xCA80] =	vst v9  }
0x302: {  	v11 =	vld.idx.msk [tilespmem:v7+s6+$0x0], $0xffff;
	_ =	sdelay $0x3  }
0x303: {  	v12 =	vshra.s32 v9, $0x1F;
	vm1 =	vne.s32 v10, v8;
	v49 =	vand.u32 $0xFF, v9  }
0x304: {  	v13 =	vshrl.u32 v12, $0x18;
	v10 =	vsel vm1, $0x1, v1;
	vm1 =	vgt.s32 v11, $0x1  }
0x305: {  	vm2 =	vne.s32 v49, $0x0;
	v10 =	vor.u32 v10, v12;
	v50 =	vnsel vm1, $0x1, v11  }
0x306: {  	v8 =	vadd.s32 v13, v9;
	vm1 =	vne.s32 v10, $0x1;
	v51 =	vadd.s32 $0xFFFFFFFF, v50  }
0x307: {  	v8 =	vshra.s32 v8, $0x8;
	vm1 =	vmand vm2, vm1;
	v52 =	vand.u32 $0xFF, v51  }
0x308: {  	v53 =	vsel vm1, $0xFFFFFFFF, v1;
	vm1 =	vlt.s32 v11, $0x2;
	vm2 =	vne.s32 v52, $0x0  }
0x309: {  	v10 =	vshrl.u32 v51, $0x8;
	v8 =	vadd.s32 v53, v8;
	vm1 =	vmand vm1, vm2  }
0x30a: {  	v10 =	vsub.s32 v10, v8;
	v54 =	vsel vm1, $0xFFFFFFFF, v1  }
0x30b: {  	vm2 =	vmmov $0xff;
	vm1 =	vgt.s32 v11, v9;
	v55 =	vadd.s32 v54, v10  }
0x30c: {  	vm1 =	vmand vm1, vm2;
	v9 =	vadd.s32 $0x1, v55  }
0x30d: {  	v9 =	vnsel vm1, $0x0, v9  }
0x30e: {  	(xrf0) =	vadd.scan.msk.s32 $0xffff, v9;
	_ =	sdelay $0x5  }
0x30f: {  	v56, _, _ =	vpop (xrf0)  }
0x310: {  	v9 =	vsub.s32 v56, v9;
	_ =	sdelay $0x1  }
0x311: {  	[tilespmem:$0xCD00] =	vst v1  }
0x312: {  	[tilespmem:$0xCB00] =	vst v8  }
0x313: {  	[tilespmem:$0xCB80] =	vst v9  }
0x314: {  	[tilespmem:v9+s3+$0x0] =	vst.idx.add.s32.msk $0xff, v3  }
0x315: {  	v8 =	vld [tilespmem:$0xCD00];
	_ =	sdelay $0x4  }
0x316: {  	(xrf0) =	vadd.scan.msk.s32 $0xffff, v8;
	v8 =	vxor.u32 $0x80000000, v56  }
0x317: {  	(xrf0) =	vmax.scan.msk.u32 $0xffff, v8;
	_ =	sdelay $0x4  }
0x318: {  	v8, _, _ =	vpop (xrf0)  }
0x319: {  	v57, _, _ =	vpop (xrf0)  }
0x31a: {  	(v2sf) =	vpush v57, $0xF;
	_ =	sdelay $0xb  }
0x31b: {  	v8 =	vadd.s32 $0xFFFFFFFF, v8;
	_ =	sdelay $0x2  }
0x31c: {  	s5 =	smov.u32 s2;
	s2 =	spop (v2sf)  }
0x31d: {  	s7 =	simm.s32 $0xCB00;
	s4 =	sadd.s32 $0x7FFFFFFF, s2  }
0x31e: {  	v58 =	vld.idx.msk [tilespmem:v8+s7+$0x0], $0xffff;
	s7 =	simm.s32 $0xCB80;
	p1 =	sgt.s32 s4, $0x0  }
0x31f: {  	v59 =	vld.idx.msk [tilespmem:v8+s7+$0x0], $0xffff;
	s4 =	simm.s32 @!p1 $0x0  }
0x320: {  	v60 =	vmov s4  }
0x321: {  	v11 =	vbroadcast v60, $0x0;
	_ =	sdelay $0x2  }
0x322: {  	v9 =	vsub.s32 v58, v59  }
0x323: {  	[tilespmem:$0xCC00] =	vst v8;
	v9 =	vadd.s32 v2, v9  }
0x324: {  	s7 =	simm.s32 $0xCC00;
	[tilespmem:$0xCC80] =	vst v9  }
0x325: {  	v61 =	vld.idx.msk [tilespmem:v11+s7+$0x0], $0xffff;
	_ =	sdelay $0x1  }
0x326: {  	s2 =	sxor.u32 $0x80000000, s2  }
0x327: {  	v62 =	vmov s2  }
0x328: {  	vm1 =	vgt.s32 v62, v2  }
0x329: {  	v8 =	vsel vm1, v8, v61  }
0x32a: {  	v10 =	vadd.s32 $0x1, v8;
	_ =	sdelay $0x1  }
0x32b: {  	s7 =	simm.s32 $0xCC80  }
0x32c: {  	v11 =	vld.idx.msk [tilespmem:v11+s7+$0x0], $0xffff  }
0x32d: {  	v63 =	vld.idx.msk [tilespmem:v8+s6+$0x0], $0xffff  }
0x32e: {  	s7 =	rddreg [dreg:$0x4];
	v10 =	vld.idx.msk [tilespmem:v10+s6+$0x0], $0xffff;
	[tilespmem:$0xCD00] =	vst v8  }
0x32f: {  	[hbm4b:s7+s9] =	stream.linear.scatter [tilespmem:s3], [sflag:$0x3], $0x80, $0x38;
	[tilespmem:$0xCD80] =	vst v63  }
0x330: {  	_ =	swait.ge [sflag:s17], $0x80  }
0x331: {  	[sflag:s17] =	ssyncset.done $0x0  }
0x332: {  	v8 =	vsel vm1, v9, v11;
	[sflag:s17] =	ssyncadd.s32 $0xFFFFFF80  }
0x333: {  	[tilespmem:$0xCD00] =	vst v8;
	s7 =	rddreg [dreg:$0x5]  }
0x334: {  	[hbm4b:s7+s9] =	stream.linear.scatter [tilespmem:s3], [sflag:$0x3], $0x80, $0x38;
	[tilespmem:$0xCD80] =	vst v63  }
0x335: {  	_ =	swait.ge [sflag:s17], $0x80  }
0x336: {  	[sflag:s17] =	ssyncset.done $0x0  }
0x337: {  	v8 =	vsel vm1, $0x1, v1;
	[sflag:s17] =	ssyncadd.s32 $0xFFFFFF80  }
0x338: {  	[tilespmem:$0xCD00] =	vst v8;
	s7 =	rddreg [dreg:$0x6]  }
0x339: {  	[hbm4b:s7+s9] =	stream.linear.scatter [tilespmem:s3], [sflag:$0x3], $0x80, $0x38;
	[tilespmem:$0xCD80] =	vst v63  }
0x33a: {  	_ =	swait.ge [sflag:s17], $0x80  }
0x33b: {  	[sflag:s17] =	ssyncset.done $0x0  }
0x33c: {  	[sflag:s17] =	ssyncadd.s32 $0xFFFFFF80  }
0x33d: {  	[tilespmem:$0xCD00] =	vst v63;
	s7 =	rddreg [dreg:$0x7]  }
0x33e: {  	[hbm4b:s7+s9] =	stream.linear.scatter [tilespmem:s3], [sflag:$0x3], $0x80, $0x38;
	[tilespmem:$0xCD80] =	vst v63  }
0x33f: {  	_ =	swait.ge [sflag:s17], $0x80  }
0x340: {  	[sflag:s17] =	ssyncset.done $0x0  }
0x341: {  	[sflag:s17] =	ssyncadd.s32 $0xFFFFFF80  }
.Ltmp3:
0x342: {  	[tilespmem:$0xCD00] =	vst v10;
	s7 =	rddreg [dreg:$0x8];
	(pc) =	sbr.rel .LBB2_3-.Ltmp3, $4  }
0x343: {  	[hbm4b:s7+s9] =	stream.linear.scatter [tilespmem:s3], [sflag:$0x3], $0x80, $0x38;
	[tilespmem:$0xCD80] =	vst v63  }
0x344: {  	_ =	swait.ge [sflag:s17], $0x80  }
0x345: {  	s2 =	smov.u32 s5;
	[sflag:s17] =	ssyncset.done $0x0  }
0x346: {  	s5 =	simm.s32 $0xC880;
	s4 =	simm.s32 $0x800;
	[sflag:s17] =	ssyncadd.s32 $0xFFFFFF80  }
.LBB2_4:
0x347: {  	_ =	sfence.sel $0x180000  }
0x348: {  	[bflag:$0x0] =	sbarrier.arrive $0xFFFF  }
0x349: {  	_ =	strace $0x90000047  }
0x34a: {  	s0 =	stileid.u32;
	[bflag:$0x2] =	sbarrier.arrive $0xFFFF  }
0x34b: {  	p0 =	sne.s32 s0, $0x0;
	s0 =	rddreg [dreg:$0x9]  }
0x34c: {  	s0 =	sadd.s32 @!p0 $0x100000, s0  }
0x34d: {  	[sflag:s0] =	ssyncadd.tile.s32 @!p0 $0x1;
	_ =	shalt  }
.Lfunc_end2:
_tile_overlayer_lowered:
.L_overlay_start_2:
0x34e: {  	(tag) =	ssettag $0x2  }
0x34f: {  	s0 =	rddreg [dreg:$0x0];
	s2 =	stileid.u32  }
0x350: {  	s1 =	rddreg [dreg:$0x1];
	p0 =	sne.s32 s2, $0x0  }
0x351: {  	s3 =	rddreg [dreg:$0x2];
	[bflag:$0x3] =	sbarrier.arrive $0xFFFF;
	s2 =	simm.s32 @!p0 $0x1C03  }
0x352: {  	[timem:s3], [sflag:s2] =	dma.local @!p0 [hbm:s0], s1  }
0x353: {  	s0 =	simm.s32 @!p0 $0x3  }
0x354: {  	_ =	swait.ge @!p0 [sflag:s0], s1  }
0x355: {  	s1 =	ssub.s32 @!p0 $0x0, s1;
	[sflag:s0] =	ssyncset.done @!p0 $0x0  }
0x356: {  	[sflag:s0] =	ssyncadd.s32 @!p0 s1  }
0x357: {  	[bflag:$0x3] =	sbarrier.arrive $0xFFFF  }
0x358: {  	_ =	shalt  }

</sc_bundles>
